<compile_context>
chip_gen: v7x
topology: tpu7x:2x2x1
jax: 0.10.2.dev20260603
libtpu: 0.0.44.dev20260713+nightly
codegen_flags: <defaults>
</compile_context>

<pallas_src>
import functools

import jax
import jax.numpy as jnp
from jax import lax
from jax.experimental import pallas as pl
from jax.experimental.pallas import tpu as pltpu
from jax.experimental.pallas import tpu_sc as plsc

NC, NS = 2, 16
NW = NC * NS
CHUNK = 128
RB = 1024
TB = 128


def _round_up(a, b):
    return (a + b - 1) // b * b



@functools.lru_cache(maxsize=None)
def _row_pass(NP, CH, D):
    mesh = plsc.VectorSubcoreMesh(core_axis_name="c", subcore_axis_name="s")
    rpt = NP // NS

    @functools.partial(
        pl.kernel, mesh=mesh,
        out_type=jax.ShapeDtypeStruct((NC, NP, D), jnp.float32),
        scratch_types=[
            pltpu.VMEM((CH, CHUNK), jnp.int32),
            pltpu.VMEM((CH, CHUNK), jnp.int32),
            pltpu.VMEM((CHUNK, D), jnp.float32),
            pltpu.VMEM_SHARED((NP, D), jnp.float32),
            pltpu.SemaphoreType.DMA,
        ],
    )
    def rowpass(g_hbm, src_hbm, dst_hbm, zeros_hbm, out_hbm,
                src_v, dst_v, rows_v, acc_sh, sem):
        c = lax.axis_index("c")
        s = lax.axis_index("s")
        w = c * NS + s
        r0 = s * rpt
        pltpu.sync_copy(zeros_hbm.at[pl.ds(r0, rpt)], acc_sh.at[pl.ds(r0, rpt)])
        pltpu.sync_copy(src_hbm.at[w], src_v)
        pltpu.sync_copy(dst_hbm.at[w], dst_v)
        plsc.subcore_barrier()
        pl.delay(2000)

        def chunk(j, carry):
            pltpu.async_copy(g_hbm.at[src_v.at[j]], rows_v, sem).wait()
            pltpu.sync_copy(rows_v, acc_sh.at[dst_v.at[j]], add=True)
            return carry

        lax.fori_loop(0, CH, chunk, 0)
        plsc.subcore_barrier()
        pl.delay(2000)
        pltpu.sync_copy(acc_sh.at[pl.ds(r0, rpt)],
                        out_hbm.at[c, pl.ds(r0, rpt)])

    return rowpass


@functools.lru_cache(maxsize=None)
def _scalar_pass(NP, CH):
    mesh = plsc.VectorSubcoreMesh(core_axis_name="c", subcore_axis_name="s")
    rpt = NP // NS

    @functools.partial(
        pl.kernel, mesh=mesh,
        out_type=jax.ShapeDtypeStruct((NC, NP), jnp.float32),
        scratch_types=[
            pltpu.VMEM((CH, CHUNK), jnp.int32),
            pltpu.VMEM((CH, CHUNK), jnp.int32),
            pltpu.VMEM((CHUNK,), jnp.float32),
            pltpu.VMEM_SHARED((NP,), jnp.float32),
            pltpu.SemaphoreType.DMA,
        ],
    )
    def scpass(val_hbm, src_hbm, dst_hbm, zeros_hbm, out_hbm,
               src_v, dst_v, vals_v, acc_sh, sem):
        c = lax.axis_index("c")
        s = lax.axis_index("s")
        w = c * NS + s
        r0 = s * rpt
        pltpu.sync_copy(zeros_hbm.at[pl.ds(r0, rpt)], acc_sh.at[pl.ds(r0, rpt)])
        pltpu.sync_copy(src_hbm.at[w], src_v)
        pltpu.sync_copy(dst_hbm.at[w], dst_v)
        plsc.subcore_barrier()
        pl.delay(2000)

        def chunk(j, carry):
            pltpu.async_copy(val_hbm.at[src_v.at[j]], vals_v, sem).wait()
            pltpu.sync_copy(vals_v, acc_sh.at[dst_v.at[j]], add=True)
            return carry

        lax.fori_loop(0, CH, chunk, 0)
        plsc.subcore_barrier()
        pl.delay(2000)
        pltpu.sync_copy(acc_sh.at[pl.ds(r0, rpt)],
                        out_hbm.at[c, pl.ds(r0, rpt)])

    return scpass



def _pre_body(x_ref, w_ref, degp_ref, hpre_ref, g1_ref, dinv_ref):
    hpre = jnp.dot(x_ref[...], w_ref[...], preferred_element_type=jnp.float32)
    deg = degp_ref[0] + degp_ref[1] + 1.0
    dinv = lax.rsqrt(deg)
    hpre_ref[...] = hpre
    g1_ref[...] = hpre * dinv
    dinv_ref[...] = dinv


def _post1_body(accp_ref, hpre_ref, dinv_ref, b1_ref, wr_ref,
                h_ref, hr_ref, *, n_valid):
    i = pl.program_id(0)
    acc = accp_ref[0] + accp_ref[1]
    dinv = dinv_ref[...]
    hraw = jax.nn.relu(dinv * acc + dinv * dinv * hpre_ref[...] + b1_ref[...])
    rows = i * RB + lax.broadcasted_iota(jnp.int32, (RB, 1), 0)
    h = jnp.where(rows < n_valid, hraw, 0.0)
    h_ref[...] = h
    hr_ref[...] = jnp.dot(h, wr_ref[...], preferred_element_type=jnp.float32)


def _score_body(sp_ref, hr_ref, wn_ref, bn_ref, score_ref, t_ref):
    s_rows = sp_ref[0] + sp_ref[1]
    sc = (jnp.dot(s_rows, wn_ref[...], preferred_element_type=jnp.float32)
          + bn_ref[...]) + hr_ref[...]
    score_ref[...] = sc
    t_ref[...] = jnp.tanh(sc)


def _topk_body(scol_ref, bcol_ref, srow_ref, brow_ref, jlo_ref, jhi_ref,
               keep_ref, *, n_valid):
    I = pl.program_id(0)
    si = scol_ref[...]
    bi = bcol_ref[...]
    ii = I * TB + lax.broadcasted_iota(jnp.int32, (TB, 1), 0)

    def body(j, carry):
        rank, cnt = carry
        sj = srow_ref[pl.ds(j, 1), :]
        bj = brow_ref[pl.ds(j, 1), :]
        jj = j * 128 + lax.broadcasted_iota(jnp.int32, (1, 128), 1)
        same = bi == bj
        before = (sj > si) | ((sj == si) & (jj < ii))
        rank = rank + jnp.sum((same & before).astype(jnp.int32), axis=1,
                              keepdims=True)
        cnt = cnt + jnp.sum(same.astype(jnp.int32), axis=1, keepdims=True)
        return rank, cnt

    z = jnp.zeros((TB, 1), jnp.int32)
    rank, cnt = lax.fori_loop(jlo_ref[I], jhi_ref[I] + 1, body, (z, z))
    k = (cnt + 1) // 2
    keep_ref[...] = ((rank < k) & (ii < n_valid)).astype(jnp.float32)


def _mid2_body(h_ref, t_ref, keep_ref, cntp_ref, w2_ref,
               hpre2_ref, g2_ref, d2k_ref, d2sq_ref):
    keep = keep_ref[...]
    deg2 = keep * (cntp_ref[0] + cntp_ref[1]) + 1.0
    dinv2 = lax.rsqrt(deg2)
    h2in = h_ref[...] * t_ref[...] * keep
    hpre2 = jnp.dot(h2in, w2_ref[...], preferred_element_type=jnp.float32)
    hpre2_ref[...] = hpre2
    g2_ref[...] = hpre2 * dinv2
    d2k_ref[...] = dinv2 * keep
    d2sq_ref[...] = dinv2 * dinv2


def _final_body(accp_ref, hpre2_ref, d2k_ref, d2sq_ref, b2_ref, wlin_ref,
                blin_ref, keep_ref, h3_ref):
    acc = accp_ref[0] + accp_ref[1]
    out2 = jax.nn.relu(d2k_ref[...] * acc + d2sq_ref[...] * hpre2_ref[...]
                       + b2_ref[...])
    h3 = jnp.dot(out2, wlin_ref[...], preferred_element_type=jnp.float32)
    h3_ref[...] = (h3 + blin_ref[...]) * keep_ref[...]


def _blk(shape, imap):
    return pl.BlockSpec(shape, imap)


def kernel(x, edge_index, batch, W1, b1, Wr, Wn, bn, W2, b2, Wlin, blin):
    f32 = jnp.float32
    N, D = x.shape
    H = W1.shape[1]
    E = edge_index.shape[1]
    NP = _round_up(N + 1, RB)
    EP = _round_up(E, NW * CHUNK)
    CH = EP // (NW * CHUNK)
    NB = NP // RB
    NT = NP // TB

    xp = jnp.pad(x, ((0, NP - N), (0, 0)))
    src = edge_index[0]
    dst = edge_index[1]
    srcp = jnp.concatenate(
        [src, jnp.full((EP - E,), N, jnp.int32)]).reshape(NW, CH, CHUNK)
    dstp = jnp.concatenate(
        [dst, jnp.zeros((EP - E,), jnp.int32)]).reshape(NW, CH, CHUNK)
    zeros_rows = jnp.zeros((NP, H), f32)
    zeros_vec = jnp.zeros((NP,), f32)
    ones_val = jnp.pad(jnp.ones((N,), f32), (0, NP - N))

    scal = _scalar_pass(NP, CH)
    rowp = _row_pass(NP, CH, H)

    degp = scal(ones_val, srcp, dstp, zeros_vec)
    hpre, g1, dinv = pl.pallas_call(
        _pre_body,
        grid=(NB,),
        in_specs=[
            _blk((RB, D), lambda i: (i, 0)),
            _blk((D, H), lambda i: (0, 0)),
            _blk((NC, RB, 1), lambda i: (0, i, 0)),
        ],
        out_specs=[
            _blk((RB, H), lambda i: (i, 0)),
            _blk((RB, H), lambda i: (i, 0)),
            _blk((RB, 1), lambda i: (i, 0)),
        ],
        out_shape=[
            jax.ShapeDtypeStruct((NP, H), f32),
            jax.ShapeDtypeStruct((NP, H), f32),
            jax.ShapeDtypeStruct((NP, 1), f32),
        ],
    )(xp, W1, degp.reshape(NC, NP, 1))

    acc1p = rowp(g1, srcp, dstp, zeros_rows)
    h, hr = pl.pallas_call(
        functools.partial(_post1_body, n_valid=N),
        grid=(NB,),
        in_specs=[
            _blk((NC, RB, H), lambda i: (0, i, 0)),
            _blk((RB, H), lambda i: (i, 0)),
            _blk((RB, 1), lambda i: (i, 0)),
            _blk((1, H), lambda i: (0, 0)),
            _blk((H, 1), lambda i: (0, 0)),
        ],
        out_specs=[
            _blk((RB, H), lambda i: (i, 0)),
            _blk((RB, 1), lambda i: (i, 0)),
        ],
        out_shape=[
            jax.ShapeDtypeStruct((NP, H), f32),
            jax.ShapeDtypeStruct((NP, 1), f32),
        ],
    )(acc1p, hpre, dinv, b1.reshape(1, H), Wr)

    sp = rowp(h, srcp, dstp, zeros_rows)
    score, t = pl.pallas_call(
        _score_body,
        grid=(NB,),
        in_specs=[
            _blk((NC, RB, H), lambda i: (0, i, 0)),
            _blk((RB, 1), lambda i: (i, 0)),
            _blk((H, 1), lambda i: (0, 0)),
            _blk((1, 1), lambda i: (0, 0)),
        ],
        out_specs=[
            _blk((RB, 1), lambda i: (i, 0)),
            _blk((RB, 1), lambda i: (i, 0)),
        ],
        out_shape=[
            jax.ShapeDtypeStruct((NP, 1), f32),
            jax.ShapeDtypeStruct((NP, 1), f32),
        ],
    )(sp, hr, Wn, bn.reshape(1, 1))

    batch_p = jnp.concatenate(
        [batch, jnp.full((NP - N,), jnp.int32(1 << 20))])
    r0 = jnp.arange(NT, dtype=jnp.int32) * TB
    lo_g = batch_p[r0]
    hi_g = batch_p[r0 + TB - 1]
    jlo = (jnp.searchsorted(batch_p, lo_g, side="left") // 128).astype(jnp.int32)
    jhi = ((jnp.searchsorted(batch_p, hi_g, side="right") - 1) // 128).astype(jnp.int32)
    keep = pl.pallas_call(
        functools.partial(_topk_body, n_valid=N),
        grid=(NT,),
        in_specs=[
            _blk((TB, 1), lambda i: (i, 0)),
            _blk((TB, 1), lambda i: (i, 0)),
            _blk((NP // 128, 128), lambda i: (0, 0)),
            _blk((NP // 128, 128), lambda i: (0, 0)),
            pl.BlockSpec(memory_space=pltpu.SMEM),
            pl.BlockSpec(memory_space=pltpu.SMEM),
        ],
        out_specs=_blk((TB, 1), lambda i: (i, 0)),
        out_shape=jax.ShapeDtypeStruct((NP, 1), f32),
    )(score, batch_p.reshape(NP, 1), score.reshape(NP // 128, 128),
      batch_p.reshape(NP // 128, 128), jlo, jhi)

    cntp = scal(keep.reshape(NP), srcp, dstp, zeros_vec)
    hpre2, g2, d2k, d2sq = pl.pallas_call(
        _mid2_body,
        grid=(NB,),
        in_specs=[
            _blk((RB, H), lambda i: (i, 0)),
            _blk((RB, 1), lambda i: (i, 0)),
            _blk((RB, 1), lambda i: (i, 0)),
            _blk((NC, RB, 1), lambda i: (0, i, 0)),
            _blk((H, H), lambda i: (0, 0)),
        ],
        out_specs=[
            _blk((RB, H), lambda i: (i, 0)),
            _blk((RB, H), lambda i: (i, 0)),
            _blk((RB, 1), lambda i: (i, 0)),
            _blk((RB, 1), lambda i: (i, 0)),
        ],
        out_shape=[
            jax.ShapeDtypeStruct((NP, H), f32),
            jax.ShapeDtypeStruct((NP, H), f32),
            jax.ShapeDtypeStruct((NP, 1), f32),
            jax.ShapeDtypeStruct((NP, 1), f32),
        ],
    )(h, t, keep, cntp.reshape(NC, NP, 1), W2)

    acc2p = rowp(g2, srcp, dstp, zeros_rows)
    h3 = pl.pallas_call(
        _final_body,
        grid=(NB,),
        in_specs=[
            _blk((NC, RB, H), lambda i: (0, i, 0)),
            _blk((RB, H), lambda i: (i, 0)),
            _blk((RB, 1), lambda i: (i, 0)),
            _blk((RB, 1), lambda i: (i, 0)),
            _blk((1, H), lambda i: (0, 0)),
            _blk((H, H), lambda i: (0, 0)),
            _blk((1, H), lambda i: (0, 0)),
            _blk((RB, 1), lambda i: (i, 0)),
        ],
        out_specs=_blk((RB, H), lambda i: (i, 0)),
        out_shape=jax.ShapeDtypeStruct((NP, H), f32),
    )(acc2p, hpre2, d2k, d2sq, b2.reshape(1, H), Wlin, blin.reshape(1, H),
      keep)

    return h3[:N], batch

# --- scband reference (transcript-rebuilt; emitter-appended) ---
"""Pipeline reference for scband-gcn-pooling-64682207478388 (READ-ONLY COPY).

The authoritative reference and input builder live on the scoring server;
editing this copy changes nothing except your own understanding.
"""

import jax, jax.numpy as jnp
import numpy as np


def _gcn_conv(x, src, dst, ew, W, b, N):
    # PyG GCNConv: x' = D^{-1/2} (A + I) D^{-1/2} (x W) + b, edge weights ew (mask)
    h = x @ W
    loop = jnp.arange(N, dtype=src.dtype)
    s = jnp.concatenate([src, loop])
    d = jnp.concatenate([dst, loop])
    w = jnp.concatenate([ew, jnp.ones(N, x.dtype)])
    deg = jax.ops.segment_sum(w, d, num_segments=N)
    dinv = jnp.where(deg > 0, deg ** -0.5, 0.0)
    norm = dinv[s] * w * dinv[d]
    out = jax.ops.segment_sum(h[s] * norm[:, None], d, num_segments=N)
    return out + b


def _topk_mask(score, batch, ratio, G):
    # per-graph top-ceil(ratio*n_i) selection, returned as a static-shape boolean mask
    N = score.shape[0]
    order = jnp.lexsort((-score, batch))  # sort by graph, then by descending score
    pos = jnp.zeros(N, jnp.int32).at[order].set(jnp.arange(N, dtype=jnp.int32))
    counts = jax.ops.segment_sum(jnp.ones(N, jnp.int32), batch, num_segments=G)
    starts = jnp.cumsum(counts) - counts
    rank = pos - starts[batch]
    k = jnp.ceil(ratio * counts.astype(jnp.float32)).astype(jnp.int32)
    return rank < k[batch]


def setup_inputs(seed: int = 0):
    key = jax.random.key(seed)
    ks = jax.random.split(key, 12)
    N, E, D, H, G = 10000, 320000, 128, 128, 64
    x = jax.random.normal(ks[0], (N, D), dtype=jnp.float32)
    edge_index = jax.random.randint(ks[1], (2, E), 0, N, dtype=jnp.int32)
    batch = jnp.sort(jax.random.randint(ks[2], (N,), 0, G, dtype=jnp.int32))
    s1 = 1.0 / np.sqrt(D)
    s2 = 1.0 / np.sqrt(H)
    return {
        "x": x,
        "edge_index": edge_index,
        "batch": batch,
        "W1": jax.random.normal(ks[3], (D, H), jnp.float32) * s1,
        "b1": jnp.zeros((H,), jnp.float32),
        "Wr": jax.random.normal(ks[4], (H, 1), jnp.float32) * s2,  # SAGPool GraphConv root lin
        "Wn": jax.random.normal(ks[5], (H, 1), jnp.float32) * s2,  # SAGPool GraphConv neighbor lin
        "bn": jnp.zeros((1,), jnp.float32),
        "W2": jax.random.normal(ks[6], (H, H), jnp.float32) * s2,
        "b2": jnp.zeros((H,), jnp.float32),
        "Wlin": jax.random.normal(ks[7], (H, H), jnp.float32) * s2,
        "blin": jnp.zeros((H,), jnp.float32),
    }


def reference(x, edge_index, batch, W1, b1, Wr, Wn, bn, W2, b2, Wlin, blin):
    N = x.shape[0]
    src, dst = edge_index[0], edge_index[1]
    ew = jnp.ones(src.shape[0], x.dtype)
    # GCN 1 + relu
    h = jax.nn.relu(_gcn_conv(x, src, dst, ew, W1, b1, N))
    # SAGPooling: score via GraphConv(h, 1), tanh gating, per-graph top-k (ratio=0.5)
    score = (jax.ops.segment_sum(h[src], dst, num_segments=N) @ Wn + bn + h @ Wr)[:, 0]
    G = 64
    keep = _topk_mask(score, batch, 0.5, G)
    keepf = keep.astype(x.dtype)
    h = h * jnp.tanh(score)[:, None] * keepf[:, None]
    # filter_adj: keep only edges between retained nodes (as edge-weight mask)
    em = (keep[src] & keep[dst]).astype(x.dtype)
    # GCN 2 + relu on pooled graph
    h = jax.nn.relu(_gcn_conv(h, src, dst, em, W2, b2, N))
    # output linear; dropped rows zeroed (static-shape equivalent of compaction)
    h = (h @ Wlin + blin) * keepf[:, None]
    return h, batch

if __name__ == "__main__":
    import jax
    _d = setup_inputs()
    print(jax.jit(kernel)(*tuple(_d.values())))

</pallas_src>

<mosaic_0001>
#map = affine_map<(d0, d1) -> (0)>
#map1 = affine_map<(d0, d1) -> (0, 0, 0)>
#map2 = affine_map<(d0, d1) -> (0, 0)>
module attributes {stable_mosaic.version = 14 : i64} {
  func.func @scpass(%arg0: i32, %arg1: i32, %arg2: memref<10240xf32, #tpu.memory_space<hbm>>, %arg3: memref<32x79x128xi32, #tpu.memory_space<hbm>>, %arg4: memref<32x79x128xi32, #tpu.memory_space<hbm>>, %arg5: memref<10240xf32, #tpu.memory_space<hbm>>, %arg6: memref<2x10240xf32, #tpu.memory_space<hbm>>, %arg7: memref<79x128xi32, #tpu.memory_space<vmem>>, %arg8: memref<79x128xi32, #tpu.memory_space<vmem>>, %arg9: memref<128xf32, #tpu.memory_space<vmem>>, %arg10: memref<10240xf32, #tpu.memory_space<vmem_shared>>, %arg11: memref<!tpu.dma_semaphore, #tpu.memory_space<semaphore_mem>>) attributes {dimension_semantics = [#tpu.dimension_semantics<core_parallel>, #tpu.dimension_semantics<subcore_parallel>], iteration_bounds = array<i64: 2, 16>, scalar_prefetch = 0 : i64, scratch_operands = 5 : i64, tpu.core_type = #tpu.core_type<sc_vector_subcore>, window_params = [{transform_indices = #map}, {transform_indices = #map1}, {transform_indices = #map1}, {transform_indices = #map}, {transform_indices = #map2}]} {
    %mul3A = arith.constant 16 : i32
    %mul3A_0 = arith.muli %arg0, %mul3A : i32
    %add3A = arith.addi %mul3A_0, %arg1 : i32
    %mul3A_1 = arith.constant 640 : i32
    %mul3A_2 = arith.muli %arg1, %mul3A_1 : i32
    "tpu.region"() ({
      %run_scoped3A = tpu.sem_alloc : memref<!tpu.dma_semaphore, #tpu.memory_space<semaphore_mem>>
      %dma_start3A = tpu.memref_slice %arg10[%mul3A_2] : memref<10240xf32, #tpu.memory_space<vmem_shared>> -> memref<640xf32, #tpu.memory_space<vmem_shared>>
      %dma_start3A_10 = tpu.memref_slice %arg5[%mul3A_2] : memref<10240xf32, #tpu.memory_space<hbm>> -> memref<640xf32, #tpu.memory_space<hbm>>
      tpu.enqueue_dma source(%dma_start3A_10 : memref<640xf32, #tpu.memory_space<hbm>>) target(%dma_start3A : memref<640xf32, #tpu.memory_space<vmem_shared>>) target_semaphore(%run_scoped3A : memref<!tpu.dma_semaphore, #tpu.memory_space<semaphore_mem>>)
      %dma_wait3A = tpu.memref_slice %arg10[%mul3A_2] : memref<10240xf32, #tpu.memory_space<vmem_shared>> -> memref<640xf32, #tpu.memory_space<vmem_shared>>
      %dma_wait3A_11 = tpu.memref_slice %arg5[%mul3A_2] : memref<10240xf32, #tpu.memory_space<hbm>> -> memref<640xf32, #tpu.memory_space<hbm>>
      tpu.wait_dma2 semaphore(%run_scoped3A : memref<!tpu.dma_semaphore, #tpu.memory_space<semaphore_mem>>) src(%dma_wait3A_11 : memref<640xf32, #tpu.memory_space<hbm>>) dst(%dma_wait3A : memref<640xf32, #tpu.memory_space<vmem_shared>>)
      tpu.yield
    }) : () -> ()
    "tpu.region"() ({
      %run_scoped3A = tpu.sem_alloc : memref<!tpu.dma_semaphore, #tpu.memory_space<semaphore_mem>>
      %dma_start3A = arith.constant 0 : i32
      %dma_start3A_10 = arith.constant 0 : i32
      %dma_start3A_11 = tpu.memref_slice %arg3[%add3A, %dma_start3A, %dma_start3A_10] : memref<32x79x128xi32, #tpu.memory_space<hbm>> -> memref<1x79x128xi32, #tpu.memory_space<hbm>>
      %dma_start3A_12 = tpu.memref_squeeze %dma_start3A_11 : memref<1x79x128xi32, #tpu.memory_space<hbm>> -> memref<79x128xi32, #tpu.memory_space<hbm>>
      %dma_start3A_13 = arith.constant 0 : i32
      %dma_start3A_14 = arith.constant 0 : i32
      %dma_start3A_15 = tpu.memref_slice %arg3[%add3A, %dma_start3A_13, %dma_start3A_14] : memref<32x79x128xi32, #tpu.memory_space<hbm>> -> memref<1x79x128xi32, #tpu.memory_space<hbm>>
      %dma_start3A_16 = tpu.memref_squeeze %dma_start3A_15 : memref<1x79x128xi32, #tpu.memory_space<hbm>> -> memref<79x128xi32, #tpu.memory_space<hbm>>
      tpu.enqueue_dma source(%dma_start3A_16 : memref<79x128xi32, #tpu.memory_space<hbm>>) target(%arg7 : memref<79x128xi32, #tpu.memory_space<vmem>>) target_semaphore(%run_scoped3A : memref<!tpu.dma_semaphore, #tpu.memory_space<semaphore_mem>>)
      %dma_wait3A = arith.constant 0 : i32
      %dma_wait3A_17 = arith.constant 0 : i32
      %dma_wait3A_18 = tpu.memref_slice %arg3[%add3A, %dma_wait3A, %dma_wait3A_17] : memref<32x79x128xi32, #tpu.memory_space<hbm>> -> memref<1x79x128xi32, #tpu.memory_space<hbm>>
      %dma_wait3A_19 = tpu.memref_squeeze %dma_wait3A_18 : memref<1x79x128xi32, #tpu.memory_space<hbm>> -> memref<79x128xi32, #tpu.memory_space<hbm>>
      %dma_wait3A_20 = arith.constant 0 : i32
      %dma_wait3A_21 = arith.constant 0 : i32
      %dma_wait3A_22 = tpu.memref_slice %arg3[%add3A, %dma_wait3A_20, %dma_wait3A_21] : memref<32x79x128xi32, #tpu.memory_space<hbm>> -> memref<1x79x128xi32, #tpu.memory_space<hbm>>
      %dma_wait3A_23 = tpu.memref_squeeze %dma_wait3A_22 : memref<1x79x128xi32, #tpu.memory_space<hbm>> -> memref<79x128xi32, #tpu.memory_space<hbm>>
      tpu.wait_dma2 semaphore(%run_scoped3A : memref<!tpu.dma_semaphore, #tpu.memory_space<semaphore_mem>>) src(%dma_wait3A_23 : memref<79x128xi32, #tpu.memory_space<hbm>>) dst(%arg7 : memref<79x128xi32, #tpu.memory_space<vmem>>)
      tpu.yield
    }) : () -> ()
    "tpu.region"() ({
      %run_scoped3A = tpu.sem_alloc : memref<!tpu.dma_semaphore, #tpu.memory_space<semaphore_mem>>
      %dma_start3A = arith.constant 0 : i32
      %dma_start3A_10 = arith.constant 0 : i32
      %dma_start3A_11 = tpu.memref_slice %arg4[%add3A, %dma_start3A, %dma_start3A_10] : memref<32x79x128xi32, #tpu.memory_space<hbm>> -> memref<1x79x128xi32, #tpu.memory_space<hbm>>
      %dma_start3A_12 = tpu.memref_squeeze %dma_start3A_11 : memref<1x79x128xi32, #tpu.memory_space<hbm>> -> memref<79x128xi32, #tpu.memory_space<hbm>>
      %dma_start3A_13 = arith.constant 0 : i32
      %dma_start3A_14 = arith.constant 0 : i32
      %dma_start3A_15 = tpu.memref_slice %arg4[%add3A, %dma_start3A_13, %dma_start3A_14] : memref<32x79x128xi32, #tpu.memory_space<hbm>> -> memref<1x79x128xi32, #tpu.memory_space<hbm>>
      %dma_start3A_16 = tpu.memref_squeeze %dma_start3A_15 : memref<1x79x128xi32, #tpu.memory_space<hbm>> -> memref<79x128xi32, #tpu.memory_space<hbm>>
      tpu.enqueue_dma source(%dma_start3A_16 : memref<79x128xi32, #tpu.memory_space<hbm>>) target(%arg8 : memref<79x128xi32, #tpu.memory_space<vmem>>) target_semaphore(%run_scoped3A : memref<!tpu.dma_semaphore, #tpu.memory_space<semaphore_mem>>)
      %dma_wait3A = arith.constant 0 : i32
      %dma_wait3A_17 = arith.constant 0 : i32
      %dma_wait3A_18 = tpu.memref_slice %arg4[%add3A, %dma_wait3A, %dma_wait3A_17] : memref<32x79x128xi32, #tpu.memory_space<hbm>> -> memref<1x79x128xi32, #tpu.memory_space<hbm>>
      %dma_wait3A_19 = tpu.memref_squeeze %dma_wait3A_18 : memref<1x79x128xi32, #tpu.memory_space<hbm>> -> memref<79x128xi32, #tpu.memory_space<hbm>>
      %dma_wait3A_20 = arith.constant 0 : i32
      %dma_wait3A_21 = arith.constant 0 : i32
      %dma_wait3A_22 = tpu.memref_slice %arg4[%add3A, %dma_wait3A_20, %dma_wait3A_21] : memref<32x79x128xi32, #tpu.memory_space<hbm>> -> memref<1x79x128xi32, #tpu.memory_space<hbm>>
      %dma_wait3A_23 = tpu.memref_squeeze %dma_wait3A_22 : memref<1x79x128xi32, #tpu.memory_space<hbm>> -> memref<79x128xi32, #tpu.memory_space<hbm>>
      tpu.wait_dma2 semaphore(%run_scoped3A : memref<!tpu.dma_semaphore, #tpu.memory_space<semaphore_mem>>) src(%dma_wait3A_23 : memref<79x128xi32, #tpu.memory_space<hbm>>) dst(%arg8 : memref<79x128xi32, #tpu.memory_space<vmem>>)
      tpu.yield
    }) : () -> ()
    %barrier3A = arith.constant 0 : index
    tpu.barrier barrier_id(%barrier3A)
    %delay3A = arith.constant 2000 : i32
    tpu.delay %delay3A
    %scan3A = arith.constant 0 : i32
    %scan3A_3 = arith.constant 0 : i32
    %scan3A_4 = arith.constant 79 : i32
    %scan3A_5 = arith.addi %scan3A_3, %scan3A_4 : i32
    %scan3A_6 = arith.constant 1 : i32
    scf.for %scan3A_10 = %scan3A_3 to %scan3A_5 step %scan3A_6  : i32 {
      %dma_start3A = arith.constant 0 : i32
      %dma_start3A_11 = tpu.memref_slice %arg7[%scan3A_10, %dma_start3A] : memref<79x128xi32, #tpu.memory_space<vmem>> -> memref<1x128xi32, #tpu.memory_space<vmem>>
      %dma_start3A_12 = tpu.memref_squeeze %dma_start3A_11 : memref<1x128xi32, #tpu.memory_space<vmem>> -> memref<128xi32, #tpu.memory_space<vmem>>
      %dma_start3A_13 = arith.constant 0 : i32
      %dma_start3A_14 = tpu.memref_slice %arg2[%dma_start3A_13] : memref<10240xf32, #tpu.memory_space<hbm>> -> memref<10240xf32, #tpu.memory_space<hbm>>
      tpu.enqueue_indirect_dma source(%dma_start3A_14 : memref<10240xf32, #tpu.memory_space<hbm>>) target(%arg9 : memref<128xf32, #tpu.memory_space<vmem>>) offsets(%dma_start3A_12 : memref<128xi32, #tpu.memory_space<vmem>>) semaphore(%arg11 : memref<!tpu.dma_semaphore, #tpu.memory_space<semaphore_mem>>)
      %dma_wait3A = arith.constant 0 : i32
      %dma_wait3A_15 = tpu.memref_slice %arg7[%scan3A_10, %dma_wait3A] : memref<79x128xi32, #tpu.memory_space<vmem>> -> memref<1x128xi32, #tpu.memory_space<vmem>>
      %dma_wait3A_16 = tpu.memref_squeeze %dma_wait3A_15 : memref<1x128xi32, #tpu.memory_space<vmem>> -> memref<128xi32, #tpu.memory_space<vmem>>
      %dma_wait3A_17 = arith.constant 0 : i32
      %dma_wait3A_18 = tpu.memref_slice %arg2[%dma_wait3A_17] : memref<10240xf32, #tpu.memory_space<hbm>> -> memref<10240xf32, #tpu.memory_space<hbm>>
      tpu.wait_indirect_dma semaphore(%arg11 : memref<!tpu.dma_semaphore, #tpu.memory_space<semaphore_mem>>) src(%dma_wait3A_18 : memref<10240xf32, #tpu.memory_space<hbm>>) dst(%arg9 : memref<128xf32, #tpu.memory_space<vmem>>)
      "tpu.region"() ({
        %run_scoped3A = tpu.sem_alloc : memref<!tpu.dma_semaphore, #tpu.memory_space<semaphore_mem>>
        %dma_start3A_19 = arith.constant 0 : i32
        %dma_start3A_20 = tpu.memref_slice %arg8[%scan3A_10, %dma_start3A_19] : memref<79x128xi32, #tpu.memory_space<vmem>> -> memref<1x128xi32, #tpu.memory_space<vmem>>
        %dma_start3A_21 = tpu.memref_squeeze %dma_start3A_20 : memref<1x128xi32, #tpu.memory_space<vmem>> -> memref<128xi32, #tpu.memory_space<vmem>>
        %dma_start3A_22 = arith.constant 0 : i32
        %dma_start3A_23 = tpu.memref_slice %arg10[%dma_start3A_22] : memref<10240xf32, #tpu.memory_space<vmem_shared>> -> memref<10240xf32, #tpu.memory_space<vmem_shared>>
        tpu.enqueue_indirect_dma source(%arg9 : memref<128xf32, #tpu.memory_space<vmem>>) target(%dma_start3A_23 : memref<10240xf32, #tpu.memory_space<vmem_shared>>) offsets(%dma_start3A_21 : memref<128xi32, #tpu.memory_space<vmem>>) semaphore(%run_scoped3A : memref<!tpu.dma_semaphore, #tpu.memory_space<semaphore_mem>>) {add = true}
        %dma_wait3A_24 = arith.constant 0 : i32
        %dma_wait3A_25 = tpu.memref_slice %arg8[%scan3A_10, %dma_wait3A_24] : memref<79x128xi32, #tpu.memory_space<vmem>> -> memref<1x128xi32, #tpu.memory_space<vmem>>
        %dma_wait3A_26 = tpu.memref_squeeze %dma_wait3A_25 : memref<1x128xi32, #tpu.memory_space<vmem>> -> memref<128xi32, #tpu.memory_space<vmem>>
        %dma_wait3A_27 = arith.constant 0 : i32
        %dma_wait3A_28 = tpu.memref_slice %arg10[%dma_wait3A_27] : memref<10240xf32, #tpu.memory_space<vmem_shared>> -> memref<10240xf32, #tpu.memory_space<vmem_shared>>
        tpu.wait_indirect_dma semaphore(%run_scoped3A : memref<!tpu.dma_semaphore, #tpu.memory_space<semaphore_mem>>) src(%arg9 : memref<128xf32, #tpu.memory_space<vmem>>) dst(%dma_wait3A_28 : memref<10240xf32, #tpu.memory_space<vmem_shared>>)
        tpu.yield
      }) : () -> ()
    }
    %scan3A_7 = arith.constant 79 : i32
    %barrier3A_8 = arith.constant 0 : index
    tpu.barrier barrier_id(%barrier3A_8)
    %delay3A_9 = arith.constant 2000 : i32
    tpu.delay %delay3A_9
    "tpu.region"() ({
      %run_scoped3A = tpu.sem_alloc : memref<!tpu.dma_semaphore, #tpu.memory_space<semaphore_mem>>
      %dma_start3A = tpu.memref_slice %arg6[%arg0, %mul3A_2] : memref<2x10240xf32, #tpu.memory_space<hbm>> -> memref<1x640xf32, #tpu.memory_space<hbm>>
      %dma_start3A_10 = tpu.memref_squeeze %dma_start3A : memref<1x640xf32, #tpu.memory_space<hbm>> -> memref<640xf32, #tpu.memory_space<hbm>>
      %dma_start3A_11 = tpu.memref_slice %arg10[%mul3A_2] : memref<10240xf32, #tpu.memory_space<vmem_shared>> -> memref<640xf32, #tpu.memory_space<vmem_shared>>
      tpu.enqueue_dma source(%dma_start3A_11 : memref<640xf32, #tpu.memory_space<vmem_shared>>) target(%dma_start3A_10 : memref<640xf32, #tpu.memory_space<hbm>>) target_semaphore(%run_scoped3A : memref<!tpu.dma_semaphore, #tpu.memory_space<semaphore_mem>>)
      %dma_wait3A = tpu.memref_slice %arg6[%arg0, %mul3A_2] : memref<2x10240xf32, #tpu.memory_space<hbm>> -> memref<1x640xf32, #tpu.memory_space<hbm>>
      %dma_wait3A_12 = tpu.memref_squeeze %dma_wait3A : memref<1x640xf32, #tpu.memory_space<hbm>> -> memref<640xf32, #tpu.memory_space<hbm>>
      %dma_wait3A_13 = tpu.memref_slice %arg10[%mul3A_2] : memref<10240xf32, #tpu.memory_space<vmem_shared>> -> memref<640xf32, #tpu.memory_space<vmem_shared>>
      tpu.wait_dma2 semaphore(%run_scoped3A : memref<!tpu.dma_semaphore, #tpu.memory_space<semaphore_mem>>) src(%dma_wait3A_13 : memref<640xf32, #tpu.memory_space<vmem_shared>>) dst(%dma_wait3A_12 : memref<640xf32, #tpu.memory_space<hbm>>)
      tpu.yield
    }) : () -> ()
    return
  }
}

#map = affine_map<(d0, d1) -> (0, 0)>
#map1 = affine_map<(d0, d1) -> (0, 0, 0)>
module attributes {stable_mosaic.version = 14 : i64} {
  func.func @rowpass(%arg0: i32, %arg1: i32, %arg2: memref<10240x128xf32, #tpu.memory_space<hbm>>, %arg3: memref<32x79x128xi32, #tpu.memory_space<hbm>>, %arg4: memref<32x79x128xi32, #tpu.memory_space<hbm>>, %arg5: memref<10240x128xf32, #tpu.memory_space<hbm>>, %arg6: memref<2x10240x128xf32, #tpu.memory_space<hbm>>, %arg7: memref<79x128xi32, #tpu.memory_space<vmem>>, %arg8: memref<79x128xi32, #tpu.memory_space<vmem>>, %arg9: memref<128x128xf32, #tpu.memory_space<vmem>>, %arg10: memref<10240x128xf32, #tpu.memory_space<vmem_shared>>, %arg11: memref<!tpu.dma_semaphore, #tpu.memory_space<semaphore_mem>>) attributes {dimension_semantics = [#tpu.dimension_semantics<core_parallel>, #tpu.dimension_semantics<subcore_parallel>], iteration_bounds = array<i64: 2, 16>, scalar_prefetch = 0 : i64, scratch_operands = 5 : i64, tpu.core_type = #tpu.core_type<sc_vector_subcore>, window_params = [{transform_indices = #map}, {transform_indices = #map1}, {transform_indices = #map1}, {transform_indices = #map}, {transform_indices = #map1}]} {
    %mul3A = arith.constant 16 : i32
    %mul3A_0 = arith.muli %arg0, %mul3A : i32
    %add3A = arith.addi %mul3A_0, %arg1 : i32
    %mul3A_1 = arith.constant 640 : i32
    %mul3A_2 = arith.muli %arg1, %mul3A_1 : i32
    "tpu.region"() ({
      %run_scoped3A = tpu.sem_alloc : memref<!tpu.dma_semaphore, #tpu.memory_space<semaphore_mem>>
      %dma_start3A = arith.constant 0 : i32
      %dma_start3A_10 = tpu.memref_slice %arg10[%mul3A_2, %dma_start3A] : memref<10240x128xf32, #tpu.memory_space<vmem_shared>> -> memref<640x128xf32, #tpu.memory_space<vmem_shared>>
      %dma_start3A_11 = arith.constant 0 : i32
      %dma_start3A_12 = tpu.memref_slice %arg5[%mul3A_2, %dma_start3A_11] : memref<10240x128xf32, #tpu.memory_space<hbm>> -> memref<640x128xf32, #tpu.memory_space<hbm>>
      tpu.enqueue_dma source(%dma_start3A_12 : memref<640x128xf32, #tpu.memory_space<hbm>>) target(%dma_start3A_10 : memref<640x128xf32, #tpu.memory_space<vmem_shared>>) target_semaphore(%run_scoped3A : memref<!tpu.dma_semaphore, #tpu.memory_space<semaphore_mem>>)
      %dma_wait3A = arith.constant 0 : i32
      %dma_wait3A_13 = tpu.memref_slice %arg10[%mul3A_2, %dma_wait3A] : memref<10240x128xf32, #tpu.memory_space<vmem_shared>> -> memref<640x128xf32, #tpu.memory_space<vmem_shared>>
      %dma_wait3A_14 = arith.constant 0 : i32
      %dma_wait3A_15 = tpu.memref_slice %arg5[%mul3A_2, %dma_wait3A_14] : memref<10240x128xf32, #tpu.memory_space<hbm>> -> memref<640x128xf32, #tpu.memory_space<hbm>>
      tpu.wait_dma2 semaphore(%run_scoped3A : memref<!tpu.dma_semaphore, #tpu.memory_space<semaphore_mem>>) src(%dma_wait3A_15 : memref<640x128xf32, #tpu.memory_space<hbm>>) dst(%dma_wait3A_13 : memref<640x128xf32, #tpu.memory_space<vmem_shared>>)
      tpu.yield
    }) : () -> ()
    "tpu.region"() ({
      %run_scoped3A = tpu.sem_alloc : memref<!tpu.dma_semaphore, #tpu.memory_space<semaphore_mem>>
      %dma_start3A = arith.constant 0 : i32
      %dma_start3A_10 = arith.constant 0 : i32
      %dma_start3A_11 = tpu.memref_slice %arg3[%add3A, %dma_start3A, %dma_start3A_10] : memref<32x79x128xi32, #tpu.memory_space<hbm>> -> memref<1x79x128xi32, #tpu.memory_space<hbm>>
      %dma_start3A_12 = tpu.memref_squeeze %dma_start3A_11 : memref<1x79x128xi32, #tpu.memory_space<hbm>> -> memref<79x128xi32, #tpu.memory_space<hbm>>
      %dma_start3A_13 = arith.constant 0 : i32
      %dma_start3A_14 = arith.constant 0 : i32
      %dma_start3A_15 = tpu.memref_slice %arg3[%add3A, %dma_start3A_13, %dma_start3A_14] : memref<32x79x128xi32, #tpu.memory_space<hbm>> -> memref<1x79x128xi32, #tpu.memory_space<hbm>>
      %dma_start3A_16 = tpu.memref_squeeze %dma_start3A_15 : memref<1x79x128xi32, #tpu.memory_space<hbm>> -> memref<79x128xi32, #tpu.memory_space<hbm>>
      tpu.enqueue_dma source(%dma_start3A_16 : memref<79x128xi32, #tpu.memory_space<hbm>>) target(%arg7 : memref<79x128xi32, #tpu.memory_space<vmem>>) target_semaphore(%run_scoped3A : memref<!tpu.dma_semaphore, #tpu.memory_space<semaphore_mem>>)
      %dma_wait3A = arith.constant 0 : i32
      %dma_wait3A_17 = arith.constant 0 : i32
      %dma_wait3A_18 = tpu.memref_slice %arg3[%add3A, %dma_wait3A, %dma_wait3A_17] : memref<32x79x128xi32, #tpu.memory_space<hbm>> -> memref<1x79x128xi32, #tpu.memory_space<hbm>>
      %dma_wait3A_19 = tpu.memref_squeeze %dma_wait3A_18 : memref<1x79x128xi32, #tpu.memory_space<hbm>> -> memref<79x128xi32, #tpu.memory_space<hbm>>
      %dma_wait3A_20 = arith.constant 0 : i32
      %dma_wait3A_21 = arith.constant 0 : i32
      %dma_wait3A_22 = tpu.memref_slice %arg3[%add3A, %dma_wait3A_20, %dma_wait3A_21] : memref<32x79x128xi32, #tpu.memory_space<hbm>> -> memref<1x79x128xi32, #tpu.memory_space<hbm>>
      %dma_wait3A_23 = tpu.memref_squeeze %dma_wait3A_22 : memref<1x79x128xi32, #tpu.memory_space<hbm>> -> memref<79x128xi32, #tpu.memory_space<hbm>>
      tpu.wait_dma2 semaphore(%run_scoped3A : memref<!tpu.dma_semaphore, #tpu.memory_space<semaphore_mem>>) src(%dma_wait3A_23 : memref<79x128xi32, #tpu.memory_space<hbm>>) dst(%arg7 : memref<79x128xi32, #tpu.memory_space<vmem>>)
      tpu.yield
    }) : () -> ()
    "tpu.region"() ({
      %run_scoped3A = tpu.sem_alloc : memref<!tpu.dma_semaphore, #tpu.memory_space<semaphore_mem>>
      %dma_start3A = arith.constant 0 : i32
      %dma_start3A_10 = arith.constant 0 : i32
      %dma_start3A_11 = tpu.memref_slice %arg4[%add3A, %dma_start3A, %dma_start3A_10] : memref<32x79x128xi32, #tpu.memory_space<hbm>> -> memref<1x79x128xi32, #tpu.memory_space<hbm>>
      %dma_start3A_12 = tpu.memref_squeeze %dma_start3A_11 : memref<1x79x128xi32, #tpu.memory_space<hbm>> -> memref<79x128xi32, #tpu.memory_space<hbm>>
      %dma_start3A_13 = arith.constant 0 : i32
      %dma_start3A_14 = arith.constant 0 : i32
      %dma_start3A_15 = tpu.memref_slice %arg4[%add3A, %dma_start3A_13, %dma_start3A_14] : memref<32x79x128xi32, #tpu.memory_space<hbm>> -> memref<1x79x128xi32, #tpu.memory_space<hbm>>
      %dma_start3A_16 = tpu.memref_squeeze %dma_start3A_15 : memref<1x79x128xi32, #tpu.memory_space<hbm>> -> memref<79x128xi32, #tpu.memory_space<hbm>>
      tpu.enqueue_dma source(%dma_start3A_16 : memref<79x128xi32, #tpu.memory_space<hbm>>) target(%arg8 : memref<79x128xi32, #tpu.memory_space<vmem>>) target_semaphore(%run_scoped3A : memref<!tpu.dma_semaphore, #tpu.memory_space<semaphore_mem>>)
      %dma_wait3A = arith.constant 0 : i32
      %dma_wait3A_17 = arith.constant 0 : i32
      %dma_wait3A_18 = tpu.memref_slice %arg4[%add3A, %dma_wait3A, %dma_wait3A_17] : memref<32x79x128xi32, #tpu.memory_space<hbm>> -> memref<1x79x128xi32, #tpu.memory_space<hbm>>
      %dma_wait3A_19 = tpu.memref_squeeze %dma_wait3A_18 : memref<1x79x128xi32, #tpu.memory_space<hbm>> -> memref<79x128xi32, #tpu.memory_space<hbm>>
      %dma_wait3A_20 = arith.constant 0 : i32
      %dma_wait3A_21 = arith.constant 0 : i32
      %dma_wait3A_22 = tpu.memref_slice %arg4[%add3A, %dma_wait3A_20, %dma_wait3A_21] : memref<32x79x128xi32, #tpu.memory_space<hbm>> -> memref<1x79x128xi32, #tpu.memory_space<hbm>>
      %dma_wait3A_23 = tpu.memref_squeeze %dma_wait3A_22 : memref<1x79x128xi32, #tpu.memory_space<hbm>> -> memref<79x128xi32, #tpu.memory_space<hbm>>
      tpu.wait_dma2 semaphore(%run_scoped3A : memref<!tpu.dma_semaphore, #tpu.memory_space<semaphore_mem>>) src(%dma_wait3A_23 : memref<79x128xi32, #tpu.memory_space<hbm>>) dst(%arg8 : memref<79x128xi32, #tpu.memory_space<vmem>>)
      tpu.yield
    }) : () -> ()
    %barrier3A = arith.constant 0 : index
    tpu.barrier barrier_id(%barrier3A)
    %delay3A = arith.constant 2000 : i32
    tpu.delay %delay3A
    %scan3A = arith.constant 0 : i32
    %scan3A_3 = arith.constant 0 : i32
    %scan3A_4 = arith.constant 79 : i32
    %scan3A_5 = arith.addi %scan3A_3, %scan3A_4 : i32
    %scan3A_6 = arith.constant 1 : i32
    scf.for %scan3A_10 = %scan3A_3 to %scan3A_5 step %scan3A_6  : i32 {
      %dma_start3A = arith.constant 0 : i32
      %dma_start3A_11 = tpu.memref_slice %arg7[%scan3A_10, %dma_start3A] : memref<79x128xi32, #tpu.memory_space<vmem>> -> memref<1x128xi32, #tpu.memory_space<vmem>>
      %dma_start3A_12 = tpu.memref_squeeze %dma_start3A_11 : memref<1x128xi32, #tpu.memory_space<vmem>> -> memref<128xi32, #tpu.memory_space<vmem>>
      %dma_start3A_13 = arith.constant 0 : i32
      %dma_start3A_14 = arith.constant 0 : i32
      %dma_start3A_15 = tpu.memref_slice %arg2[%dma_start3A_13, %dma_start3A_14] : memref<10240x128xf32, #tpu.memory_space<hbm>> -> memref<10240x128xf32, #tpu.memory_space<hbm>>
      tpu.enqueue_indirect_dma source(%dma_start3A_15 : memref<10240x128xf32, #tpu.memory_space<hbm>>) target(%arg9 : memref<128x128xf32, #tpu.memory_space<vmem>>) offsets(%dma_start3A_12 : memref<128xi32, #tpu.memory_space<vmem>>) semaphore(%arg11 : memref<!tpu.dma_semaphore, #tpu.memory_space<semaphore_mem>>)
      %dma_wait3A = arith.constant 0 : i32
      %dma_wait3A_16 = tpu.memref_slice %arg7[%scan3A_10, %dma_wait3A] : memref<79x128xi32, #tpu.memory_space<vmem>> -> memref<1x128xi32, #tpu.memory_space<vmem>>
      %dma_wait3A_17 = tpu.memref_squeeze %dma_wait3A_16 : memref<1x128xi32, #tpu.memory_space<vmem>> -> memref<128xi32, #tpu.memory_space<vmem>>
      %dma_wait3A_18 = arith.constant 0 : i32
      %dma_wait3A_19 = arith.constant 0 : i32
      %dma_wait3A_20 = tpu.memref_slice %arg2[%dma_wait3A_18, %dma_wait3A_19] : memref<10240x128xf32, #tpu.memory_space<hbm>> -> memref<10240x128xf32, #tpu.memory_space<hbm>>
      tpu.wait_indirect_dma semaphore(%arg11 : memref<!tpu.dma_semaphore, #tpu.memory_space<semaphore_mem>>) src(%dma_wait3A_20 : memref<10240x128xf32, #tpu.memory_space<hbm>>) dst(%arg9 : memref<128x128xf32, #tpu.memory_space<vmem>>)
      "tpu.region"() ({
        %run_scoped3A = tpu.sem_alloc : memref<!tpu.dma_semaphore, #tpu.memory_space<semaphore_mem>>
        %dma_start3A_21 = arith.constant 0 : i32
        %dma_start3A_22 = tpu.memref_slice %arg8[%scan3A_10, %dma_start3A_21] : memref<79x128xi32, #tpu.memory_space<vmem>> -> memref<1x128xi32, #tpu.memory_space<vmem>>
        %dma_start3A_23 = tpu.memref_squeeze %dma_start3A_22 : memref<1x128xi32, #tpu.memory_space<vmem>> -> memref<128xi32, #tpu.memory_space<vmem>>
        %dma_start3A_24 = arith.constant 0 : i32
        %dma_start3A_25 = arith.constant 0 : i32
        %dma_start3A_26 = tpu.memref_slice %arg10[%dma_start3A_24, %dma_start3A_25] : memref<10240x128xf32, #tpu.memory_space<vmem_shared>> -> memref<10240x128xf32, #tpu.memory_space<vmem_shared>>
        tpu.enqueue_indirect_dma source(%arg9 : memref<128x128xf32, #tpu.memory_space<vmem>>) target(%dma_start3A_26 : memref<10240x128xf32, #tpu.memory_space<vmem_shared>>) offsets(%dma_start3A_23 : memref<128xi32, #tpu.memory_space<vmem>>) semaphore(%run_scoped3A : memref<!tpu.dma_semaphore, #tpu.memory_space<semaphore_mem>>) {add = true}
        %dma_wait3A_27 = arith.constant 0 : i32
        %dma_wait3A_28 = tpu.memref_slice %arg8[%scan3A_10, %dma_wait3A_27] : memref<79x128xi32, #tpu.memory_space<vmem>> -> memref<1x128xi32, #tpu.memory_space<vmem>>
        %dma_wait3A_29 = tpu.memref_squeeze %dma_wait3A_28 : memref<1x128xi32, #tpu.memory_space<vmem>> -> memref<128xi32, #tpu.memory_space<vmem>>
        %dma_wait3A_30 = arith.constant 0 : i32
        %dma_wait3A_31 = arith.constant 0 : i32
        %dma_wait3A_32 = tpu.memref_slice %arg10[%dma_wait3A_30, %dma_wait3A_31] : memref<10240x128xf32, #tpu.memory_space<vmem_shared>> -> memref<10240x128xf32, #tpu.memory_space<vmem_shared>>
        tpu.wait_indirect_dma semaphore(%run_scoped3A : memref<!tpu.dma_semaphore, #tpu.memory_space<semaphore_mem>>) src(%arg9 : memref<128x128xf32, #tpu.memory_space<vmem>>) dst(%dma_wait3A_32 : memref<10240x128xf32, #tpu.memory_space<vmem_shared>>)
        tpu.yield
      }) : () -> ()
    }
    %scan3A_7 = arith.constant 79 : i32
    %barrier3A_8 = arith.constant 0 : index
    tpu.barrier barrier_id(%barrier3A_8)
    %delay3A_9 = arith.constant 2000 : i32
    tpu.delay %delay3A_9
    "tpu.region"() ({
      %run_scoped3A = tpu.sem_alloc : memref<!tpu.dma_semaphore, #tpu.memory_space<semaphore_mem>>
      %dma_start3A = arith.constant 0 : i32
      %dma_start3A_10 = tpu.memref_slice %arg6[%arg0, %mul3A_2, %dma_start3A] : memref<2x10240x128xf32, #tpu.memory_space<hbm>> -> memref<1x640x128xf32, #tpu.memory_space<hbm>>
      %dma_start3A_11 = tpu.memref_squeeze %dma_start3A_10 : memref<1x640x128xf32, #tpu.memory_space<hbm>> -> memref<640x128xf32, #tpu.memory_space<hbm>>
      %dma_start3A_12 = arith.constant 0 : i32
      %dma_start3A_13 = tpu.memref_slice %arg10[%mul3A_2, %dma_start3A_12] : memref<10240x128xf32, #tpu.memory_space<vmem_shared>> -> memref<640x128xf32, #tpu.memory_space<vmem_shared>>
      tpu.enqueue_dma source(%dma_start3A_13 : memref<640x128xf32, #tpu.memory_space<vmem_shared>>) target(%dma_start3A_11 : memref<640x128xf32, #tpu.memory_space<hbm>>) target_semaphore(%run_scoped3A : memref<!tpu.dma_semaphore, #tpu.memory_space<semaphore_mem>>)
      %dma_wait3A = arith.constant 0 : i32
      %dma_wait3A_14 = tpu.memref_slice %arg6[%arg0, %mul3A_2, %dma_wait3A] : memref<2x10240x128xf32, #tpu.memory_space<hbm>> -> memref<1x640x128xf32, #tpu.memory_space<hbm>>
      %dma_wait3A_15 = tpu.memref_squeeze %dma_wait3A_14 : memref<1x640x128xf32, #tpu.memory_space<hbm>> -> memref<640x128xf32, #tpu.memory_space<hbm>>
      %dma_wait3A_16 = arith.constant 0 : i32
      %dma_wait3A_17 = tpu.memref_slice %arg10[%mul3A_2, %dma_wait3A_16] : memref<10240x128xf32, #tpu.memory_space<vmem_shared>> -> memref<640x128xf32, #tpu.memory_space<vmem_shared>>
      tpu.wait_dma2 semaphore(%run_scoped3A : memref<!tpu.dma_semaphore, #tpu.memory_space<semaphore_mem>>) src(%dma_wait3A_17 : memref<640x128xf32, #tpu.memory_space<vmem_shared>>) dst(%dma_wait3A_15 : memref<640x128xf32, #tpu.memory_space<hbm>>)
      tpu.yield
    }) : () -> ()
    return
  }
}

#map = affine_map<(d0, d1) -> (0)>
#map1 = affine_map<(d0, d1) -> (0, 0, 0)>
#map2 = affine_map<(d0, d1) -> (0, 0)>
module attributes {stable_mosaic.version = 14 : i64} {
  func.func @scpass(%arg0: i32, %arg1: i32, %arg2: memref<10240xf32, #tpu.memory_space<hbm>>, %arg3: memref<32x79x128xi32, #tpu.memory_space<hbm>>, %arg4: memref<32x79x128xi32, #tpu.memory_space<hbm>>, %arg5: memref<10240xf32, #tpu.memory_space<hbm>>, %arg6: memref<2x10240xf32, #tpu.memory_space<hbm>>, %arg7: memref<79x128xi32, #tpu.memory_space<vmem>>, %arg8: memref<79x128xi32, #tpu.memory_space<vmem>>, %arg9: memref<128xf32, #tpu.memory_space<vmem>>, %arg10: memref<10240xf32, #tpu.memory_space<vmem_shared>>, %arg11: memref<!tpu.dma_semaphore, #tpu.memory_space<semaphore_mem>>) attributes {dimension_semantics = [#tpu.dimension_semantics<core_parallel>, #tpu.dimension_semantics<subcore_parallel>], iteration_bounds = array<i64: 2, 16>, scalar_prefetch = 0 : i64, scratch_operands = 5 : i64, tpu.core_type = #tpu.core_type<sc_vector_subcore>, window_params = [{transform_indices = #map}, {transform_indices = #map1}, {transform_indices = #map1}, {transform_indices = #map}, {transform_indices = #map2}]} {
    %mul3A = arith.constant 16 : i32
    %mul3A_0 = arith.muli %arg0, %mul3A : i32
    %add3A = arith.addi %mul3A_0, %arg1 : i32
    %mul3A_1 = arith.constant 640 : i32
    %mul3A_2 = arith.muli %arg1, %mul3A_1 : i32
    "tpu.region"() ({
      %run_scoped3A = tpu.sem_alloc : memref<!tpu.dma_semaphore, #tpu.memory_space<semaphore_mem>>
      %dma_start3A = tpu.memref_slice %arg10[%mul3A_2] : memref<10240xf32, #tpu.memory_space<vmem_shared>> -> memref<640xf32, #tpu.memory_space<vmem_shared>>
      %dma_start3A_10 = tpu.memref_slice %arg5[%mul3A_2] : memref<10240xf32, #tpu.memory_space<hbm>> -> memref<640xf32, #tpu.memory_space<hbm>>
      tpu.enqueue_dma source(%dma_start3A_10 : memref<640xf32, #tpu.memory_space<hbm>>) target(%dma_start3A : memref<640xf32, #tpu.memory_space<vmem_shared>>) target_semaphore(%run_scoped3A : memref<!tpu.dma_semaphore, #tpu.memory_space<semaphore_mem>>)
      %dma_wait3A = tpu.memref_slice %arg10[%mul3A_2] : memref<10240xf32, #tpu.memory_space<vmem_shared>> -> memref<640xf32, #tpu.memory_space<vmem_shared>>
      %dma_wait3A_11 = tpu.memref_slice %arg5[%mul3A_2] : memref<10240xf32, #tpu.memory_space<hbm>> -> memref<640xf32, #tpu.memory_space<hbm>>
      tpu.wait_dma2 semaphore(%run_scoped3A : memref<!tpu.dma_semaphore, #tpu.memory_space<semaphore_mem>>) src(%dma_wait3A_11 : memref<640xf32, #tpu.memory_space<hbm>>) dst(%dma_wait3A : memref<640xf32, #tpu.memory_space<vmem_shared>>)
      tpu.yield
    }) : () -> ()
    "tpu.region"() ({
      %run_scoped3A = tpu.sem_alloc : memref<!tpu.dma_semaphore, #tpu.memory_space<semaphore_mem>>
      %dma_start3A = arith.constant 0 : i32
      %dma_start3A_10 = arith.constant 0 : i32
      %dma_start3A_11 = tpu.memref_slice %arg3[%add3A, %dma_start3A, %dma_start3A_10] : memref<32x79x128xi32, #tpu.memory_space<hbm>> -> memref<1x79x128xi32, #tpu.memory_space<hbm>>
      %dma_start3A_12 = tpu.memref_squeeze %dma_start3A_11 : memref<1x79x128xi32, #tpu.memory_space<hbm>> -> memref<79x128xi32, #tpu.memory_space<hbm>>
      %dma_start3A_13 = arith.constant 0 : i32
      %dma_start3A_14 = arith.constant 0 : i32
      %dma_start3A_15 = tpu.memref_slice %arg3[%add3A, %dma_start3A_13, %dma_start3A_14] : memref<32x79x128xi32, #tpu.memory_space<hbm>> -> memref<1x79x128xi32, #tpu.memory_space<hbm>>
      %dma_start3A_16 = tpu.memref_squeeze %dma_start3A_15 : memref<1x79x128xi32, #tpu.memory_space<hbm>> -> memref<79x128xi32, #tpu.memory_space<hbm>>
      tpu.enqueue_dma source(%dma_start3A_16 : memref<79x128xi32, #tpu.memory_space<hbm>>) target(%arg7 : memref<79x128xi32, #tpu.memory_space<vmem>>) target_semaphore(%run_scoped3A : memref<!tpu.dma_semaphore, #tpu.memory_space<semaphore_mem>>)
      %dma_wait3A = arith.constant 0 : i32
      %dma_wait3A_17 = arith.constant 0 : i32
      %dma_wait3A_18 = tpu.memref_slice %arg3[%add3A, %dma_wait3A, %dma_wait3A_17] : memref<32x79x128xi32, #tpu.memory_space<hbm>> -> memref<1x79x128xi32, #tpu.memory_space<hbm>>
      %dma_wait3A_19 = tpu.memref_squeeze %dma_wait3A_18 : memref<1x79x128xi32, #tpu.memory_space<hbm>> -> memref<79x128xi32, #tpu.memory_space<hbm>>
      %dma_wait3A_20 = arith.constant 0 : i32
      %dma_wait3A_21 = arith.constant 0 : i32
      %dma_wait3A_22 = tpu.memref_slice %arg3[%add3A, %dma_wait3A_20, %dma_wait3A_21] : memref<32x79x128xi32, #tpu.memory_space<hbm>> -> memref<1x79x128xi32, #tpu.memory_space<hbm>>
      %dma_wait3A_23 = tpu.memref_squeeze %dma_wait3A_22 : memref<1x79x128xi32, #tpu.memory_space<hbm>> -> memref<79x128xi32, #tpu.memory_space<hbm>>
      tpu.wait_dma2 semaphore(%run_scoped3A : memref<!tpu.dma_semaphore, #tpu.memory_space<semaphore_mem>>) src(%dma_wait3A_23 : memref<79x128xi32, #tpu.memory_space<hbm>>) dst(%arg7 : memref<79x128xi32, #tpu.memory_space<vmem>>)
      tpu.yield
    }) : () -> ()
    "tpu.region"() ({
      %run_scoped3A = tpu.sem_alloc : memref<!tpu.dma_semaphore, #tpu.memory_space<semaphore_mem>>
      %dma_start3A = arith.constant 0 : i32
      %dma_start3A_10 = arith.constant 0 : i32
      %dma_start3A_11 = tpu.memref_slice %arg4[%add3A, %dma_start3A, %dma_start3A_10] : memref<32x79x128xi32, #tpu.memory_space<hbm>> -> memref<1x79x128xi32, #tpu.memory_space<hbm>>
      %dma_start3A_12 = tpu.memref_squeeze %dma_start3A_11 : memref<1x79x128xi32, #tpu.memory_space<hbm>> -> memref<79x128xi32, #tpu.memory_space<hbm>>
      %dma_start3A_13 = arith.constant 0 : i32
      %dma_start3A_14 = arith.constant 0 : i32
      %dma_start3A_15 = tpu.memref_slice %arg4[%add3A, %dma_start3A_13, %dma_start3A_14] : memref<32x79x128xi32, #tpu.memory_space<hbm>> -> memref<1x79x128xi32, #tpu.memory_space<hbm>>
      %dma_start3A_16 = tpu.memref_squeeze %dma_start3A_15 : memref<1x79x128xi32, #tpu.memory_space<hbm>> -> memref<79x128xi32, #tpu.memory_space<hbm>>
      tpu.enqueue_dma source(%dma_start3A_16 : memref<79x128xi32, #tpu.memory_space<hbm>>) target(%arg8 : memref<79x128xi32, #tpu.memory_space<vmem>>) target_semaphore(%run_scoped3A : memref<!tpu.dma_semaphore, #tpu.memory_space<semaphore_mem>>)
      %dma_wait3A = arith.constant 0 : i32
      %dma_wait3A_17 = arith.constant 0 : i32
      %dma_wait3A_18 = tpu.memref_slice %arg4[%add3A, %dma_wait3A, %dma_wait3A_17] : memref<32x79x128xi32, #tpu.memory_space<hbm>> -> memref<1x79x128xi32, #tpu.memory_space<hbm>>
      %dma_wait3A_19 = tpu.memref_squeeze %dma_wait3A_18 : memref<1x79x128xi32, #tpu.memory_space<hbm>> -> memref<79x128xi32, #tpu.memory_space<hbm>>
      %dma_wait3A_20 = arith.constant 0 : i32
      %dma_wait3A_21 = arith.constant 0 : i32
      %dma_wait3A_22 = tpu.memref_slice %arg4[%add3A, %dma_wait3A_20, %dma_wait3A_21] : memref<32x79x128xi32, #tpu.memory_space<hbm>> -> memref<1x79x128xi32, #tpu.memory_space<hbm>>
      %dma_wait3A_23 = tpu.memref_squeeze %dma_wait3A_22 : memref<1x79x128xi32, #tpu.memory_space<hbm>> -> memref<79x128xi32, #tpu.memory_space<hbm>>
      tpu.wait_dma2 semaphore(%run_scoped3A : memref<!tpu.dma_semaphore, #tpu.memory_space<semaphore_mem>>) src(%dma_wait3A_23 : memref<79x128xi32, #tpu.memory_space<hbm>>) dst(%arg8 : memref<79x128xi32, #tpu.memory_space<vmem>>)
      tpu.yield
    }) : () -> ()
    %barrier3A = arith.constant 0 : index
    tpu.barrier barrier_id(%barrier3A)
    %delay3A = arith.constant 2000 : i32
    tpu.delay %delay3A
    %scan3A = arith.constant 0 : i32
    %scan3A_3 = arith.constant 0 : i32
    %scan3A_4 = arith.constant 79 : i32
    %scan3A_5 = arith.addi %scan3A_3, %scan3A_4 : i32
    %scan3A_6 = arith.constant 1 : i32
    scf.for %scan3A_10 = %scan3A_3 to %scan3A_5 step %scan3A_6  : i32 {
      %dma_start3A = arith.constant 0 : i32
      %dma_start3A_11 = tpu.memref_slice %arg7[%scan3A_10, %dma_start3A] : memref<79x128xi32, #tpu.memory_space<vmem>> -> memref<1x128xi32, #tpu.memory_space<vmem>>
      %dma_start3A_12 = tpu.memref_squeeze %dma_start3A_11 : memref<1x128xi32, #tpu.memory_space<vmem>> -> memref<128xi32, #tpu.memory_space<vmem>>
      %dma_start3A_13 = arith.constant 0 : i32
      %dma_start3A_14 = tpu.memref_slice %arg2[%dma_start3A_13] : memref<10240xf32, #tpu.memory_space<hbm>> -> memref<10240xf32, #tpu.memory_space<hbm>>
      tpu.enqueue_indirect_dma source(%dma_start3A_14 : memref<10240xf32, #tpu.memory_space<hbm>>) target(%arg9 : memref<128xf32, #tpu.memory_space<vmem>>) offsets(%dma_start3A_12 : memref<128xi32, #tpu.memory_space<vmem>>) semaphore(%arg11 : memref<!tpu.dma_semaphore, #tpu.memory_space<semaphore_mem>>)
      %dma_wait3A = arith.constant 0 : i32
      %dma_wait3A_15 = tpu.memref_slice %arg7[%scan3A_10, %dma_wait3A] : memref<79x128xi32, #tpu.memory_space<vmem>> -> memref<1x128xi32, #tpu.memory_space<vmem>>
      %dma_wait3A_16 = tpu.memref_squeeze %dma_wait3A_15 : memref<1x128xi32, #tpu.memory_space<vmem>> -> memref<128xi32, #tpu.memory_space<vmem>>
      %dma_wait3A_17 = arith.constant 0 : i32
      %dma_wait3A_18 = tpu.memref_slice %arg2[%dma_wait3A_17] : memref<10240xf32, #tpu.memory_space<hbm>> -> memref<10240xf32, #tpu.memory_space<hbm>>
      tpu.wait_indirect_dma semaphore(%arg11 : memref<!tpu.dma_semaphore, #tpu.memory_space<semaphore_mem>>) src(%dma_wait3A_18 : memref<10240xf32, #tpu.memory_space<hbm>>) dst(%arg9 : memref<128xf32, #tpu.memory_space<vmem>>)
      "tpu.region"() ({
        %run_scoped3A = tpu.sem_alloc : memref<!tpu.dma_semaphore, #tpu.memory_space<semaphore_mem>>
        %dma_start3A_19 = arith.constant 0 : i32
        %dma_start3A_20 = tpu.memref_slice %arg8[%scan3A_10, %dma_start3A_19] : memref<79x128xi32, #tpu.memory_space<vmem>> -> memref<1x128xi32, #tpu.memory_space<vmem>>
        %dma_start3A_21 = tpu.memref_squeeze %dma_start3A_20 : memref<1x128xi32, #tpu.memory_space<vmem>> -> memref<128xi32, #tpu.memory_space<vmem>>
        %dma_start3A_22 = arith.constant 0 : i32
        %dma_start3A_23 = tpu.memref_slice %arg10[%dma_start3A_22] : memref<10240xf32, #tpu.memory_space<vmem_shared>> -> memref<10240xf32, #tpu.memory_space<vmem_shared>>
        tpu.enqueue_indirect_dma source(%arg9 : memref<128xf32, #tpu.memory_space<vmem>>) target(%dma_start3A_23 : memref<10240xf32, #tpu.memory_space<vmem_shared>>) offsets(%dma_start3A_21 : memref<128xi32, #tpu.memory_space<vmem>>) semaphore(%run_scoped3A : memref<!tpu.dma_semaphore, #tpu.memory_space<semaphore_mem>>) {add = true}
        %dma_wait3A_24 = arith.constant 0 : i32
        %dma_wait3A_25 = tpu.memref_slice %arg8[%scan3A_10, %dma_wait3A_24] : memref<79x128xi32, #tpu.memory_space<vmem>> -> memref<1x128xi32, #tpu.memory_space<vmem>>
        %dma_wait3A_26 = tpu.memref_squeeze %dma_wait3A_25 : memref<1x128xi32, #tpu.memory_space<vmem>> -> memref<128xi32, #tpu.memory_space<vmem>>
        %dma_wait3A_27 = arith.constant 0 : i32
        %dma_wait3A_28 = tpu.memref_slice %arg10[%dma_wait3A_27] : memref<10240xf32, #tpu.memory_space<vmem_shared>> -> memref<10240xf32, #tpu.memory_space<vmem_shared>>
        tpu.wait_indirect_dma semaphore(%run_scoped3A : memref<!tpu.dma_semaphore, #tpu.memory_space<semaphore_mem>>) src(%arg9 : memref<128xf32, #tpu.memory_space<vmem>>) dst(%dma_wait3A_28 : memref<10240xf32, #tpu.memory_space<vmem_shared>>)
        tpu.yield
      }) : () -> ()
    }
    %scan3A_7 = arith.constant 79 : i32
    %barrier3A_8 = arith.constant 0 : index
    tpu.barrier barrier_id(%barrier3A_8)
    %delay3A_9 = arith.constant 2000 : i32
    tpu.delay %delay3A_9
    "tpu.region"() ({
      %run_scoped3A = tpu.sem_alloc : memref<!tpu.dma_semaphore, #tpu.memory_space<semaphore_mem>>
      %dma_start3A = tpu.memref_slice %arg6[%arg0, %mul3A_2] : memref<2x10240xf32, #tpu.memory_space<hbm>> -> memref<1x640xf32, #tpu.memory_space<hbm>>
      %dma_start3A_10 = tpu.memref_squeeze %dma_start3A : memref<1x640xf32, #tpu.memory_space<hbm>> -> memref<640xf32, #tpu.memory_space<hbm>>
      %dma_start3A_11 = tpu.memref_slice %arg10[%mul3A_2] : memref<10240xf32, #tpu.memory_space<vmem_shared>> -> memref<640xf32, #tpu.memory_space<vmem_shared>>
      tpu.enqueue_dma source(%dma_start3A_11 : memref<640xf32, #tpu.memory_space<vmem_shared>>) target(%dma_start3A_10 : memref<640xf32, #tpu.memory_space<hbm>>) target_semaphore(%run_scoped3A : memref<!tpu.dma_semaphore, #tpu.memory_space<semaphore_mem>>)
      %dma_wait3A = tpu.memref_slice %arg6[%arg0, %mul3A_2] : memref<2x10240xf32, #tpu.memory_space<hbm>> -> memref<1x640xf32, #tpu.memory_space<hbm>>
      %dma_wait3A_12 = tpu.memref_squeeze %dma_wait3A : memref<1x640xf32, #tpu.memory_space<hbm>> -> memref<640xf32, #tpu.memory_space<hbm>>
      %dma_wait3A_13 = tpu.memref_slice %arg10[%mul3A_2] : memref<10240xf32, #tpu.memory_space<vmem_shared>> -> memref<640xf32, #tpu.memory_space<vmem_shared>>
      tpu.wait_dma2 semaphore(%run_scoped3A : memref<!tpu.dma_semaphore, #tpu.memory_space<semaphore_mem>>) src(%dma_wait3A_13 : memref<640xf32, #tpu.memory_space<vmem_shared>>) dst(%dma_wait3A_12 : memref<640xf32, #tpu.memory_space<hbm>>)
      tpu.yield
    }) : () -> ()
    return
  }
}

#map = affine_map<(d0, d1) -> (0, 0)>
#map1 = affine_map<(d0, d1) -> (0, 0, 0)>
module attributes {stable_mosaic.version = 14 : i64} {
  func.func @rowpass(%arg0: i32, %arg1: i32, %arg2: memref<10240x128xf32, #tpu.memory_space<hbm>>, %arg3: memref<32x79x128xi32, #tpu.memory_space<hbm>>, %arg4: memref<32x79x128xi32, #tpu.memory_space<hbm>>, %arg5: memref<10240x128xf32, #tpu.memory_space<hbm>>, %arg6: memref<2x10240x128xf32, #tpu.memory_space<hbm>>, %arg7: memref<79x128xi32, #tpu.memory_space<vmem>>, %arg8: memref<79x128xi32, #tpu.memory_space<vmem>>, %arg9: memref<128x128xf32, #tpu.memory_space<vmem>>, %arg10: memref<10240x128xf32, #tpu.memory_space<vmem_shared>>, %arg11: memref<!tpu.dma_semaphore, #tpu.memory_space<semaphore_mem>>) attributes {dimension_semantics = [#tpu.dimension_semantics<core_parallel>, #tpu.dimension_semantics<subcore_parallel>], iteration_bounds = array<i64: 2, 16>, scalar_prefetch = 0 : i64, scratch_operands = 5 : i64, tpu.core_type = #tpu.core_type<sc_vector_subcore>, window_params = [{transform_indices = #map}, {transform_indices = #map1}, {transform_indices = #map1}, {transform_indices = #map}, {transform_indices = #map1}]} {
    %mul3A = arith.constant 16 : i32
    %mul3A_0 = arith.muli %arg0, %mul3A : i32
    %add3A = arith.addi %mul3A_0, %arg1 : i32
    %mul3A_1 = arith.constant 640 : i32
    %mul3A_2 = arith.muli %arg1, %mul3A_1 : i32
    "tpu.region"() ({
      %run_scoped3A = tpu.sem_alloc : memref<!tpu.dma_semaphore, #tpu.memory_space<semaphore_mem>>
      %dma_start3A = arith.constant 0 : i32
      %dma_start3A_10 = tpu.memref_slice %arg10[%mul3A_2, %dma_start3A] : memref<10240x128xf32, #tpu.memory_space<vmem_shared>> -> memref<640x128xf32, #tpu.memory_space<vmem_shared>>
      %dma_start3A_11 = arith.constant 0 : i32
      %dma_start3A_12 = tpu.memref_slice %arg5[%mul3A_2, %dma_start3A_11] : memref<10240x128xf32, #tpu.memory_space<hbm>> -> memref<640x128xf32, #tpu.memory_space<hbm>>
      tpu.enqueue_dma source(%dma_start3A_12 : memref<640x128xf32, #tpu.memory_space<hbm>>) target(%dma_start3A_10 : memref<640x128xf32, #tpu.memory_space<vmem_shared>>) target_semaphore(%run_scoped3A : memref<!tpu.dma_semaphore, #tpu.memory_space<semaphore_mem>>)
      %dma_wait3A = arith.constant 0 : i32
      %dma_wait3A_13 = tpu.memref_slice %arg10[%mul3A_2, %dma_wait3A] : memref<10240x128xf32, #tpu.memory_space<vmem_shared>> -> memref<640x128xf32, #tpu.memory_space<vmem_shared>>
      %dma_wait3A_14 = arith.constant 0 : i32
      %dma_wait3A_15 = tpu.memref_slice %arg5[%mul3A_2, %dma_wait3A_14] : memref<10240x128xf32, #tpu.memory_space<hbm>> -> memref<640x128xf32, #tpu.memory_space<hbm>>
      tpu.wait_dma2 semaphore(%run_scoped3A : memref<!tpu.dma_semaphore, #tpu.memory_space<semaphore_mem>>) src(%dma_wait3A_15 : memref<640x128xf32, #tpu.memory_space<hbm>>) dst(%dma_wait3A_13 : memref<640x128xf32, #tpu.memory_space<vmem_shared>>)
      tpu.yield
    }) : () -> ()
    "tpu.region"() ({
      %run_scoped3A = tpu.sem_alloc : memref<!tpu.dma_semaphore, #tpu.memory_space<semaphore_mem>>
      %dma_start3A = arith.constant 0 : i32
      %dma_start3A_10 = arith.constant 0 : i32
      %dma_start3A_11 = tpu.memref_slice %arg3[%add3A, %dma_start3A, %dma_start3A_10] : memref<32x79x128xi32, #tpu.memory_space<hbm>> -> memref<1x79x128xi32, #tpu.memory_space<hbm>>
      %dma_start3A_12 = tpu.memref_squeeze %dma_start3A_11 : memref<1x79x128xi32, #tpu.memory_space<hbm>> -> memref<79x128xi32, #tpu.memory_space<hbm>>
      %dma_start3A_13 = arith.constant 0 : i32
      %dma_start3A_14 = arith.constant 0 : i32
      %dma_start3A_15 = tpu.memref_slice %arg3[%add3A, %dma_start3A_13, %dma_start3A_14] : memref<32x79x128xi32, #tpu.memory_space<hbm>> -> memref<1x79x128xi32, #tpu.memory_space<hbm>>
      %dma_start3A_16 = tpu.memref_squeeze %dma_start3A_15 : memref<1x79x128xi32, #tpu.memory_space<hbm>> -> memref<79x128xi32, #tpu.memory_space<hbm>>
      tpu.enqueue_dma source(%dma_start3A_16 : memref<79x128xi32, #tpu.memory_space<hbm>>) target(%arg7 : memref<79x128xi32, #tpu.memory_space<vmem>>) target_semaphore(%run_scoped3A : memref<!tpu.dma_semaphore, #tpu.memory_space<semaphore_mem>>)
      %dma_wait3A = arith.constant 0 : i32
      %dma_wait3A_17 = arith.constant 0 : i32
      %dma_wait3A_18 = tpu.memref_slice %arg3[%add3A, %dma_wait3A, %dma_wait3A_17] : memref<32x79x128xi32, #tpu.memory_space<hbm>> -> memref<1x79x128xi32, #tpu.memory_space<hbm>>
      %dma_wait3A_19 = tpu.memref_squeeze %dma_wait3A_18 : memref<1x79x128xi32, #tpu.memory_space<hbm>> -> memref<79x128xi32, #tpu.memory_space<hbm>>
      %dma_wait3A_20 = arith.constant 0 : i32
      %dma_wait3A_21 = arith.constant 0 : i32
      %dma_wait3A_22 = tpu.memref_slice %arg3[%add3A, %dma_wait3A_20, %dma_wait3A_21] : memref<32x79x128xi32, #tpu.memory_space<hbm>> -> memref<1x79x128xi32, #tpu.memory_space<hbm>>
      %dma_wait3A_23 = tpu.memref_squeeze %dma_wait3A_22 : memref<1x79x128xi32, #tpu.memory_space<hbm>> -> memref<79x128xi32, #tpu.memory_space<hbm>>
      tpu.wait_dma2 semaphore(%run_scoped3A : memref<!tpu.dma_semaphore, #tpu.memory_space<semaphore_mem>>) src(%dma_wait3A_23 : memref<79x128xi32, #tpu.memory_space<hbm>>) dst(%arg7 : memref<79x128xi32, #tpu.memory_space<vmem>>)
      tpu.yield
    }) : () -> ()
    "tpu.region"() ({
      %run_scoped3A = tpu.sem_alloc : memref<!tpu.dma_semaphore, #tpu.memory_space<semaphore_mem>>
      %dma_start3A = arith.constant 0 : i32
      %dma_start3A_10 = arith.constant 0 : i32
      %dma_start3A_11 = tpu.memref_slice %arg4[%add3A, %dma_start3A, %dma_start3A_10] : memref<32x79x128xi32, #tpu.memory_space<hbm>> -> memref<1x79x128xi32, #tpu.memory_space<hbm>>
      %dma_start3A_12 = tpu.memref_squeeze %dma_start3A_11 : memref<1x79x128xi32, #tpu.memory_space<hbm>> -> memref<79x128xi32, #tpu.memory_space<hbm>>
      %dma_start3A_13 = arith.constant 0 : i32
      %dma_start3A_14 = arith.constant 0 : i32
      %dma_start3A_15 = tpu.memref_slice %arg4[%add3A, %dma_start3A_13, %dma_start3A_14] : memref<32x79x128xi32, #tpu.memory_space<hbm>> -> memref<1x79x128xi32, #tpu.memory_space<hbm>>
      %dma_start3A_16 = tpu.memref_squeeze %dma_start3A_15 : memref<1x79x128xi32, #tpu.memory_space<hbm>> -> memref<79x128xi32, #tpu.memory_space<hbm>>
      tpu.enqueue_dma source(%dma_start3A_16 : memref<79x128xi32, #tpu.memory_space<hbm>>) target(%arg8 : memref<79x128xi32, #tpu.memory_space<vmem>>) target_semaphore(%run_scoped3A : memref<!tpu.dma_semaphore, #tpu.memory_space<semaphore_mem>>)
      %dma_wait3A = arith.constant 0 : i32
      %dma_wait3A_17 = arith.constant 0 : i32
      %dma_wait3A_18 = tpu.memref_slice %arg4[%add3A, %dma_wait3A, %dma_wait3A_17] : memref<32x79x128xi32, #tpu.memory_space<hbm>> -> memref<1x79x128xi32, #tpu.memory_space<hbm>>
      %dma_wait3A_19 = tpu.memref_squeeze %dma_wait3A_18 : memref<1x79x128xi32, #tpu.memory_space<hbm>> -> memref<79x128xi32, #tpu.memory_space<hbm>>
      %dma_wait3A_20 = arith.constant 0 : i32
      %dma_wait3A_21 = arith.constant 0 : i32
      %dma_wait3A_22 = tpu.memref_slice %arg4[%add3A, %dma_wait3A_20, %dma_wait3A_21] : memref<32x79x128xi32, #tpu.memory_space<hbm>> -> memref<1x79x128xi32, #tpu.memory_space<hbm>>
      %dma_wait3A_23 = tpu.memref_squeeze %dma_wait3A_22 : memref<1x79x128xi32, #tpu.memory_space<hbm>> -> memref<79x128xi32, #tpu.memory_space<hbm>>
      tpu.wait_dma2 semaphore(%run_scoped3A : memref<!tpu.dma_semaphore, #tpu.memory_space<semaphore_mem>>) src(%dma_wait3A_23 : memref<79x128xi32, #tpu.memory_space<hbm>>) dst(%arg8 : memref<79x128xi32, #tpu.memory_space<vmem>>)
      tpu.yield
    }) : () -> ()
    %barrier3A = arith.constant 0 : index
    tpu.barrier barrier_id(%barrier3A)
    %delay3A = arith.constant 2000 : i32
    tpu.delay %delay3A
    %scan3A = arith.constant 0 : i32
    %scan3A_3 = arith.constant 0 : i32
    %scan3A_4 = arith.constant 79 : i32
    %scan3A_5 = arith.addi %scan3A_3, %scan3A_4 : i32
    %scan3A_6 = arith.constant 1 : i32
    scf.for %scan3A_10 = %scan3A_3 to %scan3A_5 step %scan3A_6  : i32 {
      %dma_start3A = arith.constant 0 : i32
      %dma_start3A_11 = tpu.memref_slice %arg7[%scan3A_10, %dma_start3A] : memref<79x128xi32, #tpu.memory_space<vmem>> -> memref<1x128xi32, #tpu.memory_space<vmem>>
      %dma_start3A_12 = tpu.memref_squeeze %dma_start3A_11 : memref<1x128xi32, #tpu.memory_space<vmem>> -> memref<128xi32, #tpu.memory_space<vmem>>
      %dma_start3A_13 = arith.constant 0 : i32
      %dma_start3A_14 = arith.constant 0 : i32
      %dma_start3A_15 = tpu.memref_slice %arg2[%dma_start3A_13, %dma_start3A_14] : memref<10240x128xf32, #tpu.memory_space<hbm>> -> memref<10240x128xf32, #tpu.memory_space<hbm>>
      tpu.enqueue_indirect_dma source(%dma_start3A_15 : memref<10240x128xf32, #tpu.memory_space<hbm>>) target(%arg9 : memref<128x128xf32, #tpu.memory_space<vmem>>) offsets(%dma_start3A_12 : memref<128xi32, #tpu.memory_space<vmem>>) semaphore(%arg11 : memref<!tpu.dma_semaphore, #tpu.memory_space<semaphore_mem>>)
      %dma_wait3A = arith.constant 0 : i32
      %dma_wait3A_16 = tpu.memref_slice %arg7[%scan3A_10, %dma_wait3A] : memref<79x128xi32, #tpu.memory_space<vmem>> -> memref<1x128xi32, #tpu.memory_space<vmem>>
      %dma_wait3A_17 = tpu.memref_squeeze %dma_wait3A_16 : memref<1x128xi32, #tpu.memory_space<vmem>> -> memref<128xi32, #tpu.memory_space<vmem>>
      %dma_wait3A_18 = arith.constant 0 : i32
      %dma_wait3A_19 = arith.constant 0 : i32
      %dma_wait3A_20 = tpu.memref_slice %arg2[%dma_wait3A_18, %dma_wait3A_19] : memref<10240x128xf32, #tpu.memory_space<hbm>> -> memref<10240x128xf32, #tpu.memory_space<hbm>>
      tpu.wait_indirect_dma semaphore(%arg11 : memref<!tpu.dma_semaphore, #tpu.memory_space<semaphore_mem>>) src(%dma_wait3A_20 : memref<10240x128xf32, #tpu.memory_space<hbm>>) dst(%arg9 : memref<128x128xf32, #tpu.memory_space<vmem>>)
      "tpu.region"() ({
        %run_scoped3A = tpu.sem_alloc : memref<!tpu.dma_semaphore, #tpu.memory_space<semaphore_mem>>
        %dma_start3A_21 = arith.constant 0 : i32
        %dma_start3A_22 = tpu.memref_slice %arg8[%scan3A_10, %dma_start3A_21] : memref<79x128xi32, #tpu.memory_space<vmem>> -> memref<1x128xi32, #tpu.memory_space<vmem>>
        %dma_start3A_23 = tpu.memref_squeeze %dma_start3A_22 : memref<1x128xi32, #tpu.memory_space<vmem>> -> memref<128xi32, #tpu.memory_space<vmem>>
        %dma_start3A_24 = arith.constant 0 : i32
        %dma_start3A_25 = arith.constant 0 : i32
        %dma_start3A_26 = tpu.memref_slice %arg10[%dma_start3A_24, %dma_start3A_25] : memref<10240x128xf32, #tpu.memory_space<vmem_shared>> -> memref<10240x128xf32, #tpu.memory_space<vmem_shared>>
        tpu.enqueue_indirect_dma source(%arg9 : memref<128x128xf32, #tpu.memory_space<vmem>>) target(%dma_start3A_26 : memref<10240x128xf32, #tpu.memory_space<vmem_shared>>) offsets(%dma_start3A_23 : memref<128xi32, #tpu.memory_space<vmem>>) semaphore(%run_scoped3A : memref<!tpu.dma_semaphore, #tpu.memory_space<semaphore_mem>>) {add = true}
        %dma_wait3A_27 = arith.constant 0 : i32
        %dma_wait3A_28 = tpu.memref_slice %arg8[%scan3A_10, %dma_wait3A_27] : memref<79x128xi32, #tpu.memory_space<vmem>> -> memref<1x128xi32, #tpu.memory_space<vmem>>
        %dma_wait3A_29 = tpu.memref_squeeze %dma_wait3A_28 : memref<1x128xi32, #tpu.memory_space<vmem>> -> memref<128xi32, #tpu.memory_space<vmem>>
        %dma_wait3A_30 = arith.constant 0 : i32
        %dma_wait3A_31 = arith.constant 0 : i32
        %dma_wait3A_32 = tpu.memref_slice %arg10[%dma_wait3A_30, %dma_wait3A_31] : memref<10240x128xf32, #tpu.memory_space<vmem_shared>> -> memref<10240x128xf32, #tpu.memory_space<vmem_shared>>
        tpu.wait_indirect_dma semaphore(%run_scoped3A : memref<!tpu.dma_semaphore, #tpu.memory_space<semaphore_mem>>) src(%arg9 : memref<128x128xf32, #tpu.memory_space<vmem>>) dst(%dma_wait3A_32 : memref<10240x128xf32, #tpu.memory_space<vmem_shared>>)
        tpu.yield
      }) : () -> ()
    }
    %scan3A_7 = arith.constant 79 : i32
    %barrier3A_8 = arith.constant 0 : index
    tpu.barrier barrier_id(%barrier3A_8)
    %delay3A_9 = arith.constant 2000 : i32
    tpu.delay %delay3A_9
    "tpu.region"() ({
      %run_scoped3A = tpu.sem_alloc : memref<!tpu.dma_semaphore, #tpu.memory_space<semaphore_mem>>
      %dma_start3A = arith.constant 0 : i32
      %dma_start3A_10 = tpu.memref_slice %arg6[%arg0, %mul3A_2, %dma_start3A] : memref<2x10240x128xf32, #tpu.memory_space<hbm>> -> memref<1x640x128xf32, #tpu.memory_space<hbm>>
      %dma_start3A_11 = tpu.memref_squeeze %dma_start3A_10 : memref<1x640x128xf32, #tpu.memory_space<hbm>> -> memref<640x128xf32, #tpu.memory_space<hbm>>
      %dma_start3A_12 = arith.constant 0 : i32
      %dma_start3A_13 = tpu.memref_slice %arg10[%mul3A_2, %dma_start3A_12] : memref<10240x128xf32, #tpu.memory_space<vmem_shared>> -> memref<640x128xf32, #tpu.memory_space<vmem_shared>>
      tpu.enqueue_dma source(%dma_start3A_13 : memref<640x128xf32, #tpu.memory_space<vmem_shared>>) target(%dma_start3A_11 : memref<640x128xf32, #tpu.memory_space<hbm>>) target_semaphore(%run_scoped3A : memref<!tpu.dma_semaphore, #tpu.memory_space<semaphore_mem>>)
      %dma_wait3A = arith.constant 0 : i32
      %dma_wait3A_14 = tpu.memref_slice %arg6[%arg0, %mul3A_2, %dma_wait3A] : memref<2x10240x128xf32, #tpu.memory_space<hbm>> -> memref<1x640x128xf32, #tpu.memory_space<hbm>>
      %dma_wait3A_15 = tpu.memref_squeeze %dma_wait3A_14 : memref<1x640x128xf32, #tpu.memory_space<hbm>> -> memref<640x128xf32, #tpu.memory_space<hbm>>
      %dma_wait3A_16 = arith.constant 0 : i32
      %dma_wait3A_17 = tpu.memref_slice %arg10[%mul3A_2, %dma_wait3A_16] : memref<10240x128xf32, #tpu.memory_space<vmem_shared>> -> memref<640x128xf32, #tpu.memory_space<vmem_shared>>
      tpu.wait_dma2 semaphore(%run_scoped3A : memref<!tpu.dma_semaphore, #tpu.memory_space<semaphore_mem>>) src(%dma_wait3A_17 : memref<640x128xf32, #tpu.memory_space<vmem_shared>>) dst(%dma_wait3A_15 : memref<640x128xf32, #tpu.memory_space<hbm>>)
      tpu.yield
    }) : () -> ()
    return
  }
}

#map = affine_map<(d0, d1) -> (0, 0)>
#map1 = affine_map<(d0, d1) -> (0, 0, 0)>
module attributes {stable_mosaic.version = 14 : i64} {
  func.func @rowpass(%arg0: i32, %arg1: i32, %arg2: memref<10240x128xf32, #tpu.memory_space<hbm>>, %arg3: memref<32x79x128xi32, #tpu.memory_space<hbm>>, %arg4: memref<32x79x128xi32, #tpu.memory_space<hbm>>, %arg5: memref<10240x128xf32, #tpu.memory_space<hbm>>, %arg6: memref<2x10240x128xf32, #tpu.memory_space<hbm>>, %arg7: memref<79x128xi32, #tpu.memory_space<vmem>>, %arg8: memref<79x128xi32, #tpu.memory_space<vmem>>, %arg9: memref<128x128xf32, #tpu.memory_space<vmem>>, %arg10: memref<10240x128xf32, #tpu.memory_space<vmem_shared>>, %arg11: memref<!tpu.dma_semaphore, #tpu.memory_space<semaphore_mem>>) attributes {dimension_semantics = [#tpu.dimension_semantics<core_parallel>, #tpu.dimension_semantics<subcore_parallel>], iteration_bounds = array<i64: 2, 16>, scalar_prefetch = 0 : i64, scratch_operands = 5 : i64, tpu.core_type = #tpu.core_type<sc_vector_subcore>, window_params = [{transform_indices = #map}, {transform_indices = #map1}, {transform_indices = #map1}, {transform_indices = #map}, {transform_indices = #map1}]} {
    %mul3A = arith.constant 16 : i32
    %mul3A_0 = arith.muli %arg0, %mul3A : i32
    %add3A = arith.addi %mul3A_0, %arg1 : i32
    %mul3A_1 = arith.constant 640 : i32
    %mul3A_2 = arith.muli %arg1, %mul3A_1 : i32
    "tpu.region"() ({
      %run_scoped3A = tpu.sem_alloc : memref<!tpu.dma_semaphore, #tpu.memory_space<semaphore_mem>>
      %dma_start3A = arith.constant 0 : i32
      %dma_start3A_10 = tpu.memref_slice %arg10[%mul3A_2, %dma_start3A] : memref<10240x128xf32, #tpu.memory_space<vmem_shared>> -> memref<640x128xf32, #tpu.memory_space<vmem_shared>>
      %dma_start3A_11 = arith.constant 0 : i32
      %dma_start3A_12 = tpu.memref_slice %arg5[%mul3A_2, %dma_start3A_11] : memref<10240x128xf32, #tpu.memory_space<hbm>> -> memref<640x128xf32, #tpu.memory_space<hbm>>
      tpu.enqueue_dma source(%dma_start3A_12 : memref<640x128xf32, #tpu.memory_space<hbm>>) target(%dma_start3A_10 : memref<640x128xf32, #tpu.memory_space<vmem_shared>>) target_semaphore(%run_scoped3A : memref<!tpu.dma_semaphore, #tpu.memory_space<semaphore_mem>>)
      %dma_wait3A = arith.constant 0 : i32
      %dma_wait3A_13 = tpu.memref_slice %arg10[%mul3A_2, %dma_wait3A] : memref<10240x128xf32, #tpu.memory_space<vmem_shared>> -> memref<640x128xf32, #tpu.memory_space<vmem_shared>>
      %dma_wait3A_14 = arith.constant 0 : i32
      %dma_wait3A_15 = tpu.memref_slice %arg5[%mul3A_2, %dma_wait3A_14] : memref<10240x128xf32, #tpu.memory_space<hbm>> -> memref<640x128xf32, #tpu.memory_space<hbm>>
      tpu.wait_dma2 semaphore(%run_scoped3A : memref<!tpu.dma_semaphore, #tpu.memory_space<semaphore_mem>>) src(%dma_wait3A_15 : memref<640x128xf32, #tpu.memory_space<hbm>>) dst(%dma_wait3A_13 : memref<640x128xf32, #tpu.memory_space<vmem_shared>>)
      tpu.yield
    }) : () -> ()
    "tpu.region"() ({
      %run_scoped3A = tpu.sem_alloc : memref<!tpu.dma_semaphore, #tpu.memory_space<semaphore_mem>>
      %dma_start3A = arith.constant 0 : i32
      %dma_start3A_10 = arith.constant 0 : i32
      %dma_start3A_11 = tpu.memref_slice %arg3[%add3A, %dma_start3A, %dma_start3A_10] : memref<32x79x128xi32, #tpu.memory_space<hbm>> -> memref<1x79x128xi32, #tpu.memory_space<hbm>>
      %dma_start3A_12 = tpu.memref_squeeze %dma_start3A_11 : memref<1x79x128xi32, #tpu.memory_space<hbm>> -> memref<79x128xi32, #tpu.memory_space<hbm>>
      %dma_start3A_13 = arith.constant 0 : i32
      %dma_start3A_14 = arith.constant 0 : i32
      %dma_start3A_15 = tpu.memref_slice %arg3[%add3A, %dma_start3A_13, %dma_start3A_14] : memref<32x79x128xi32, #tpu.memory_space<hbm>> -> memref<1x79x128xi32, #tpu.memory_space<hbm>>
      %dma_start3A_16 = tpu.memref_squeeze %dma_start3A_15 : memref<1x79x128xi32, #tpu.memory_space<hbm>> -> memref<79x128xi32, #tpu.memory_space<hbm>>
      tpu.enqueue_dma source(%dma_start3A_16 : memref<79x128xi32, #tpu.memory_space<hbm>>) target(%arg7 : memref<79x128xi32, #tpu.memory_space<vmem>>) target_semaphore(%run_scoped3A : memref<!tpu.dma_semaphore, #tpu.memory_space<semaphore_mem>>)
      %dma_wait3A = arith.constant 0 : i32
      %dma_wait3A_17 = arith.constant 0 : i32
      %dma_wait3A_18 = tpu.memref_slice %arg3[%add3A, %dma_wait3A, %dma_wait3A_17] : memref<32x79x128xi32, #tpu.memory_space<hbm>> -> memref<1x79x128xi32, #tpu.memory_space<hbm>>
      %dma_wait3A_19 = tpu.memref_squeeze %dma_wait3A_18 : memref<1x79x128xi32, #tpu.memory_space<hbm>> -> memref<79x128xi32, #tpu.memory_space<hbm>>
      %dma_wait3A_20 = arith.constant 0 : i32
      %dma_wait3A_21 = arith.constant 0 : i32
      %dma_wait3A_22 = tpu.memref_slice %arg3[%add3A, %dma_wait3A_20, %dma_wait3A_21] : memref<32x79x128xi32, #tpu.memory_space<hbm>> -> memref<1x79x128xi32, #tpu.memory_space<hbm>>
      %dma_wait3A_23 = tpu.memref_squeeze %dma_wait3A_22 : memref<1x79x128xi32, #tpu.memory_space<hbm>> -> memref<79x128xi32, #tpu.memory_space<hbm>>
      tpu.wait_dma2 semaphore(%run_scoped3A : memref<!tpu.dma_semaphore, #tpu.memory_space<semaphore_mem>>) src(%dma_wait3A_23 : memref<79x128xi32, #tpu.memory_space<hbm>>) dst(%arg7 : memref<79x128xi32, #tpu.memory_space<vmem>>)
      tpu.yield
    }) : () -> ()
    "tpu.region"() ({
      %run_scoped3A = tpu.sem_alloc : memref<!tpu.dma_semaphore, #tpu.memory_space<semaphore_mem>>
      %dma_start3A = arith.constant 0 : i32
      %dma_start3A_10 = arith.constant 0 : i32
      %dma_start3A_11 = tpu.memref_slice %arg4[%add3A, %dma_start3A, %dma_start3A_10] : memref<32x79x128xi32, #tpu.memory_space<hbm>> -> memref<1x79x128xi32, #tpu.memory_space<hbm>>
      %dma_start3A_12 = tpu.memref_squeeze %dma_start3A_11 : memref<1x79x128xi32, #tpu.memory_space<hbm>> -> memref<79x128xi32, #tpu.memory_space<hbm>>
      %dma_start3A_13 = arith.constant 0 : i32
      %dma_start3A_14 = arith.constant 0 : i32
      %dma_start3A_15 = tpu.memref_slice %arg4[%add3A, %dma_start3A_13, %dma_start3A_14] : memref<32x79x128xi32, #tpu.memory_space<hbm>> -> memref<1x79x128xi32, #tpu.memory_space<hbm>>
      %dma_start3A_16 = tpu.memref_squeeze %dma_start3A_15 : memref<1x79x128xi32, #tpu.memory_space<hbm>> -> memref<79x128xi32, #tpu.memory_space<hbm>>
      tpu.enqueue_dma source(%dma_start3A_16 : memref<79x128xi32, #tpu.memory_space<hbm>>) target(%arg8 : memref<79x128xi32, #tpu.memory_space<vmem>>) target_semaphore(%run_scoped3A : memref<!tpu.dma_semaphore, #tpu.memory_space<semaphore_mem>>)
      %dma_wait3A = arith.constant 0 : i32
      %dma_wait3A_17 = arith.constant 0 : i32
      %dma_wait3A_18 = tpu.memref_slice %arg4[%add3A, %dma_wait3A, %dma_wait3A_17] : memref<32x79x128xi32, #tpu.memory_space<hbm>> -> memref<1x79x128xi32, #tpu.memory_space<hbm>>
      %dma_wait3A_19 = tpu.memref_squeeze %dma_wait3A_18 : memref<1x79x128xi32, #tpu.memory_space<hbm>> -> memref<79x128xi32, #tpu.memory_space<hbm>>
      %dma_wait3A_20 = arith.constant 0 : i32
      %dma_wait3A_21 = arith.constant 0 : i32
      %dma_wait3A_22 = tpu.memref_slice %arg4[%add3A, %dma_wait3A_20, %dma_wait3A_21] : memref<32x79x128xi32, #tpu.memory_space<hbm>> -> memref<1x79x128xi32, #tpu.memory_space<hbm>>
      %dma_wait3A_23 = tpu.memref_squeeze %dma_wait3A_22 : memref<1x79x128xi32, #tpu.memory_space<hbm>> -> memref<79x128xi32, #tpu.memory_space<hbm>>
      tpu.wait_dma2 semaphore(%run_scoped3A : memref<!tpu.dma_semaphore, #tpu.memory_space<semaphore_mem>>) src(%dma_wait3A_23 : memref<79x128xi32, #tpu.memory_space<hbm>>) dst(%arg8 : memref<79x128xi32, #tpu.memory_space<vmem>>)
      tpu.yield
    }) : () -> ()
    %barrier3A = arith.constant 0 : index
    tpu.barrier barrier_id(%barrier3A)
    %delay3A = arith.constant 2000 : i32
    tpu.delay %delay3A
    %scan3A = arith.constant 0 : i32
    %scan3A_3 = arith.constant 0 : i32
    %scan3A_4 = arith.constant 79 : i32
    %scan3A_5 = arith.addi %scan3A_3, %scan3A_4 : i32
    %scan3A_6 = arith.constant 1 : i32
    scf.for %scan3A_10 = %scan3A_3 to %scan3A_5 step %scan3A_6  : i32 {
      %dma_start3A = arith.constant 0 : i32
      %dma_start3A_11 = tpu.memref_slice %arg7[%scan3A_10, %dma_start3A] : memref<79x128xi32, #tpu.memory_space<vmem>> -> memref<1x128xi32, #tpu.memory_space<vmem>>
      %dma_start3A_12 = tpu.memref_squeeze %dma_start3A_11 : memref<1x128xi32, #tpu.memory_space<vmem>> -> memref<128xi32, #tpu.memory_space<vmem>>
      %dma_start3A_13 = arith.constant 0 : i32
      %dma_start3A_14 = arith.constant 0 : i32
      %dma_start3A_15 = tpu.memref_slice %arg2[%dma_start3A_13, %dma_start3A_14] : memref<10240x128xf32, #tpu.memory_space<hbm>> -> memref<10240x128xf32, #tpu.memory_space<hbm>>
      tpu.enqueue_indirect_dma source(%dma_start3A_15 : memref<10240x128xf32, #tpu.memory_space<hbm>>) target(%arg9 : memref<128x128xf32, #tpu.memory_space<vmem>>) offsets(%dma_start3A_12 : memref<128xi32, #tpu.memory_space<vmem>>) semaphore(%arg11 : memref<!tpu.dma_semaphore, #tpu.memory_space<semaphore_mem>>)
      %dma_wait3A = arith.constant 0 : i32
      %dma_wait3A_16 = tpu.memref_slice %arg7[%scan3A_10, %dma_wait3A] : memref<79x128xi32, #tpu.memory_space<vmem>> -> memref<1x128xi32, #tpu.memory_space<vmem>>
      %dma_wait3A_17 = tpu.memref_squeeze %dma_wait3A_16 : memref<1x128xi32, #tpu.memory_space<vmem>> -> memref<128xi32, #tpu.memory_space<vmem>>
      %dma_wait3A_18 = arith.constant 0 : i32
      %dma_wait3A_19 = arith.constant 0 : i32
      %dma_wait3A_20 = tpu.memref_slice %arg2[%dma_wait3A_18, %dma_wait3A_19] : memref<10240x128xf32, #tpu.memory_space<hbm>> -> memref<10240x128xf32, #tpu.memory_space<hbm>>
      tpu.wait_indirect_dma semaphore(%arg11 : memref<!tpu.dma_semaphore, #tpu.memory_space<semaphore_mem>>) src(%dma_wait3A_20 : memref<10240x128xf32, #tpu.memory_space<hbm>>) dst(%arg9 : memref<128x128xf32, #tpu.memory_space<vmem>>)
      "tpu.region"() ({
        %run_scoped3A = tpu.sem_alloc : memref<!tpu.dma_semaphore, #tpu.memory_space<semaphore_mem>>
        %dma_start3A_21 = arith.constant 0 : i32
        %dma_start3A_22 = tpu.memref_slice %arg8[%scan3A_10, %dma_start3A_21] : memref<79x128xi32, #tpu.memory_space<vmem>> -> memref<1x128xi32, #tpu.memory_space<vmem>>
        %dma_start3A_23 = tpu.memref_squeeze %dma_start3A_22 : memref<1x128xi32, #tpu.memory_space<vmem>> -> memref<128xi32, #tpu.memory_space<vmem>>
        %dma_start3A_24 = arith.constant 0 : i32
        %dma_start3A_25 = arith.constant 0 : i32
        %dma_start3A_26 = tpu.memref_slice %arg10[%dma_start3A_24, %dma_start3A_25] : memref<10240x128xf32, #tpu.memory_space<vmem_shared>> -> memref<10240x128xf32, #tpu.memory_space<vmem_shared>>
        tpu.enqueue_indirect_dma source(%arg9 : memref<128x128xf32, #tpu.memory_space<vmem>>) target(%dma_start3A_26 : memref<10240x128xf32, #tpu.memory_space<vmem_shared>>) offsets(%dma_start3A_23 : memref<128xi32, #tpu.memory_space<vmem>>) semaphore(%run_scoped3A : memref<!tpu.dma_semaphore, #tpu.memory_space<semaphore_mem>>) {add = true}
        %dma_wait3A_27 = arith.constant 0 : i32
        %dma_wait3A_28 = tpu.memref_slice %arg8[%scan3A_10, %dma_wait3A_27] : memref<79x128xi32, #tpu.memory_space<vmem>> -> memref<1x128xi32, #tpu.memory_space<vmem>>
        %dma_wait3A_29 = tpu.memref_squeeze %dma_wait3A_28 : memref<1x128xi32, #tpu.memory_space<vmem>> -> memref<128xi32, #tpu.memory_space<vmem>>
        %dma_wait3A_30 = arith.constant 0 : i32
        %dma_wait3A_31 = arith.constant 0 : i32
        %dma_wait3A_32 = tpu.memref_slice %arg10[%dma_wait3A_30, %dma_wait3A_31] : memref<10240x128xf32, #tpu.memory_space<vmem_shared>> -> memref<10240x128xf32, #tpu.memory_space<vmem_shared>>
        tpu.wait_indirect_dma semaphore(%run_scoped3A : memref<!tpu.dma_semaphore, #tpu.memory_space<semaphore_mem>>) src(%arg9 : memref<128x128xf32, #tpu.memory_space<vmem>>) dst(%dma_wait3A_32 : memref<10240x128xf32, #tpu.memory_space<vmem_shared>>)
        tpu.yield
      }) : () -> ()
    }
    %scan3A_7 = arith.constant 79 : i32
    %barrier3A_8 = arith.constant 0 : index
    tpu.barrier barrier_id(%barrier3A_8)
    %delay3A_9 = arith.constant 2000 : i32
    tpu.delay %delay3A_9
    "tpu.region"() ({
      %run_scoped3A = tpu.sem_alloc : memref<!tpu.dma_semaphore, #tpu.memory_space<semaphore_mem>>
      %dma_start3A = arith.constant 0 : i32
      %dma_start3A_10 = tpu.memref_slice %arg6[%arg0, %mul3A_2, %dma_start3A] : memref<2x10240x128xf32, #tpu.memory_space<hbm>> -> memref<1x640x128xf32, #tpu.memory_space<hbm>>
      %dma_start3A_11 = tpu.memref_squeeze %dma_start3A_10 : memref<1x640x128xf32, #tpu.memory_space<hbm>> -> memref<640x128xf32, #tpu.memory_space<hbm>>
      %dma_start3A_12 = arith.constant 0 : i32
      %dma_start3A_13 = tpu.memref_slice %arg10[%mul3A_2, %dma_start3A_12] : memref<10240x128xf32, #tpu.memory_space<vmem_shared>> -> memref<640x128xf32, #tpu.memory_space<vmem_shared>>
      tpu.enqueue_dma source(%dma_start3A_13 : memref<640x128xf32, #tpu.memory_space<vmem_shared>>) target(%dma_start3A_11 : memref<640x128xf32, #tpu.memory_space<hbm>>) target_semaphore(%run_scoped3A : memref<!tpu.dma_semaphore, #tpu.memory_space<semaphore_mem>>)
      %dma_wait3A = arith.constant 0 : i32
      %dma_wait3A_14 = tpu.memref_slice %arg6[%arg0, %mul3A_2, %dma_wait3A] : memref<2x10240x128xf32, #tpu.memory_space<hbm>> -> memref<1x640x128xf32, #tpu.memory_space<hbm>>
      %dma_wait3A_15 = tpu.memref_squeeze %dma_wait3A_14 : memref<1x640x128xf32, #tpu.memory_space<hbm>> -> memref<640x128xf32, #tpu.memory_space<hbm>>
      %dma_wait3A_16 = arith.constant 0 : i32
      %dma_wait3A_17 = tpu.memref_slice %arg10[%mul3A_2, %dma_wait3A_16] : memref<10240x128xf32, #tpu.memory_space<vmem_shared>> -> memref<640x128xf32, #tpu.memory_space<vmem_shared>>
      tpu.wait_dma2 semaphore(%run_scoped3A : memref<!tpu.dma_semaphore, #tpu.memory_space<semaphore_mem>>) src(%dma_wait3A_17 : memref<640x128xf32, #tpu.memory_space<vmem_shared>>) dst(%dma_wait3A_15 : memref<640x128xf32, #tpu.memory_space<hbm>>)
      tpu.yield
    }) : () -> ()
    return
  }
}

module attributes {stable_mosaic.version = 14 : i64} {
  func.func @_pre_body(%arg0: i32, %arg1: memref<1024x128xf32, #tpu.memory_space<vmem>>, %arg2: memref<128x128xf32, #tpu.memory_space<vmem>>, %arg3: memref<2x1024x1xf32, #tpu.memory_space<vmem>>, %arg4: memref<1024x128xf32, #tpu.memory_space<vmem>>, %arg5: memref<1024x128xf32, #tpu.memory_space<vmem>>, %arg6: memref<1024x1xf32, #tpu.memory_space<vmem>>) attributes {dimension_semantics = [#tpu.dimension_semantics<arbitrary>], iteration_bounds = array<i64: 10>, scalar_prefetch = 0 : i64, scratch_operands = 0 : i64, tpu.core_type = #tpu.core_type<tc>, window_params = [{transform_indices = @transform_0, window_bounds = array<i64: 1024, 128>}, {pipeline_mode = #tpu.pipeline_mode<synchronous>, transform_indices = @transform_1, window_bounds = array<i64: 128, 128>}, {transform_indices = @transform_2, window_bounds = array<i64: 2, 1024, 1>}, {transform_indices = @transform_3, window_bounds = array<i64: 1024, 128>}, {transform_indices = @transform_4, window_bounds = array<i64: 1024, 128>}, {transform_indices = @transform_5, window_bounds = array<i64: 1024, 1>}]} {
    %get3A = arith.constant 0 : index
    %get3A_0 = arith.constant 0 : index
    %get3A_1 = vector.load %arg1[%get3A, %get3A_0] : memref<1024x128xf32, #tpu.memory_space<vmem>>, vector<1024x128xf32>
    %get3A_2 = arith.constant 0 : index
    %get3A_3 = arith.constant 0 : index
    %get3A_4 = vector.load %arg2[%get3A_2, %get3A_3] : memref<128x128xf32, #tpu.memory_space<vmem>>, vector<128x128xf32>
    %dot_general3A = arith.constant dense<0.000000e+00> : vector<1024x128xf32>
    %dot_general3A_5 = tpu.matmul %get3A_1, %get3A_4, %dot_general3A {dimension_numbers = #tpu.dot_dimension_numbers<[1], [0], [0], [1], [0, 0, 1, 1], [], []>, transpose_lhs_hint = false} : vector<1024x128xf32>, vector<128x128xf32>, vector<1024x128xf32> -> vector<1024x128xf32>
    %get3A_6 = arith.constant 0 : index
    %get3A_7 = arith.constant 0 : index
    %get3A_8 = arith.constant 0 : index
    %get3A_9 = vector.load %arg3[%get3A_6, %get3A_7, %get3A_8] : memref<2x1024x1xf32, #tpu.memory_space<vmem>>, vector<1x1024x1xf32>
    %get3A_10 = vector.shape_cast %get3A_9 : vector<1x1024x1xf32> to vector<1024x1xf32>
    %get3A_11 = arith.constant 1 : index
    %get3A_12 = arith.constant 0 : index
    %get3A_13 = arith.constant 0 : index
    %get3A_14 = vector.load %arg3[%get3A_11, %get3A_12, %get3A_13] : memref<2x1024x1xf32, #tpu.memory_space<vmem>>, vector<1x1024x1xf32>
    %get3A_15 = vector.shape_cast %get3A_14 : vector<1x1024x1xf32> to vector<1024x1xf32>
    %add3A = arith.addf %get3A_10, %get3A_15 : vector<1024x1xf32>
    %add3A_16 = arith.constant 1.000000e+00 : f32
    %add3A_17 = vector.broadcast %add3A_16 : f32 to vector<1024x1xf32>
    %add3A_18 = arith.addf %add3A, %add3A_17 : vector<1024x1xf32>
    %rsqrt3A = math.rsqrt %add3A_18 : vector<1024x1xf32>
    %swap3A = arith.constant 0 : index
    %swap3A_19 = arith.constant 0 : index
    %swap3A_20 = vector.load %arg4[%swap3A, %swap3A_19] : memref<1024x128xf32, #tpu.memory_space<vmem>>, vector<1024x128xf32>
    tpu.vector_store %arg4[%swap3A, %swap3A_19], %dot_general3A_5 {strides = array<i32>} : memref<1024x128xf32, #tpu.memory_space<vmem>>, vector<1024x128xf32>,
    %mul3A = vector.broadcast %rsqrt3A : vector<1024x1xf32> to vector<1024x128xf32>
    %mul3A_21 = arith.mulf %dot_general3A_5, %mul3A : vector<1024x128xf32>
    %swap3A_22 = arith.constant 0 : index
    %swap3A_23 = arith.constant 0 : index
    %swap3A_24 = vector.load %arg5[%swap3A_22, %swap3A_23] : memref<1024x128xf32, #tpu.memory_space<vmem>>, vector<1024x128xf32>
    tpu.vector_store %arg5[%swap3A_22, %swap3A_23], %mul3A_21 {strides = array<i32>} : memref<1024x128xf32, #tpu.memory_space<vmem>>, vector<1024x128xf32>,
    %swap3A_25 = arith.constant 0 : index
    %swap3A_26 = arith.constant 0 : index
    %swap3A_27 = vector.load %arg6[%swap3A_25, %swap3A_26] : memref<1024x1xf32, #tpu.memory_space<vmem>>, vector<1024x1xf32>
    tpu.vector_store %arg6[%swap3A_25, %swap3A_26], %rsqrt3A {strides = array<i32>} : memref<1024x1xf32, #tpu.memory_space<vmem>>, vector<1024x1xf32>,
    return
  }
  func.func @transform_0(%arg0: i32) -> (i32, i32) {
    %c0_i32 = arith.constant 0 : i32
    %c0_i32_0 = arith.constant 0 : i32
    return %arg0, %c0_i32 : i32, i32
  }
  func.func @transform_1(%arg0: i32) -> (i32, i32) {
    %c0_i32 = arith.constant 0 : i32
    %c0_i32_0 = arith.constant 0 : i32
    %c0_i32_1 = arith.constant 0 : i32
    return %c0_i32, %c0_i32_0 : i32, i32
  }
  func.func @transform_2(%arg0: i32) -> (i32, i32, i32) {
    %c0_i32 = arith.constant 0 : i32
    %c0_i32_0 = arith.constant 0 : i32
    %c0_i32_1 = arith.constant 0 : i32
    return %c0_i32, %arg0, %c0_i32_0 : i32, i32, i32
  }
  func.func @transform_3(%arg0: i32) -> (i32, i32) {
    %c0_i32 = arith.constant 0 : i32
    %c0_i32_0 = arith.constant 0 : i32
    return %arg0, %c0_i32 : i32, i32
  }
  func.func @transform_4(%arg0: i32) -> (i32, i32) {
    %c0_i32 = arith.constant 0 : i32
    %c0_i32_0 = arith.constant 0 : i32
    return %arg0, %c0_i32 : i32, i32
  }
  func.func @transform_5(%arg0: i32) -> (i32, i32) {
    %c0_i32 = arith.constant 0 : i32
    %c0_i32_0 = arith.constant 0 : i32
    return %arg0, %c0_i32 : i32, i32
  }
}

module attributes {stable_mosaic.version = 14 : i64} {
  func.func @_post1_body(%arg0: i32, %arg1: memref<2x1024x128xf32, #tpu.memory_space<vmem>>, %arg2: memref<1024x128xf32, #tpu.memory_space<vmem>>, %arg3: memref<1024x1xf32, #tpu.memory_space<vmem>>, %arg4: memref<1x128xf32, #tpu.memory_space<vmem>>, %arg5: memref<128x1xf32, #tpu.memory_space<vmem>>, %arg6: memref<1024x128xf32, #tpu.memory_space<vmem>>, %arg7: memref<1024x1xf32, #tpu.memory_space<vmem>>) attributes {dimension_semantics = [#tpu.dimension_semantics<arbitrary>], iteration_bounds = array<i64: 10>, scalar_prefetch = 0 : i64, scratch_operands = 0 : i64, tpu.core_type = #tpu.core_type<tc>, window_params = [{transform_indices = @transform_0, window_bounds = array<i64: 2, 1024, 128>}, {transform_indices = @transform_1, window_bounds = array<i64: 1024, 128>}, {transform_indices = @transform_2, window_bounds = array<i64: 1024, 1>}, {pipeline_mode = #tpu.pipeline_mode<synchronous>, transform_indices = @transform_3, window_bounds = array<i64: 1, 128>}, {pipeline_mode = #tpu.pipeline_mode<synchronous>, transform_indices = @transform_4, window_bounds = array<i64: 128, 1>}, {transform_indices = @transform_5, window_bounds = array<i64: 1024, 128>}, {transform_indices = @transform_6, window_bounds = array<i64: 1024, 1>}]} {
    %get3A = arith.constant 0 : index
    %get3A_0 = arith.constant 0 : index
    %get3A_1 = arith.constant 0 : index
    %get3A_2 = vector.load %arg1[%get3A, %get3A_0, %get3A_1] : memref<2x1024x128xf32, #tpu.memory_space<vmem>>, vector<1x1024x128xf32>
    %get3A_3 = vector.shape_cast %get3A_2 : vector<1x1024x128xf32> to vector<1024x128xf32>
    %get3A_4 = arith.constant 1 : index
    %get3A_5 = arith.constant 0 : index
    %get3A_6 = arith.constant 0 : index
    %get3A_7 = vector.load %arg1[%get3A_4, %get3A_5, %get3A_6] : memref<2x1024x128xf32, #tpu.memory_space<vmem>>, vector<1x1024x128xf32>
    %get3A_8 = vector.shape_cast %get3A_7 : vector<1x1024x128xf32> to vector<1024x128xf32>
    %add3A = arith.addf %get3A_3, %get3A_8 : vector<1024x128xf32>
    %get3A_9 = arith.constant 0 : index
    %get3A_10 = arith.constant 0 : index
    %get3A_11 = vector.load %arg3[%get3A_9, %get3A_10] : memref<1024x1xf32, #tpu.memory_space<vmem>>, vector<1024x1xf32>
    %mul3A = vector.broadcast %get3A_11 : vector<1024x1xf32> to vector<1024x128xf32>
    %mul3A_12 = arith.mulf %mul3A, %add3A : vector<1024x128xf32>
    %mul3A_13 = arith.mulf %get3A_11, %get3A_11 : vector<1024x1xf32>
    %get3A_14 = arith.constant 0 : index
    %get3A_15 = arith.constant 0 : index
    %get3A_16 = vector.load %arg2[%get3A_14, %get3A_15] : memref<1024x128xf32, #tpu.memory_space<vmem>>, vector<1024x128xf32>
    %mul3A_17 = vector.broadcast %mul3A_13 : vector<1024x1xf32> to vector<1024x128xf32>
    %mul3A_18 = arith.mulf %mul3A_17, %get3A_16 : vector<1024x128xf32>
    %add3A_19 = arith.addf %mul3A_12, %mul3A_18 : vector<1024x128xf32>
    %get3A_20 = arith.constant 0 : index
    %get3A_21 = arith.constant 0 : index
    %get3A_22 = vector.load %arg4[%get3A_20, %get3A_21] : memref<1x128xf32, #tpu.memory_space<vmem>>, vector<1x128xf32>
    %add3A_23 = vector.broadcast %get3A_22 : vector<1x128xf32> to vector<1024x128xf32>
    %add3A_24 = arith.addf %add3A_19, %add3A_23 : vector<1024x128xf32>
    %max3A = arith.constant 0.000000e+00 : f32
    %max3A_25 = vector.broadcast %max3A : f32 to vector<1024x128xf32>
    %max3A_26 = arith.maximumf %add3A_24, %max3A_25 : vector<1024x128xf32>
    %mul3A_27 = arith.constant 1024 : i32
    %mul3A_28 = arith.muli %arg0, %mul3A_27 : i32
    %iota3A = tpu.iota {dimensions = array<i32: 0>} : vector<1024x1xi32>
    %add3A_29 = vector.broadcast %mul3A_28 : i32 to vector<1024x1xi32>
    %add3A_30 = arith.addi %add3A_29, %iota3A : vector<1024x1xi32>
    %lt3A = arith.constant 10000 : i32
    %lt3A_31 = vector.broadcast %lt3A : i32 to vector<1024x1xi32>
    %lt3A_32 = arith.cmpi slt, %add3A_30, %lt3A_31 : vector<1024x1xi32>
    %jit3A = arith.constant 0.000000e+00 : f32
    %broadcast_in_dim3A = vector.shape_cast %lt3A_32 : vector<1024x1xi1> to vector<1024x1xi1>
    %broadcast_in_dim3A_33 = vector.broadcast %broadcast_in_dim3A : vector<1024x1xi1> to vector<1024x128xi1>
    %broadcast_in_dim3A_34 = vector.broadcast %jit3A : f32 to vector<1024x128xf32>
    %select_n3A = arith.select %broadcast_in_dim3A_33, %max3A_26, %broadcast_in_dim3A_34 : vector<1024x128xi1>, vector<1024x128xf32>
    %swap3A = arith.constant 0 : index
    %swap3A_35 = arith.constant 0 : index
    %swap3A_36 = vector.load %arg6[%swap3A, %swap3A_35] : memref<1024x128xf32, #tpu.memory_space<vmem>>, vector<1024x128xf32>
    tpu.vector_store %arg6[%swap3A, %swap3A_35], %select_n3A {strides = array<i32>} : memref<1024x128xf32, #tpu.memory_space<vmem>>, vector<1024x128xf32>,
    %get3A_37 = arith.constant 0 : index
    %get3A_38 = arith.constant 0 : index
    %get3A_39 = vector.load %arg5[%get3A_37, %get3A_38] : memref<128x1xf32, #tpu.memory_space<vmem>>, vector<128x1xf32>
    %dot_general3A = arith.constant dense<0.000000e+00> : vector<1024x1xf32>
    %dot_general3A_40 = tpu.matmul %select_n3A, %get3A_39, %dot_general3A {dimension_numbers = #tpu.dot_dimension_numbers<[1], [0], [0], [1], [0, 0, 1, 1], [], []>, transpose_lhs_hint = false} : vector<1024x128xf32>, vector<128x1xf32>, vector<1024x1xf32> -> vector<1024x1xf32>
    %swap3A_41 = arith.constant 0 : index
    %swap3A_42 = arith.constant 0 : index
    %swap3A_43 = vector.load %arg7[%swap3A_41, %swap3A_42] : memref<1024x1xf32, #tpu.memory_space<vmem>>, vector<1024x1xf32>
    tpu.vector_store %arg7[%swap3A_41, %swap3A_42], %dot_general3A_40 {strides = array<i32>} : memref<1024x1xf32, #tpu.memory_space<vmem>>, vector<1024x1xf32>,
    return
  }
  func.func @transform_0(%arg0: i32) -> (i32, i32, i32) {
    %c0_i32 = arith.constant 0 : i32
    %c0_i32_0 = arith.constant 0 : i32
    %c0_i32_1 = arith.constant 0 : i32
    return %c0_i32, %arg0, %c0_i32_0 : i32, i32, i32
  }
  func.func @transform_1(%arg0: i32) -> (i32, i32) {
    %c0_i32 = arith.constant 0 : i32
    %c0_i32_0 = arith.constant 0 : i32
    return %arg0, %c0_i32 : i32, i32
  }
  func.func @transform_2(%arg0: i32) -> (i32, i32) {
    %c0_i32 = arith.constant 0 : i32
    %c0_i32_0 = arith.constant 0 : i32
    return %arg0, %c0_i32 : i32, i32
  }
  func.func @transform_3(%arg0: i32) -> (i32, i32) {
    %c0_i32 = arith.constant 0 : i32
    %c0_i32_0 = arith.constant 0 : i32
    %c0_i32_1 = arith.constant 0 : i32
    return %c0_i32, %c0_i32_0 : i32, i32
  }
  func.func @transform_4(%arg0: i32) -> (i32, i32) {
    %c0_i32 = arith.constant 0 : i32
    %c0_i32_0 = arith.constant 0 : i32
    %c0_i32_1 = arith.constant 0 : i32
    return %c0_i32, %c0_i32_0 : i32, i32
  }
  func.func @transform_5(%arg0: i32) -> (i32, i32) {
    %c0_i32 = arith.constant 0 : i32
    %c0_i32_0 = arith.constant 0 : i32
    return %arg0, %c0_i32 : i32, i32
  }
  func.func @transform_6(%arg0: i32) -> (i32, i32) {
    %c0_i32 = arith.constant 0 : i32
    %c0_i32_0 = arith.constant 0 : i32
    return %arg0, %c0_i32 : i32, i32
  }
}

module attributes {stable_mosaic.version = 14 : i64} {
  func.func @_score_body(%arg0: i32, %arg1: memref<2x1024x128xf32, #tpu.memory_space<vmem>>, %arg2: memref<1024x1xf32, #tpu.memory_space<vmem>>, %arg3: memref<128x1xf32, #tpu.memory_space<vmem>>, %arg4: memref<1x1xf32, #tpu.memory_space<vmem>>, %arg5: memref<1024x1xf32, #tpu.memory_space<vmem>>, %arg6: memref<1024x1xf32, #tpu.memory_space<vmem>>) attributes {dimension_semantics = [#tpu.dimension_semantics<arbitrary>], iteration_bounds = array<i64: 10>, scalar_prefetch = 0 : i64, scratch_operands = 0 : i64, tpu.core_type = #tpu.core_type<tc>, window_params = [{transform_indices = @transform_0, window_bounds = array<i64: 2, 1024, 128>}, {transform_indices = @transform_1, window_bounds = array<i64: 1024, 1>}, {pipeline_mode = #tpu.pipeline_mode<synchronous>, transform_indices = @transform_2, window_bounds = array<i64: 128, 1>}, {pipeline_mode = #tpu.pipeline_mode<synchronous>, transform_indices = @transform_3, window_bounds = array<i64: 1, 1>}, {transform_indices = @transform_4, window_bounds = array<i64: 1024, 1>}, {transform_indices = @transform_5, window_bounds = array<i64: 1024, 1>}]} {
    %get3A = arith.constant 0 : index
    %get3A_0 = arith.constant 0 : index
    %get3A_1 = arith.constant 0 : index
    %get3A_2 = vector.load %arg1[%get3A, %get3A_0, %get3A_1] : memref<2x1024x128xf32, #tpu.memory_space<vmem>>, vector<1x1024x128xf32>
    %get3A_3 = vector.shape_cast %get3A_2 : vector<1x1024x128xf32> to vector<1024x128xf32>
    %get3A_4 = arith.constant 1 : index
    %get3A_5 = arith.constant 0 : index
    %get3A_6 = arith.constant 0 : index
    %get3A_7 = vector.load %arg1[%get3A_4, %get3A_5, %get3A_6] : memref<2x1024x128xf32, #tpu.memory_space<vmem>>, vector<1x1024x128xf32>
    %get3A_8 = vector.shape_cast %get3A_7 : vector<1x1024x128xf32> to vector<1024x128xf32>
    %add3A = arith.addf %get3A_3, %get3A_8 : vector<1024x128xf32>
    %get3A_9 = arith.constant 0 : index
    %get3A_10 = arith.constant 0 : index
    %get3A_11 = vector.load %arg3[%get3A_9, %get3A_10] : memref<128x1xf32, #tpu.memory_space<vmem>>, vector<128x1xf32>
    %dot_general3A = arith.constant dense<0.000000e+00> : vector<1024x1xf32>
    %dot_general3A_12 = tpu.matmul %add3A, %get3A_11, %dot_general3A {dimension_numbers = #tpu.dot_dimension_numbers<[1], [0], [0], [1], [0, 0, 1, 1], [], []>, transpose_lhs_hint = false} : vector<1024x128xf32>, vector<128x1xf32>, vector<1024x1xf32> -> vector<1024x1xf32>
    %get3A_13 = arith.constant 0 : index
    %get3A_14 = arith.constant 0 : index
    %get3A_15 = vector.load %arg4[%get3A_13, %get3A_14] : memref<1x1xf32, #tpu.memory_space<vmem>>, vector<1x1xf32>
    %add3A_16 = vector.broadcast %get3A_15 : vector<1x1xf32> to vector<1024x1xf32>
    %add3A_17 = arith.addf %dot_general3A_12, %add3A_16 : vector<1024x1xf32>
    %get3A_18 = arith.constant 0 : index
    %get3A_19 = arith.constant 0 : index
    %get3A_20 = vector.load %arg2[%get3A_18, %get3A_19] : memref<1024x1xf32, #tpu.memory_space<vmem>>, vector<1024x1xf32>
    %add3A_21 = arith.addf %add3A_17, %get3A_20 : vector<1024x1xf32>
    %swap3A = arith.constant 0 : index
    %swap3A_22 = arith.constant 0 : index
    %swap3A_23 = vector.load %arg5[%swap3A, %swap3A_22] : memref<1024x1xf32, #tpu.memory_space<vmem>>, vector<1024x1xf32>
    tpu.vector_store %arg5[%swap3A, %swap3A_22], %add3A_21 {strides = array<i32>} : memref<1024x1xf32, #tpu.memory_space<vmem>>, vector<1024x1xf32>,
    %tanh3A = math.tanh %add3A_21 : vector<1024x1xf32>
    %swap3A_24 = arith.constant 0 : index
    %swap3A_25 = arith.constant 0 : index
    %swap3A_26 = vector.load %arg6[%swap3A_24, %swap3A_25] : memref<1024x1xf32, #tpu.memory_space<vmem>>, vector<1024x1xf32>
    tpu.vector_store %arg6[%swap3A_24, %swap3A_25], %tanh3A {strides = array<i32>} : memref<1024x1xf32, #tpu.memory_space<vmem>>, vector<1024x1xf32>,
    return
  }
  func.func @transform_0(%arg0: i32) -> (i32, i32, i32) {
    %c0_i32 = arith.constant 0 : i32
    %c0_i32_0 = arith.constant 0 : i32
    %c0_i32_1 = arith.constant 0 : i32
    return %c0_i32, %arg0, %c0_i32_0 : i32, i32, i32
  }
  func.func @transform_1(%arg0: i32) -> (i32, i32) {
    %c0_i32 = arith.constant 0 : i32
    %c0_i32_0 = arith.constant 0 : i32
    return %arg0, %c0_i32 : i32, i32
  }
  func.func @transform_2(%arg0: i32) -> (i32, i32) {
    %c0_i32 = arith.constant 0 : i32
    %c0_i32_0 = arith.constant 0 : i32
    %c0_i32_1 = arith.constant 0 : i32
    return %c0_i32, %c0_i32_0 : i32, i32
  }
  func.func @transform_3(%arg0: i32) -> (i32, i32) {
    %c0_i32 = arith.constant 0 : i32
    %c0_i32_0 = arith.constant 0 : i32
    %c0_i32_1 = arith.constant 0 : i32
    return %c0_i32, %c0_i32_0 : i32, i32
  }
  func.func @transform_4(%arg0: i32) -> (i32, i32) {
    %c0_i32 = arith.constant 0 : i32
    %c0_i32_0 = arith.constant 0 : i32
    return %arg0, %c0_i32 : i32, i32
  }
  func.func @transform_5(%arg0: i32) -> (i32, i32) {
    %c0_i32 = arith.constant 0 : i32
    %c0_i32_0 = arith.constant 0 : i32
    return %arg0, %c0_i32 : i32, i32
  }
}

module attributes {stable_mosaic.version = 14 : i64} {
  func.func @_topk_body(%arg0: i32, %arg1: memref<128x1xf32, #tpu.memory_space<vmem>>, %arg2: memref<128x1xi32, #tpu.memory_space<vmem>>, %arg3: memref<80x128xf32, #tpu.memory_space<vmem>>, %arg4: memref<80x128xi32, #tpu.memory_space<vmem>>, %arg5: memref<80xi32, #tpu.memory_space<smem>>, %arg6: memref<80xi32, #tpu.memory_space<smem>>, %arg7: memref<128x1xf32, #tpu.memory_space<vmem>>) attributes {dimension_semantics = [#tpu.dimension_semantics<arbitrary>], iteration_bounds = array<i64: 80>, scalar_prefetch = 0 : i64, scratch_operands = 0 : i64, tpu.core_type = #tpu.core_type<tc>, window_params = [{transform_indices = @transform_0, window_bounds = array<i64: 128, 1>}, {transform_indices = @transform_1, window_bounds = array<i64: 128, 1>}, {pipeline_mode = #tpu.pipeline_mode<synchronous>, transform_indices = @transform_2, window_bounds = array<i64: 80, 128>}, {pipeline_mode = #tpu.pipeline_mode<synchronous>, transform_indices = @transform_3, window_bounds = array<i64: 80, 128>}, {transform_indices = @transform_4, window_bounds = array<i64: 80>}, {transform_indices = @transform_5, window_bounds = array<i64: 80>}, {transform_indices = @transform_6, window_bounds = array<i64: 128, 1>}]} {
    %get3A = arith.constant 0 : index
    %get3A_0 = arith.constant 0 : index
    %get3A_1 = vector.load %arg1[%get3A, %get3A_0] : memref<128x1xf32, #tpu.memory_space<vmem>>, vector<128x1xf32>
    %get3A_2 = arith.constant 0 : index
    %get3A_3 = arith.constant 0 : index
    %get3A_4 = vector.load %arg2[%get3A_2, %get3A_3] : memref<128x1xi32, #tpu.memory_space<vmem>>, vector<128x1xi32>
    %mul3A = arith.constant 128 : i32
    %mul3A_5 = arith.muli %arg0, %mul3A : i32
    %iota3A = tpu.iota {dimensions = array<i32: 0>} : vector<128x1xi32>
    %add3A = vector.broadcast %mul3A_5 : i32 to vector<128x1xi32>
    %add3A_6 = arith.addi %add3A, %iota3A : vector<128x1xi32>
    %broadcast_in_dim3A = arith.constant 0 : i32
    %broadcast_in_dim3A_7 = vector.broadcast %broadcast_in_dim3A : i32 to vector<128x1xi32>
    %get3A_8 = arith.index_cast %arg0 : i32 to index
    %get3A_9 = memref.load %arg5[%get3A_8] : memref<80xi32, #tpu.memory_space<smem>>
    %get3A_10 = arith.index_cast %arg0 : i32 to index
    %get3A_11 = memref.load %arg6[%get3A_10] : memref<80xi32, #tpu.memory_space<smem>>
    %add3A_12 = arith.constant 1 : i32
    %add3A_13 = arith.addi %get3A_11, %add3A_12 : i32
    %while3A = arith.subi %add3A_13, %get3A_9 : i32
    %while3A_14 = arith.addi %get3A_9, %while3A : i32
    %while3A_15 = arith.constant 1 : i32
    %while3A_16 = arith.divsi %while3A, %while3A_15 : i32
    %while3A_17 = arith.muli %while3A_16, %while3A_15 : i32
    %while3A_18 = arith.addi %get3A_9, %while3A_17 : i32
    %while3A_19 = arith.constant 1 : i32
    %while3A_20:2 = scf.for %while3A_56 = %get3A_9 to %while3A_18 step %while3A_19 iter_args(%while3A_57 = %broadcast_in_dim3A_7, %while3A_58 = %broadcast_in_dim3A_7) -> (vector<128x1xi32>, vector<128x1xi32>)  : i32 {
      %get3A_59 = arith.index_cast %while3A_56 : i32 to index
      %get3A_60 = arith.constant 0 : index
      %get3A_61 = vector.load %arg3[%get3A_59, %get3A_60] : memref<80x128xf32, #tpu.memory_space<vmem>>, vector<1x128xf32>
      %get3A_62 = arith.index_cast %while3A_56 : i32 to index
      %get3A_63 = arith.constant 0 : index
      %get3A_64 = vector.load %arg4[%get3A_62, %get3A_63] : memref<80x128xi32, #tpu.memory_space<vmem>>, vector<1x128xi32>
      %mul3A_65 = arith.constant 128 : i32
      %mul3A_66 = arith.muli %while3A_56, %mul3A_65 : i32
      %iota3A_67 = tpu.iota {dimensions = array<i32: 1>} : vector<1x128xi32>
      %add3A_68 = vector.broadcast %mul3A_66 : i32 to vector<1x128xi32>
      %add3A_69 = arith.addi %add3A_68, %iota3A_67 : vector<1x128xi32>
      %eq3A = vector.broadcast %get3A_4 : vector<128x1xi32> to vector<128x128xi32>
      %eq3A_70 = vector.broadcast %get3A_64 : vector<1x128xi32> to vector<128x128xi32>
      %eq3A_71 = arith.cmpi eq, %eq3A, %eq3A_70 : vector<128x128xi32>
      %gt3A = vector.broadcast %get3A_61 : vector<1x128xf32> to vector<128x128xf32>
      %gt3A_72 = vector.broadcast %get3A_1 : vector<128x1xf32> to vector<128x128xf32>
      %gt3A_73 = arith.cmpf ogt, %gt3A, %gt3A_72 : vector<128x128xf32>
      %eq3A_74 = vector.broadcast %get3A_61 : vector<1x128xf32> to vector<128x128xf32>
      %eq3A_75 = vector.broadcast %get3A_1 : vector<128x1xf32> to vector<128x128xf32>
      %eq3A_76 = arith.cmpf oeq, %eq3A_74, %eq3A_75 : vector<128x128xf32>
      %lt3A_77 = vector.broadcast %add3A_69 : vector<1x128xi32> to vector<128x128xi32>
      %lt3A_78 = vector.broadcast %add3A_6 : vector<128x1xi32> to vector<128x128xi32>
      %lt3A_79 = arith.cmpi slt, %lt3A_77, %lt3A_78 : vector<128x128xi32>
      %and3A_80 = arith.andi %eq3A_76, %lt3A_79 : vector<128x128xi1>
      %or3A = arith.ori %gt3A_73, %and3A_80 : vector<128x128xi1>
      %and3A_81 = arith.andi %eq3A_71, %or3A : vector<128x128xi1>
      %convert_element_type3A_82 = arith.extui %and3A_81 : vector<128x128xi1> to vector<128x128xi32>
      %reduce_sum3A = arith.constant dense<0> : vector<128xi32>
      %reduce_sum3A_83 = vector.multi_reduction <add>, %convert_element_type3A_82, %reduce_sum3A [1] : vector<128x128xi32> to vector<128xi32>
      %broadcast_in_dim3A_84 = vector.shape_cast %reduce_sum3A_83 : vector<128xi32> to vector<128x1xi32>
      %add3A_85 = arith.addi %while3A_57, %broadcast_in_dim3A_84 : vector<128x1xi32>
      %convert_element_type3A_86 = arith.extui %eq3A_71 : vector<128x128xi1> to vector<128x128xi32>
      %reduce_sum3A_87 = arith.constant dense<0> : vector<128xi32>
      %reduce_sum3A_88 = vector.multi_reduction <add>, %convert_element_type3A_86, %reduce_sum3A_87 [1] : vector<128x128xi32> to vector<128xi32>
      %broadcast_in_dim3A_89 = vector.shape_cast %reduce_sum3A_88 : vector<128xi32> to vector<128x1xi32>
      %add3A_90 = arith.addi %while3A_58, %broadcast_in_dim3A_89 : vector<128x1xi32>
      scf.yield %add3A_85, %add3A_90 : vector<128x1xi32>, vector<128x1xi32>
    }
    %while3A_21 = arith.constant 1 : i32
    %while3A_22:2 = scf.for %while3A_56 = %while3A_18 to %while3A_14 step %while3A_21 iter_args(%while3A_57 = %while3A_20#0, %while3A_58 = %while3A_20#1) -> (vector<128x1xi32>, vector<128x1xi32>)  : i32 {
      %get3A_59 = arith.index_cast %while3A_56 : i32 to index
      %get3A_60 = arith.constant 0 : index
      %get3A_61 = vector.load %arg3[%get3A_59, %get3A_60] : memref<80x128xf32, #tpu.memory_space<vmem>>, vector<1x128xf32>
      %get3A_62 = arith.index_cast %while3A_56 : i32 to index
      %get3A_63 = arith.constant 0 : index
      %get3A_64 = vector.load %arg4[%get3A_62, %get3A_63] : memref<80x128xi32, #tpu.memory_space<vmem>>, vector<1x128xi32>
      %mul3A_65 = arith.constant 128 : i32
      %mul3A_66 = arith.muli %while3A_56, %mul3A_65 : i32
      %iota3A_67 = tpu.iota {dimensions = array<i32: 1>} : vector<1x128xi32>
      %add3A_68 = vector.broadcast %mul3A_66 : i32 to vector<1x128xi32>
      %add3A_69 = arith.addi %add3A_68, %iota3A_67 : vector<1x128xi32>
      %eq3A = vector.broadcast %get3A_4 : vector<128x1xi32> to vector<128x128xi32>
      %eq3A_70 = vector.broadcast %get3A_64 : vector<1x128xi32> to vector<128x128xi32>
      %eq3A_71 = arith.cmpi eq, %eq3A, %eq3A_70 : vector<128x128xi32>
      %gt3A = vector.broadcast %get3A_61 : vector<1x128xf32> to vector<128x128xf32>
      %gt3A_72 = vector.broadcast %get3A_1 : vector<128x1xf32> to vector<128x128xf32>
      %gt3A_73 = arith.cmpf ogt, %gt3A, %gt3A_72 : vector<128x128xf32>
      %eq3A_74 = vector.broadcast %get3A_61 : vector<1x128xf32> to vector<128x128xf32>
      %eq3A_75 = vector.broadcast %get3A_1 : vector<128x1xf32> to vector<128x128xf32>
      %eq3A_76 = arith.cmpf oeq, %eq3A_74, %eq3A_75 : vector<128x128xf32>
      %lt3A_77 = vector.broadcast %add3A_69 : vector<1x128xi32> to vector<128x128xi32>
      %lt3A_78 = vector.broadcast %add3A_6 : vector<128x1xi32> to vector<128x128xi32>
      %lt3A_79 = arith.cmpi slt, %lt3A_77, %lt3A_78 : vector<128x128xi32>
      %and3A_80 = arith.andi %eq3A_76, %lt3A_79 : vector<128x128xi1>
      %or3A = arith.ori %gt3A_73, %and3A_80 : vector<128x128xi1>
      %and3A_81 = arith.andi %eq3A_71, %or3A : vector<128x128xi1>
      %convert_element_type3A_82 = arith.extui %and3A_81 : vector<128x128xi1> to vector<128x128xi32>
      %reduce_sum3A = arith.constant dense<0> : vector<128xi32>
      %reduce_sum3A_83 = vector.multi_reduction <add>, %convert_element_type3A_82, %reduce_sum3A [1] : vector<128x128xi32> to vector<128xi32>
      %broadcast_in_dim3A_84 = vector.shape_cast %reduce_sum3A_83 : vector<128xi32> to vector<128x1xi32>
      %add3A_85 = arith.addi %while3A_57, %broadcast_in_dim3A_84 : vector<128x1xi32>
      %convert_element_type3A_86 = arith.extui %eq3A_71 : vector<128x128xi1> to vector<128x128xi32>
      %reduce_sum3A_87 = arith.constant dense<0> : vector<128xi32>
      %reduce_sum3A_88 = vector.multi_reduction <add>, %convert_element_type3A_86, %reduce_sum3A_87 [1] : vector<128x128xi32> to vector<128xi32>
      %broadcast_in_dim3A_89 = vector.shape_cast %reduce_sum3A_88 : vector<128xi32> to vector<128x1xi32>
      %add3A_90 = arith.addi %while3A_58, %broadcast_in_dim3A_89 : vector<128x1xi32>
      scf.yield %add3A_85, %add3A_90 : vector<128x1xi32>, vector<128x1xi32>
    }
    %add3A_23 = arith.constant 1 : i32
    %add3A_24 = vector.broadcast %add3A_23 : i32 to vector<128x1xi32>
    %add3A_25 = arith.addi %while3A_22#1, %add3A_24 : vector<128x1xi32>
    %jit3A = arith.constant 2 : i32
    %div3A = vector.broadcast %jit3A : i32 to vector<128x1xi32>
    %div3A_26 = arith.divsi %add3A_25, %div3A : vector<128x1xi32>
    %sign3A = arith.constant 0 : i32
    %sign3A_27 = vector.broadcast %sign3A : i32 to vector<128x1xi32>
    %sign3A_28 = arith.cmpi sgt, %add3A_25, %sign3A_27 : vector<128x1xi32>
    %sign3A_29 = arith.extui %sign3A_28 : vector<128x1xi1> to vector<128x1xi32>
    %sign3A_30 = arith.constant 0 : i32
    %sign3A_31 = vector.broadcast %sign3A_30 : i32 to vector<128x1xi32>
    %sign3A_32 = arith.cmpi slt, %add3A_25, %sign3A_31 : vector<128x1xi32>
    %sign3A_33 = arith.extui %sign3A_32 : vector<128x1xi1> to vector<128x1xi32>
    %sign3A_34 = arith.subi %sign3A_29, %sign3A_33 : vector<128x1xi32>
    %sign3A_35 = arith.constant 0 : i32
    %sign3A_36 = arith.cmpi sgt, %jit3A, %sign3A_35 : i32
    %sign3A_37 = arith.extui %sign3A_36 : i1 to i32
    %sign3A_38 = arith.constant 0 : i32
    %sign3A_39 = arith.cmpi slt, %jit3A, %sign3A_38 : i32
    %sign3A_40 = arith.extui %sign3A_39 : i1 to i32
    %sign3A_41 = arith.subi %sign3A_37, %sign3A_40 : i32
    %ne3A = vector.broadcast %sign3A_41 : i32 to vector<128x1xi32>
    %ne3A_42 = arith.cmpi ne, %sign3A_34, %ne3A : vector<128x1xi32>
    %rem3A = vector.broadcast %jit3A : i32 to vector<128x1xi32>
    %rem3A_43 = arith.remsi %add3A_25, %rem3A : vector<128x1xi32>
    %ne3A_44 = arith.constant 0 : i32
    %ne3A_45 = vector.broadcast %ne3A_44 : i32 to vector<128x1xi32>
    %ne3A_46 = arith.cmpi ne, %rem3A_43, %ne3A_45 : vector<128x1xi32>
    %and3A = arith.andi %ne3A_42, %ne3A_46 : vector<128x1xi1>
    %sub3A = arith.constant 1 : i32
    %sub3A_47 = vector.broadcast %sub3A : i32 to vector<128x1xi32>
    %sub3A_48 = arith.subi %div3A_26, %sub3A_47 : vector<128x1xi32>
    %select_n3A = arith.select %and3A, %sub3A_48, %div3A_26 : vector<128x1xi1>, vector<128x1xi32>
    %lt3A = arith.cmpi slt, %while3A_22#0, %select_n3A : vector<128x1xi32>
    %lt3A_49 = arith.constant 10000 : i32
    %lt3A_50 = vector.broadcast %lt3A_49 : i32 to vector<128x1xi32>
    %lt3A_51 = arith.cmpi slt, %add3A_6, %lt3A_50 : vector<128x1xi32>
    %and3A_52 = arith.andi %lt3A, %lt3A_51 : vector<128x1xi1>
    %convert_element_type3A = arith.extui %and3A_52 : vector<128x1xi1> to vector<128x1xi32>
    %convert_element_type3A_53 = arith.sitofp %convert_element_type3A : vector<128x1xi32> to vector<128x1xf32>
    %swap3A = arith.constant 0 : index
    %swap3A_54 = arith.constant 0 : index
    %swap3A_55 = vector.load %arg7[%swap3A, %swap3A_54] : memref<128x1xf32, #tpu.memory_space<vmem>>, vector<128x1xf32>
    tpu.vector_store %arg7[%swap3A, %swap3A_54], %convert_element_type3A_53 {strides = array<i32>} : memref<128x1xf32, #tpu.memory_space<vmem>>, vector<128x1xf32>,
    return
  }
  func.func @transform_0(%arg0: i32) -> (i32, i32) {
    %c0_i32 = arith.constant 0 : i32
    %c0_i32_0 = arith.constant 0 : i32
    return %arg0, %c0_i32 : i32, i32
  }
  func.func @transform_1(%arg0: i32) -> (i32, i32) {
    %c0_i32 = arith.constant 0 : i32
    %c0_i32_0 = arith.constant 0 : i32
    return %arg0, %c0_i32 : i32, i32
  }
  func.func @transform_2(%arg0: i32) -> (i32, i32) {
    %c0_i32 = arith.constant 0 : i32
    %c0_i32_0 = arith.constant 0 : i32
    %c0_i32_1 = arith.constant 0 : i32
    return %c0_i32, %c0_i32_0 : i32, i32
  }
  func.func @transform_3(%arg0: i32) -> (i32, i32) {
    %c0_i32 = arith.constant 0 : i32
    %c0_i32_0 = arith.constant 0 : i32
    %c0_i32_1 = arith.constant 0 : i32
    return %c0_i32, %c0_i32_0 : i32, i32
  }
  func.func @transform_4(%arg0: i32) -> i32 {
    %c0_i32 = arith.constant 0 : i32
    %c0_i32_0 = arith.constant 0 : i32
    return %c0_i32 : i32
  }
  func.func @transform_5(%arg0: i32) -> i32 {
    %c0_i32 = arith.constant 0 : i32
    %c0_i32_0 = arith.constant 0 : i32
    return %c0_i32 : i32
  }
  func.func @transform_6(%arg0: i32) -> (i32, i32) {
    %c0_i32 = arith.constant 0 : i32
    %c0_i32_0 = arith.constant 0 : i32
    return %arg0, %c0_i32 : i32, i32
  }
}

module attributes {stable_mosaic.version = 14 : i64} {
  func.func @_mid2_body(%arg0: i32, %arg1: memref<1024x128xf32, #tpu.memory_space<vmem>>, %arg2: memref<1024x1xf32, #tpu.memory_space<vmem>>, %arg3: memref<1024x1xf32, #tpu.memory_space<vmem>>, %arg4: memref<2x1024x1xf32, #tpu.memory_space<vmem>>, %arg5: memref<128x128xf32, #tpu.memory_space<vmem>>, %arg6: memref<1024x128xf32, #tpu.memory_space<vmem>>, %arg7: memref<1024x128xf32, #tpu.memory_space<vmem>>, %arg8: memref<1024x1xf32, #tpu.memory_space<vmem>>, %arg9: memref<1024x1xf32, #tpu.memory_space<vmem>>) attributes {dimension_semantics = [#tpu.dimension_semantics<arbitrary>], iteration_bounds = array<i64: 10>, scalar_prefetch = 0 : i64, scratch_operands = 0 : i64, tpu.core_type = #tpu.core_type<tc>, window_params = [{transform_indices = @transform_0, window_bounds = array<i64: 1024, 128>}, {transform_indices = @transform_1, window_bounds = array<i64: 1024, 1>}, {transform_indices = @transform_2, window_bounds = array<i64: 1024, 1>}, {transform_indices = @transform_3, window_bounds = array<i64: 2, 1024, 1>}, {pipeline_mode = #tpu.pipeline_mode<synchronous>, transform_indices = @transform_4, window_bounds = array<i64: 128, 128>}, {transform_indices = @transform_5, window_bounds = array<i64: 1024, 128>}, {transform_indices = @transform_6, window_bounds = array<i64: 1024, 128>}, {transform_indices = @transform_7, window_bounds = array<i64: 1024, 1>}, {transform_indices = @transform_8, window_bounds = array<i64: 1024, 1>}]} {
    %get3A = arith.constant 0 : index
    %get3A_0 = arith.constant 0 : index
    %get3A_1 = vector.load %arg3[%get3A, %get3A_0] : memref<1024x1xf32, #tpu.memory_space<vmem>>, vector<1024x1xf32>
    %get3A_2 = arith.constant 0 : index
    %get3A_3 = arith.constant 0 : index
    %get3A_4 = arith.constant 0 : index
    %get3A_5 = vector.load %arg4[%get3A_2, %get3A_3, %get3A_4] : memref<2x1024x1xf32, #tpu.memory_space<vmem>>, vector<1x1024x1xf32>
    %get3A_6 = vector.shape_cast %get3A_5 : vector<1x1024x1xf32> to vector<1024x1xf32>
    %get3A_7 = arith.constant 1 : index
    %get3A_8 = arith.constant 0 : index
    %get3A_9 = arith.constant 0 : index
    %get3A_10 = vector.load %arg4[%get3A_7, %get3A_8, %get3A_9] : memref<2x1024x1xf32, #tpu.memory_space<vmem>>, vector<1x1024x1xf32>
    %get3A_11 = vector.shape_cast %get3A_10 : vector<1x1024x1xf32> to vector<1024x1xf32>
    %add3A = arith.addf %get3A_6, %get3A_11 : vector<1024x1xf32>
    %mul3A = arith.mulf %get3A_1, %add3A : vector<1024x1xf32>
    %add3A_12 = arith.constant 1.000000e+00 : f32
    %add3A_13 = vector.broadcast %add3A_12 : f32 to vector<1024x1xf32>
    %add3A_14 = arith.addf %mul3A, %add3A_13 : vector<1024x1xf32>
    %rsqrt3A = math.rsqrt %add3A_14 : vector<1024x1xf32>
    %get3A_15 = arith.constant 0 : index
    %get3A_16 = arith.constant 0 : index
    %get3A_17 = vector.load %arg1[%get3A_15, %get3A_16] : memref<1024x128xf32, #tpu.memory_space<vmem>>, vector<1024x128xf32>
    %get3A_18 = arith.constant 0 : index
    %get3A_19 = arith.constant 0 : index
    %get3A_20 = vector.load %arg2[%get3A_18, %get3A_19] : memref<1024x1xf32, #tpu.memory_space<vmem>>, vector<1024x1xf32>
    %mul3A_21 = vector.broadcast %get3A_20 : vector<1024x1xf32> to vector<1024x128xf32>
    %mul3A_22 = arith.mulf %get3A_17, %mul3A_21 : vector<1024x128xf32>
    %mul3A_23 = vector.broadcast %get3A_1 : vector<1024x1xf32> to vector<1024x128xf32>
    %mul3A_24 = arith.mulf %mul3A_22, %mul3A_23 : vector<1024x128xf32>
    %get3A_25 = arith.constant 0 : index
    %get3A_26 = arith.constant 0 : index
    %get3A_27 = vector.load %arg5[%get3A_25, %get3A_26] : memref<128x128xf32, #tpu.memory_space<vmem>>, vector<128x128xf32>
    %dot_general3A = arith.constant dense<0.000000e+00> : vector<1024x128xf32>
    %dot_general3A_28 = tpu.matmul %mul3A_24, %get3A_27, %dot_general3A {dimension_numbers = #tpu.dot_dimension_numbers<[1], [0], [0], [1], [0, 0, 1, 1], [], []>, transpose_lhs_hint = false} : vector<1024x128xf32>, vector<128x128xf32>, vector<1024x128xf32> -> vector<1024x128xf32>
    %swap3A = arith.constant 0 : index
    %swap3A_29 = arith.constant 0 : index
    %swap3A_30 = vector.load %arg6[%swap3A, %swap3A_29] : memref<1024x128xf32, #tpu.memory_space<vmem>>, vector<1024x128xf32>
    tpu.vector_store %arg6[%swap3A, %swap3A_29], %dot_general3A_28 {strides = array<i32>} : memref<1024x128xf32, #tpu.memory_space<vmem>>, vector<1024x128xf32>,
    %mul3A_31 = vector.broadcast %rsqrt3A : vector<1024x1xf32> to vector<1024x128xf32>
    %mul3A_32 = arith.mulf %dot_general3A_28, %mul3A_31 : vector<1024x128xf32>
    %swap3A_33 = arith.constant 0 : index
    %swap3A_34 = arith.constant 0 : index
    %swap3A_35 = vector.load %arg7[%swap3A_33, %swap3A_34] : memref<1024x128xf32, #tpu.memory_space<vmem>>, vector<1024x128xf32>
    tpu.vector_store %arg7[%swap3A_33, %swap3A_34], %mul3A_32 {strides = array<i32>} : memref<1024x128xf32, #tpu.memory_space<vmem>>, vector<1024x128xf32>,
    %mul3A_36 = arith.mulf %rsqrt3A, %get3A_1 : vector<1024x1xf32>
    %swap3A_37 = arith.constant 0 : index
    %swap3A_38 = arith.constant 0 : index
    %swap3A_39 = vector.load %arg8[%swap3A_37, %swap3A_38] : memref<1024x1xf32, #tpu.memory_space<vmem>>, vector<1024x1xf32>
    tpu.vector_store %arg8[%swap3A_37, %swap3A_38], %mul3A_36 {strides = array<i32>} : memref<1024x1xf32, #tpu.memory_space<vmem>>, vector<1024x1xf32>,
    %mul3A_40 = arith.mulf %rsqrt3A, %rsqrt3A : vector<1024x1xf32>
    %swap3A_41 = arith.constant 0 : index
    %swap3A_42 = arith.constant 0 : index
    %swap3A_43 = vector.load %arg9[%swap3A_41, %swap3A_42] : memref<1024x1xf32, #tpu.memory_space<vmem>>, vector<1024x1xf32>
    tpu.vector_store %arg9[%swap3A_41, %swap3A_42], %mul3A_40 {strides = array<i32>} : memref<1024x1xf32, #tpu.memory_space<vmem>>, vector<1024x1xf32>,
    return
  }
  func.func @transform_0(%arg0: i32) -> (i32, i32) {
    %c0_i32 = arith.constant 0 : i32
    %c0_i32_0 = arith.constant 0 : i32
    return %arg0, %c0_i32 : i32, i32
  }
  func.func @transform_1(%arg0: i32) -> (i32, i32) {
    %c0_i32 = arith.constant 0 : i32
    %c0_i32_0 = arith.constant 0 : i32
    return %arg0, %c0_i32 : i32, i32
  }
  func.func @transform_2(%arg0: i32) -> (i32, i32) {
    %c0_i32 = arith.constant 0 : i32
    %c0_i32_0 = arith.constant 0 : i32
    return %arg0, %c0_i32 : i32, i32
  }
  func.func @transform_3(%arg0: i32) -> (i32, i32, i32) {
    %c0_i32 = arith.constant 0 : i32
    %c0_i32_0 = arith.constant 0 : i32
    %c0_i32_1 = arith.constant 0 : i32
    return %c0_i32, %arg0, %c0_i32_0 : i32, i32, i32
  }
  func.func @transform_4(%arg0: i32) -> (i32, i32) {
    %c0_i32 = arith.constant 0 : i32
    %c0_i32_0 = arith.constant 0 : i32
    %c0_i32_1 = arith.constant 0 : i32
    return %c0_i32, %c0_i32_0 : i32, i32
  }
  func.func @transform_5(%arg0: i32) -> (i32, i32) {
    %c0_i32 = arith.constant 0 : i32
    %c0_i32_0 = arith.constant 0 : i32
    return %arg0, %c0_i32 : i32, i32
  }
  func.func @transform_6(%arg0: i32) -> (i32, i32) {
    %c0_i32 = arith.constant 0 : i32
    %c0_i32_0 = arith.constant 0 : i32
    return %arg0, %c0_i32 : i32, i32
  }
  func.func @transform_7(%arg0: i32) -> (i32, i32) {
    %c0_i32 = arith.constant 0 : i32
    %c0_i32_0 = arith.constant 0 : i32
    return %arg0, %c0_i32 : i32, i32
  }
  func.func @transform_8(%arg0: i32) -> (i32, i32) {
    %c0_i32 = arith.constant 0 : i32
    %c0_i32_0 = arith.constant 0 : i32
    return %arg0, %c0_i32 : i32, i32
  }
}

module attributes {stable_mosaic.version = 14 : i64} {
  func.func @_final_body(%arg0: i32, %arg1: memref<2x1024x128xf32, #tpu.memory_space<vmem>>, %arg2: memref<1024x128xf32, #tpu.memory_space<vmem>>, %arg3: memref<1024x1xf32, #tpu.memory_space<vmem>>, %arg4: memref<1024x1xf32, #tpu.memory_space<vmem>>, %arg5: memref<1x128xf32, #tpu.memory_space<vmem>>, %arg6: memref<128x128xf32, #tpu.memory_space<vmem>>, %arg7: memref<1x128xf32, #tpu.memory_space<vmem>>, %arg8: memref<1024x1xf32, #tpu.memory_space<vmem>>, %arg9: memref<1024x128xf32, #tpu.memory_space<vmem>>) attributes {dimension_semantics = [#tpu.dimension_semantics<arbitrary>], iteration_bounds = array<i64: 10>, scalar_prefetch = 0 : i64, scratch_operands = 0 : i64, tpu.core_type = #tpu.core_type<tc>, window_params = [{transform_indices = @transform_0, window_bounds = array<i64: 2, 1024, 128>}, {transform_indices = @transform_1, window_bounds = array<i64: 1024, 128>}, {transform_indices = @transform_2, window_bounds = array<i64: 1024, 1>}, {transform_indices = @transform_3, window_bounds = array<i64: 1024, 1>}, {pipeline_mode = #tpu.pipeline_mode<synchronous>, transform_indices = @transform_4, window_bounds = array<i64: 1, 128>}, {pipeline_mode = #tpu.pipeline_mode<synchronous>, transform_indices = @transform_5, window_bounds = array<i64: 128, 128>}, {pipeline_mode = #tpu.pipeline_mode<synchronous>, transform_indices = @transform_6, window_bounds = array<i64: 1, 128>}, {transform_indices = @transform_7, window_bounds = array<i64: 1024, 1>}, {transform_indices = @transform_8, window_bounds = array<i64: 1024, 128>}]} {
    %get3A = arith.constant 0 : index
    %get3A_0 = arith.constant 0 : index
    %get3A_1 = arith.constant 0 : index
    %get3A_2 = vector.load %arg1[%get3A, %get3A_0, %get3A_1] : memref<2x1024x128xf32, #tpu.memory_space<vmem>>, vector<1x1024x128xf32>
    %get3A_3 = vector.shape_cast %get3A_2 : vector<1x1024x128xf32> to vector<1024x128xf32>
    %get3A_4 = arith.constant 1 : index
    %get3A_5 = arith.constant 0 : index
    %get3A_6 = arith.constant 0 : index
    %get3A_7 = vector.load %arg1[%get3A_4, %get3A_5, %get3A_6] : memref<2x1024x128xf32, #tpu.memory_space<vmem>>, vector<1x1024x128xf32>
    %get3A_8 = vector.shape_cast %get3A_7 : vector<1x1024x128xf32> to vector<1024x128xf32>
    %add3A = arith.addf %get3A_3, %get3A_8 : vector<1024x128xf32>
    %get3A_9 = arith.constant 0 : index
    %get3A_10 = arith.constant 0 : index
    %get3A_11 = vector.load %arg3[%get3A_9, %get3A_10] : memref<1024x1xf32, #tpu.memory_space<vmem>>, vector<1024x1xf32>
    %mul3A = vector.broadcast %get3A_11 : vector<1024x1xf32> to vector<1024x128xf32>
    %mul3A_12 = arith.mulf %mul3A, %add3A : vector<1024x128xf32>
    %get3A_13 = arith.constant 0 : index
    %get3A_14 = arith.constant 0 : index
    %get3A_15 = vector.load %arg4[%get3A_13, %get3A_14] : memref<1024x1xf32, #tpu.memory_space<vmem>>, vector<1024x1xf32>
    %get3A_16 = arith.constant 0 : index
    %get3A_17 = arith.constant 0 : index
    %get3A_18 = vector.load %arg2[%get3A_16, %get3A_17] : memref<1024x128xf32, #tpu.memory_space<vmem>>, vector<1024x128xf32>
    %mul3A_19 = vector.broadcast %get3A_15 : vector<1024x1xf32> to vector<1024x128xf32>
    %mul3A_20 = arith.mulf %mul3A_19, %get3A_18 : vector<1024x128xf32>
    %add3A_21 = arith.addf %mul3A_12, %mul3A_20 : vector<1024x128xf32>
    %get3A_22 = arith.constant 0 : index
    %get3A_23 = arith.constant 0 : index
    %get3A_24 = vector.load %arg5[%get3A_22, %get3A_23] : memref<1x128xf32, #tpu.memory_space<vmem>>, vector<1x128xf32>
    %add3A_25 = vector.broadcast %get3A_24 : vector<1x128xf32> to vector<1024x128xf32>
    %add3A_26 = arith.addf %add3A_21, %add3A_25 : vector<1024x128xf32>
    %max3A = arith.constant 0.000000e+00 : f32
    %max3A_27 = vector.broadcast %max3A : f32 to vector<1024x128xf32>
    %max3A_28 = arith.maximumf %add3A_26, %max3A_27 : vector<1024x128xf32>
    %get3A_29 = arith.constant 0 : index
    %get3A_30 = arith.constant 0 : index
    %get3A_31 = vector.load %arg6[%get3A_29, %get3A_30] : memref<128x128xf32, #tpu.memory_space<vmem>>, vector<128x128xf32>
    %dot_general3A = arith.constant dense<0.000000e+00> : vector<1024x128xf32>
    %dot_general3A_32 = tpu.matmul %max3A_28, %get3A_31, %dot_general3A {dimension_numbers = #tpu.dot_dimension_numbers<[1], [0], [0], [1], [0, 0, 1, 1], [], []>, transpose_lhs_hint = false} : vector<1024x128xf32>, vector<128x128xf32>, vector<1024x128xf32> -> vector<1024x128xf32>
    %get3A_33 = arith.constant 0 : index
    %get3A_34 = arith.constant 0 : index
    %get3A_35 = vector.load %arg7[%get3A_33, %get3A_34] : memref<1x128xf32, #tpu.memory_space<vmem>>, vector<1x128xf32>
    %add3A_36 = vector.broadcast %get3A_35 : vector<1x128xf32> to vector<1024x128xf32>
    %add3A_37 = arith.addf %dot_general3A_32, %add3A_36 : vector<1024x128xf32>
    %get3A_38 = arith.constant 0 : index
    %get3A_39 = arith.constant 0 : index
    %get3A_40 = vector.load %arg8[%get3A_38, %get3A_39] : memref<1024x1xf32, #tpu.memory_space<vmem>>, vector<1024x1xf32>
    %mul3A_41 = vector.broadcast %get3A_40 : vector<1024x1xf32> to vector<1024x128xf32>
    %mul3A_42 = arith.mulf %add3A_37, %mul3A_41 : vector<1024x128xf32>
    %swap3A = arith.constant 0 : index
    %swap3A_43 = arith.constant 0 : index
    %swap3A_44 = vector.load %arg9[%swap3A, %swap3A_43] : memref<1024x128xf32, #tpu.memory_space<vmem>>, vector<1024x128xf32>
    tpu.vector_store %arg9[%swap3A, %swap3A_43], %mul3A_42 {strides = array<i32>} : memref<1024x128xf32, #tpu.memory_space<vmem>>, vector<1024x128xf32>,
    return
  }
  func.func @transform_0(%arg0: i32) -> (i32, i32, i32) {
    %c0_i32 = arith.constant 0 : i32
    %c0_i32_0 = arith.constant 0 : i32
    %c0_i32_1 = arith.constant 0 : i32
    return %c0_i32, %arg0, %c0_i32_0 : i32, i32, i32
  }
  func.func @transform_1(%arg0: i32) -> (i32, i32) {
    %c0_i32 = arith.constant 0 : i32
    %c0_i32_0 = arith.constant 0 : i32
    return %arg0, %c0_i32 : i32, i32
  }
  func.func @transform_2(%arg0: i32) -> (i32, i32) {
    %c0_i32 = arith.constant 0 : i32
    %c0_i32_0 = arith.constant 0 : i32
    return %arg0, %c0_i32 : i32, i32
  }
  func.func @transform_3(%arg0: i32) -> (i32, i32) {
    %c0_i32 = arith.constant 0 : i32
    %c0_i32_0 = arith.constant 0 : i32
    return %arg0, %c0_i32 : i32, i32
  }
  func.func @transform_4(%arg0: i32) -> (i32, i32) {
    %c0_i32 = arith.constant 0 : i32
    %c0_i32_0 = arith.constant 0 : i32
    %c0_i32_1 = arith.constant 0 : i32
    return %c0_i32, %c0_i32_0 : i32, i32
  }
  func.func @transform_5(%arg0: i32) -> (i32, i32) {
    %c0_i32 = arith.constant 0 : i32
    %c0_i32_0 = arith.constant 0 : i32
    %c0_i32_1 = arith.constant 0 : i32
    return %c0_i32, %c0_i32_0 : i32, i32
  }
  func.func @transform_6(%arg0: i32) -> (i32, i32) {
    %c0_i32 = arith.constant 0 : i32
    %c0_i32_0 = arith.constant 0 : i32
    %c0_i32_1 = arith.constant 0 : i32
    return %c0_i32, %c0_i32_0 : i32, i32
  }
  func.func @transform_7(%arg0: i32) -> (i32, i32) {
    %c0_i32 = arith.constant 0 : i32
    %c0_i32_0 = arith.constant 0 : i32
    return %arg0, %c0_i32 : i32, i32
  }
  func.func @transform_8(%arg0: i32) -> (i32, i32) {
    %c0_i32 = arith.constant 0 : i32
    %c0_i32_0 = arith.constant 0 : i32
    return %arg0, %c0_i32 : i32, i32
  }
}

</mosaic_0001>

<sc_bundles>
// kernel: kernel.13.cloned.1.call-start
scs
__scs_entry_jumppad:
0x0: {  	(pc) =	sbr.rel $0x88, $3  }
0x1: {  	(tag) =	ssettag $0x0;
	lr =	simm.s32 $0x1  }
0x2: {  	[smem:$0x3F95] =	sst lr;
	_ =	strace $0xD0000000  }
0x3: {  	_ = 	snop  }
0x4: {  	_ = 	snop  }
0x5: {  	_ = 	snop  }
0x6: {  	_ = 	snop  }
0x7: {  	_ = 	snop  }
__scs_overlays_trampoline_lowered:
0x8: {  	[smem:$0x3FA4] =	sst s0  }
0x9: {  	[smem:$0x3FA5] =	sst s1  }
0xa: {  	[smem:$0x3FA6] =	sst s2  }
0xb: {  	[smem:$0x3FA7] =	sst s3  }
0xc: {  	[smem:$0x3FA8] =	sst s4  }
0xd: {  	[smem:$0x3FA9] =	sst s5  }
0xe: {  	[smem:$0x3FAA] =	sst s6  }
0xf: {  	[smem:$0x3FAB] =	sst s7  }
0x10: {  	[smem:$0x3FAC] =	sst s8  }
0x11: {  	[smem:$0x3FAD] =	sst s9;
	s0 =	simm.s32 @!p0 $0x0  }
0x12: {  	s1 =	sld [smem:$0x3F93];
	s0 =	simm.s32 @p0 $0x1  }
0x13: {  	[smem:$0x3FAE] =	sst s0;
	s0 =	simm.s32 @!p1 $0x0  }
0x14: {  	s2 =	sld [smem:$0x3F92];
	s0 =	simm.s32 @p1 $0x1  }
0x15: {  	[smem:$0x3FAF] =	sst s0;
	s0 =	simm.s32 @!p2 $0x0  }
0x16: {  	s3 =	sld [smem:$0x3FDB];
	s0 =	simm.s32 @p2 $0x1  }
0x17: {  	s4 =	simm.s32 $0x1BF5;
	[smem:$0x3FB1] =	sst s0  }
0x18: {  	s0 =	sld [smem:$0x3F94];
	_ =	swait.ge [sflag:s4], $0x0  }
0x19: {  	s7 =	sld [smem:$0x3F95]  }
0x1a: {  	s8 =	sadd.s32 $0xFFFFE003, lr  }
0x1b: {  	s9 =	sadd.s32 $0xFFFFFEF7, lr;
	s5 =	simm.s32 $0xFFFFFFFF;
	p2 =	slt.u32 s8, $0xFFFFF086  }
0x1c: {  	p1 =	slt.u32 s9, $0xF7A;
	s5 =	simm.s32 @!p2 $0x0  }
0x1d: {  	s5 =	simm.s32 @p1 $0x1;
	p0 =	seq.s32 s7, s2  }
0x1e: {  	s7 =	smul.u32 @!p0 $0xF7A, s2;
	p2 =	seq.s32 @!p0 s5, $0x0  }
0x1f: {  	s9 =	smul.u32 $0xF7A, s1;
	s8 =	simm.s32 @!p0 $0x1BF5;
	p2 =	por !p2, p0  }
0x20: {  	[sflag:s8] =	ssyncset.s32 @!p0 $0xFFFFF086;
	s6 =	sadd.s32 @!p0 s3, s7;
	s7 =	simm.s32 @!p0 $0x108  }
0x21: {  	s3 =	sadd.s32 s3, s9;
	s6 =	sadd.s32 @!p0 $0x88, s6;
	s7 =	simm.s32 @p2 $0x1082  }
0x22: {  	[simem:s7], [sflag:s8] =	dma.local @!p0 [hbm:s6], $0xF7A  }
0x23: {  	s9 =	sor.u32 $0xD0000000, s2;
	s6 =	simm.s32 $0x108;
	_ =	swait.ge @!p0 [sflag:s8], $0x0  }
0x24: {  	s3 =	sadd.s32 $0x88, s3;
	s6 =	simm.s32 @!p1 $0x1082;
	[sflag:s4] =	ssyncset.s32 $0xFFFFF086  }
0x25: {  	[simem:s6], [sflag:s4] =	dma.local [hbm:s3], $0xF7A  }
0x26: {  	[smem:$0x3F95] =	sst s1;
	(tag) =	ssettag s2;
	_ =	strace s9  }
0x27: {  	s1 =	sld [smem:$0x3FA5]  }
0x28: {  	s2 =	sld [smem:$0x3FA6]  }
0x29: {  	s4 =	sld [smem:$0x3FA8]  }
0x2a: {  	p0 =	seq.s32 s5, $0x0;
	s5 =	sld [smem:$0x3FA9]  }
0x2b: {  	s6 =	sld [smem:$0x3FAA]  }
0x2c: {  	s7 =	sld [smem:$0x3FAB]  }
0x2d: {  	s3 =	simm.s32 $0x108;
	s8 =	sld [smem:$0x3FAC]  }
0x2e: {  	s3 =	simm.s32 @!p0 $0x1082;
	s9 =	sld [smem:$0x3FAD]  }
0x2f: {  	lr =	sadd.s32 s0, s3;
	s0 =	sld [smem:$0x3FA4]  }
0x30: {  	s3 =	sld [smem:$0x3FA7]  }
0x31: {  	[smem:$0x3FB0] =	sst s10  }
0x32: {  	s10 =	sld [smem:$0x3FAE];
	_ =	sdelay $0x3  }
0x33: {  	p0 =	seq.s32 s10, $0x1;
	s10 =	sld [smem:$0x3FB0];
	_ =	sdelay $0x3  }
0x34: {  	[smem:$0x3FB0] =	sst s10  }
0x35: {  	s10 =	sld [smem:$0x3FAF];
	_ =	sdelay $0x3  }
0x36: {  	p1 =	seq.s32 s10, $0x1;
	s10 =	sld [smem:$0x3FB0];
	_ =	sdelay $0x3  }
0x37: {  	[smem:$0x3FB0] =	sst s10  }
0x38: {  	s10 =	sld [smem:$0x3FB1]  }
0x39: {  	_ = 	snop;
	(pc) =	sbr.ind lr, $3  }
0x3a: {  	_ = 	snop  }
0x3b: {  	_ = 	snop  }
0x3c: {  	p2 =	seq.s32 s10, $0x1;
	s10 =	sld [smem:$0x3FB0]  }
0x3d: {  	_ =	shalt  }
0x3e: {  	_ =	shalt  }
0x3f: {  	_ =	shalt  }
0x40: {  	_ =	shalt  }
0x41: {  	_ =	shalt  }
0x42: {  	_ =	shalt  }
0x43: {  	_ =	shalt  }
0x44: {  	_ =	shalt  }
0x45: {  	_ =	shalt  }
0x46: {  	_ =	shalt  }
0x47: {  	_ =	shalt  }
0x48: {  	_ =	shalt  }
0x49: {  	_ =	shalt  }
0x4a: {  	_ =	shalt  }
0x4b: {  	_ =	shalt  }
0x4c: {  	_ =	shalt  }
0x4d: {  	_ =	shalt  }
0x4e: {  	_ =	shalt  }
0x4f: {  	_ =	shalt  }
0x50: {  	_ =	shalt  }
0x51: {  	_ =	shalt  }
0x52: {  	_ =	shalt  }
0x53: {  	_ =	shalt  }
0x54: {  	_ =	shalt  }
0x55: {  	_ =	shalt  }
0x56: {  	_ =	shalt  }
0x57: {  	_ =	shalt  }
0x58: {  	_ =	shalt  }
0x59: {  	_ =	shalt  }
0x5a: {  	_ =	shalt  }
0x5b: {  	_ =	shalt  }
0x5c: {  	_ =	shalt  }
0x5d: {  	_ =	shalt  }
0x5e: {  	_ =	shalt  }
0x5f: {  	_ =	shalt  }
0x60: {  	_ =	shalt  }
0x61: {  	_ =	shalt  }
0x62: {  	_ =	shalt  }
0x63: {  	_ =	shalt  }
0x64: {  	_ =	shalt  }
0x65: {  	_ =	shalt  }
0x66: {  	_ =	shalt  }
0x67: {  	_ =	shalt  }
0x68: {  	_ =	shalt  }
0x69: {  	_ =	shalt  }
0x6a: {  	_ =	shalt  }
0x6b: {  	_ =	shalt  }
0x6c: {  	_ =	shalt  }
0x6d: {  	_ =	shalt  }
0x6e: {  	_ =	shalt  }
0x6f: {  	_ =	shalt  }
0x70: {  	_ =	shalt  }
0x71: {  	_ =	shalt  }
0x72: {  	_ =	shalt  }
0x73: {  	_ =	shalt  }
0x74: {  	_ =	shalt  }
0x75: {  	_ =	shalt  }
0x76: {  	_ =	shalt  }
0x77: {  	_ =	shalt  }
0x78: {  	_ =	shalt  }
0x79: {  	_ =	shalt  }
0x7a: {  	_ =	shalt  }
0x7b: {  	_ =	shalt  }
0x7c: {  	_ =	shalt  }
0x7d: {  	_ =	shalt  }
0x7e: {  	_ =	shalt  }
0x7f: {  	_ =	shalt  }
0x80: {  	_ =	shalt  }
0x81: {  	_ =	shalt  }
0x82: {  	_ =	shalt  }
0x83: {  	_ =	shalt  }
0x84: {  	_ =	shalt  }
0x85: {  	_ =	shalt  }
0x86: {  	_ =	shalt  }
0x87: {  	_ =	shalt  }
.Lfunc_end0:
.L_simem_size_0:
called_computation_lowered:
.L_overlay_start_0:
0x88: {  	s2 =	sld [smem:$0x3FD9]  }
0x89: {  	s3 =	sld [smem:$0x3FFE];
	_ =	sdelay $0x1  }
0x8a: {  	s1 =	srdreg.scid  }
0x8b: {  	s0 =	sand.u32 $0x1, s1  }
0x8c: {  	s14 =	sshll.u32 s0, $0xA;
	s2 =	sadd.s32 s3, s2  }
0x8d: {  	s2 =	sadd.s32 s2, s14  }
0x8e: {  	[smem:$0x3FBC] =	sst s2  }
0x8f: {  	_ = 	snop  }
0x90: {  	s2 =	sld [smem:$0x3FD0];
	_ =	sdelay $0x2  }
0x91: {  	s15 =	simm.s32 $0xA;
	s4 =	simm.s32 $0x10  }
0x92: {  	[smem:s4], [sflag:s15] =	dma.local [hbm:s2], $0x1  }
0x93: {  	_ =	swait.eq [sflag:s15], $0x1  }
0x94: {  	[sflag:s15] =	ssyncset.done $0x0  }
0x95: {  	s16 =	sld [smem:$0x10];
	[sflag:s15] =	ssyncadd.s32 $0xFFFFFFFF  }
0x96: {  	s17 =	sld [smem:$0x11];
	(tm) =	ssettm $0x1  }
0x97: {  	s18 =	sld [smem:$0x3FFB];
	_ =	sdelay $0x3  }
0x98: {  	_ =	strace s18  }
0x99: {  	s4 =	sld [smem:$0x3FFC];
	_ =	sdelay $0x3  }
0x9a: {  	_ =	strace s4  }
0x9b: {  	s4 =	sld [smem:$0x3FFD];
	_ =	sdelay $0x3  }
0x9c: {  	_ =	strace s4  }
0x9d: {  	_ =	strace $0x8FFFFFFF  }
0x9e: {  	s19 =	sld [smem:$0x3FDB];
	_ =	sdelay $0x1  }
0x9f: {  	s5 =	simm.s32 $_scs_section_size  }
0xa0: {  	s6 =	simm.s32 $_size__tile_overlayer_lowered;
	s7 =	simm.s32 $_tile_overlayer_lowered  }
0xa1: {  	s22 =	simm.s32 $0x1BFF;
	s21 =	sshll.u32 s7, $0x1;
	s4 =	sadd.s32 s5, s19  }
0xa2: {  	s8 =	simm.s32 $0x0;
	s20 =	sshll.u32 s6, $0x1;
	s6 =	sadd.s32 s21, s4  }
0xa3: {  	[timem:s8], [sflag:s22] =	dma.local [hbm:s6], s20  }
0xa4: {  	_ =	swait.ge [sflag:s22], s20  }
0xa5: {  	s5 =	ssub.s32 $0x0, s20;
	[sflag:s22] =	ssyncset.done $0x0  }
0xa6: {  	[sflag:s22] =	ssyncadd.s32 s5;
	_ =	sdelay $0x1  }
0xa7: {  	s23 =	simm.s32 $0x1B8B  }
0xa8: {  	_ =	swait.ge [sflag:s23], $0x1  }
0xa9: {  	[sflag:s23] =	ssyncset.done $0x0  }
0xaa: {  	s25 =	simm.s32 $0x1B8E;
	s24 =	sld [smem:$0x3FFE];
	[sflag:s23] =	ssyncadd.s32 $0xFFFFFFFF  }
0xab: {  	s26 =	simm.s32 $execute0_lowered;
	[smem:$0x3FD2] =	sst s25  }
0xac: {  	s6 =	sshll.u32 s26, $0x1;
	_ =	strace $0x80000046;
	[dreg:$0x1] =	wrdreg $0xFFFFFFFF  }
0xad: {  	s28 =	simm.s32 $_size_execute0_lowered;
	s4 =	sadd.s32 s4, s6;
	[dreg:$0x0] =	wrdreg $0x0  }
0xae: {  	s6 =	sshll.u32 s28, $0x1;
	[dreg:$0x2] =	wrdreg s4  }
0xaf: {  	[dreg:$0x3] =	wrdreg s6  }
0xb0: {  	[dreg:$0x4] =	wrdreg $0xC0  }
0xb1: {  	_ =	task [dreg:s8], $0x5FFFF  }
0xb2: {  	[dreg:$0x1] =	wrdreg $0xFFFFFFFF  }
0xb3: {  	[dreg:$0x0] =	wrdreg $0x60  }
0xb4: {  	[dreg:$0x2] =	wrdreg s17  }
0xb5: {  	[dreg:$0x3] =	wrdreg s16  }
0xb6: {  	[dreg:$0x4] =	wrdreg s24  }
0xb7: {  	[dreg:$0x5] =	wrdreg $0x50800  }
0xb8: {  	[dreg:$0x6] =	wrdreg $0x9  }
0xb9: {  	_ =	task.clear_ibuf [dreg:s8], $0x7FFFF;
	_ =	strace $0x90000046  }
0xba: {  	s29 =	simm.s32 $0x9;
	_ =	strace $0x80000048  }
0xbb: {  	_ =	swait.ge [sflag:s29], $0x1  }
0xbc: {  	[sflag:s29] =	ssyncadd.s32 $0xFFFFFFFF  }
0xbd: {  	_ =	strace $0x90000048  }
0xbe: {  	_ =	sfence  }
0xbf: {  	s30 =	sld [smem:$0x0];
	_ =	sdelay $0x2  }
0xc0: {  	s31 =	sshll.u32 s1, $0xD;
	s1 =	sshrl.u32 s1, $0x2  }
0xc1: {  	s3 =	sand.u32 $0x4000, s31;
	s1 =	sadd.s32 s1, s30  }
0xc2: {  	s0 =	sor.u32 s3, s0;
	s1 =	sshll.u32 s1, $0x11  }
0xc3: {  	s0 =	sor.u32 s1, s0  }
0xc4: {  	s0 =	sadd.s32 $0x8F2B, s0  }
0xc5: {  	[sflag:s0] =	ssyncadd.remote.s32 $0x1  }
0xc6: {  	_ =	sfence.sel $0xFFFF  }
0xc7: {  	[dreg:$0x0] =	wrdreg $0xFFFFFFFF;
	(pc) =	sbr.abs _section_cstart, $3  }
0xc8: {  	[dreg:$0x1] =	wrdreg $0xFFFFFFFF  }
0xc9: {  	_ =	task.clear_ibuf [dreg:s8], $0x2FFFF;
	_ =	strace $0x9FFFFFFF  }
0xca: {  	(tm) =	ssettm $0x7FFFFFFF  }
0xcb: {  	_ =	shalt  }
tec
execute0_lowered:
.L_overlay_start_1:
0x0: {  	(tag) =	ssettag $0x1  }
0x1: {  	s1 =	rddreg [dreg:$0x0]  }
0x2: {  	s7 =	rddreg [dreg:$0x1]  }
0x3: {  	s0 =	srdreg.scid;
	s6 =	rddreg [dreg:$0x2]  }
0x4: {  	s3 =	rddreg [dreg:$0x3];
	s4 =	simm.s32 $0x0;
	s15 =	simm.s32 $0x5000  }
0x5: {  	s16 =	simm.s32 $0x1;
	s17 =	simm.s32 $0x20;
	s18 =	simm.s32 $0x10  }
0x6: {  	s19 =	simm.s32 $0x0;
	s5 =	sand.u32 $0x1, s0;
	s0 =	stileid.u32  }
0x7: {  	[smem:$0x7FF] =	sst s4;
	s2 =	sshll.u32 s5, $0x4;
	s9 =	smul.u32 $0x500, s0  }
0x8: {  	s10 =	smul.u32 $0x280, s0;
	s11 =	sshll.u32 s5, $0x7;
	s5 =	ssub.s32 $0x2, s5  }
0x9: {  	s31 =	sshll.u32 s0, $0x6;
	s2 =	sor.u32 s0, s2;
	s30 =	sshrl.u32 s5, $0x1  }
0xa: {  	s8 =	smul.u32 $0x500, s2;
	s2 =	rddreg [dreg:$0x4];
	_ =	strace $0x80000047  }
0xb: {  	s9 =	sor.u32 s11, s9;
	s29 =	sshrl.u32 s10, $0x3;
	s13 =	ssub.s32 s5, s30  }
0xc: {  	s14 =	sadd.s32 s10, s3;
	s9 =	sshrl.u32 s9, $0x3;
	s11 =	sadd.s32 s29, s6  }
0xd: {  	s10 =	smax.u32 s13, $0x1;
	s13 =	simm.s32 $0x2800;
	s12 =	sadd.s32 s8, s6  }
0xe: {  	s9 =	sadd.s32 s9, s6;
	s5 =	sadd.s32 $0xDC00, s11;
	s6 =	sor.u32 $0x1C02, s31  }
0xf: {  	s7 =	sadd.s32 s7, s8;
	s11 =	sshrl.u32 s14, $0x3;
	s14 =	simm.s32 $0x80  }
0x10: {  	s8 =	sadd.s32 $0x3C00, s12;
	s9 =	sadd.s32 $0xE200, s9;
	s12 =	simm.s32 $0x2  }
.LBB2_1:
0x11: {  	[spmem:s11], [sflag:s6] =	dma.local [hbm:s5], $0x50  }
0x12: {  	_ =	swait.ge [sflag:s12], $0x50  }
0x13: {  	[sflag:s12] =	ssyncset.done $0x0  }
0x14: {  	[sflag:s12] =	ssyncadd.s32 $0xFFFFFFB0  }
0x15: {  	[tilespmem:s4], [sflag:$0x2] =	stream.linear.gather [hbm4b:s7+s4], $0x2780, $0x38;
	[tilespmem:$0x5300] =	vst v63  }
0x16: {  	_ =	swait.ge [sflag:s12], $0x2780  }
0x17: {  	[sflag:s12] =	ssyncset.done $0x0  }
0x18: {  	[sflag:s12] =	ssyncadd.s32 $0xFFFFD880  }
0x19: {  	[tilespmem:s13], [sflag:$0x2] =	stream.linear.gather [hbm4b:s8+s4], $0x2780, $0x38;
	[tilespmem:$0x5300] =	vst v63  }
0x1a: {  	_ =	swait.ge [sflag:s12], $0x2780  }
0x1b: {  	[sflag:s12] =	ssyncset.done $0x0  }
0x1c: {  	[sflag:s12] =	ssyncadd.s32 $0xFFFFD880  }
0x1d: {  	[bflag:$0x0] =	sbarrier.arrive $0xFFFF  }
0x1e: {  	_ =	sdelay $0x7ff  }
0x1f: {  	_ =	sdelay $0x7ff  }
0x20: {  	s20 =	simm.s32 $0x0;
	_ =	sdelay $0x5ad  }
0x21: {  	[tilespmem:s15], [sflag:$0x1] =	stream.indirect.gather [hbm4b:s1+s14], $0x1, s20, s14, $0xb8;
	[tilespmem:$0x5300] =	vst v63  }
0x22: {  	_ =	swait.ge [sflag:s16], $0x80  }
0x23: {  	[sflag:s16] =	ssyncset.done $0x0  }
0x24: {  	s31 =	simm.s32 $0x2800;
	[sflag:s16] =	ssyncadd.s32 $0xFFFFFF80  }
0x25: {  	[spmem:s3] =	stream.indirect.scatter.add.f32 [tilespmem:s15], [sflag:$0x2], $0x1, s31, s14, $0xb8;
	[tilespmem:$0x5300] =	vst v63  }
0x26: {  	_ =	swait.ge [sflag:s12], $0x80  }
0x27: {  	s21 =	simm.s32 $0x400;
	s20 =	simm.s32 $0x200;
	[sflag:s12] =	ssyncset.done $0x0  }
.LBB2_2:
0x28: {  	s22 =	sshra.s32 s20, $0x2  }
0x29: {  	[sflag:s12] =	ssyncadd.s32 $0xFFFFFF80;
	s20 =	smov.u32 s21;
	s23 =	sadd.s32 $0x200, s21  }
0x2a: {  	[tilespmem:s15], [sflag:$0x1] =	stream.indirect.gather [hbm4b:s1+s14], $0x1, s22, s14, $0xb8;
	[tilespmem:$0x5300] =	vst v63  }
0x2b: {  	p0 =	sne.s32 s21, $0x9C00;
	_ =	swait.ge [sflag:s16], $0x80  }
.Ltmp0:
0x2c: {  	[sflag:s16] =	ssyncset.done $0x0;
	(pc) =	sbr.rel @p0 .LBB2_2-.Ltmp0, $4  }
0x2d: {  	s21 =	sadd.s32 $0x2800, s22;
	[sflag:s16] =	ssyncadd.s32 $0xFFFFFF80  }
0x2e: {  	[spmem:s3] =	stream.indirect.scatter.add.f32 [tilespmem:s15], [sflag:$0x2], $0x1, s21, s14, $0xb8;
	[tilespmem:$0x5300] =	vst v63  }
0x2f: {  	_ =	swait.ge [sflag:s12], $0x80  }
0x30: {  	s21 =	smov.u32 s23;
	[sflag:s12] =	ssyncset.done $0x0  }
0x31: {  	s20 =	sshra.s32 s20, $0x2;
	[sflag:s12] =	ssyncadd.s32 $0xFFFFFF80  }
0x32: {  	[tilespmem:s15], [sflag:$0x1] =	stream.indirect.gather [hbm4b:s1+s14], $0x1, s20, s14, $0xb8;
	[tilespmem:$0x5300] =	vst v63  }
0x33: {  	_ =	swait.ge [sflag:s16], $0x80  }
0x34: {  	[sflag:s16] =	ssyncset.done $0x0  }
0x35: {  	s20 =	sadd.s32 $0x2800, s20;
	[sflag:s16] =	ssyncadd.s32 $0xFFFFFF80  }
0x36: {  	[spmem:s3] =	stream.indirect.scatter.add.f32 [tilespmem:s15], [sflag:$0x2], $0x1, s20, s14, $0xb8;
	[tilespmem:$0x5300] =	vst v63  }
0x37: {  	_ =	swait.ge [sflag:s12], $0x80  }
0x38: {  	[sflag:s12] =	ssyncset.done $0x0  }
0x39: {  	[sflag:s12] =	ssyncadd.s32 $0xFFFFFF80  }
0x3a: {  	[bflag:$0x0] =	sbarrier.arrive $0xFFFF  }
0x3b: {  	s19 =	sadd.s32 $0x1, s19;
	_ =	sdelay $0x7ff  }
0x3c: {  	p0 =	sne.s32 s19, s10;
	_ =	sdelay $0x7ff  }
.Ltmp1:
0x3d: {  	_ =	sdelay $0x5ad;
	(pc) =	sbr.rel @p0 .LBB2_1-.Ltmp1, $4  }
0x3e: {  	[hbm:s9@s17], [sflag:s6] =	dma.strided [spmem:s11@s18], $0x50, s16, $0x10   }
0x3f: {  	_ =	swait.ge [sflag:s12], $0x50  }
0x40: {  	[sflag:s12] =	ssyncset.done $0x0  }
0x41: {  	[sflag:s12] =	ssyncadd.s32 $0xFFFFFFB0  }
0x42: {  	_ =	sfence.sel $0x180000  }
0x43: {  	[bflag:$0x0] =	sbarrier.arrive $0xFFFF  }
0x44: {  	p0 =	sne.s32 s0, $0x0;
	_ =	strace $0x90000047  }
0x45: {  	s0 =	sadd.s32 @!p0 $0x100000, s2;
	[bflag:$0x2] =	sbarrier.arrive $0xFFFF  }
0x46: {  	[sflag:s0] =	ssyncadd.tile.s32 @!p0 $0x1;
	_ =	shalt  }
.Lfunc_end2:
_tile_overlayer_lowered:
.L_overlay_start_2:
0x47: {  	(tag) =	ssettag $0x2  }
0x48: {  	s0 =	rddreg [dreg:$0x0];
	s2 =	stileid.u32  }
0x49: {  	s1 =	rddreg [dreg:$0x1];
	p0 =	sne.s32 s2, $0x0  }
0x4a: {  	s3 =	rddreg [dreg:$0x2];
	[bflag:$0x3] =	sbarrier.arrive $0xFFFF;
	s2 =	simm.s32 @!p0 $0x1C02  }
0x4b: {  	[timem:s3], [sflag:s2] =	dma.local @!p0 [hbm:s0], s1  }
0x4c: {  	s0 =	simm.s32 @!p0 $0x2  }
0x4d: {  	_ =	swait.ge @!p0 [sflag:s0], s1  }
0x4e: {  	s1 =	ssub.s32 @!p0 $0x0, s1;
	[sflag:s0] =	ssyncset.done @!p0 $0x0  }
0x4f: {  	[sflag:s0] =	ssyncadd.s32 @!p0 s1  }
0x50: {  	[bflag:$0x3] =	sbarrier.arrive $0xFFFF  }
0x51: {  	_ =	shalt  }

// kernel: kernel.16.cloned.1.call-start
scs
__scs_entry_jumppad:
0x0: {  	(pc) =	sbr.rel $0x88, $3  }
0x1: {  	(tag) =	ssettag $0x0;
	lr =	simm.s32 $0x1  }
0x2: {  	[smem:$0x3F95] =	sst lr;
	_ =	strace $0xD0000000  }
0x3: {  	_ = 	snop  }
0x4: {  	_ = 	snop  }
0x5: {  	_ = 	snop  }
0x6: {  	_ = 	snop  }
0x7: {  	_ = 	snop  }
__scs_overlays_trampoline_lowered:
0x8: {  	[smem:$0x3FA4] =	sst s0  }
0x9: {  	[smem:$0x3FA5] =	sst s1  }
0xa: {  	[smem:$0x3FA6] =	sst s2  }
0xb: {  	[smem:$0x3FA7] =	sst s3  }
0xc: {  	[smem:$0x3FA8] =	sst s4  }
0xd: {  	[smem:$0x3FA9] =	sst s5  }
0xe: {  	[smem:$0x3FAA] =	sst s6  }
0xf: {  	[smem:$0x3FAB] =	sst s7  }
0x10: {  	[smem:$0x3FAC] =	sst s8  }
0x11: {  	[smem:$0x3FAD] =	sst s9;
	s0 =	simm.s32 @!p0 $0x0  }
0x12: {  	s1 =	sld [smem:$0x3F93];
	s0 =	simm.s32 @p0 $0x1  }
0x13: {  	[smem:$0x3FAE] =	sst s0;
	s0 =	simm.s32 @!p1 $0x0  }
0x14: {  	s2 =	sld [smem:$0x3F92];
	s0 =	simm.s32 @p1 $0x1  }
0x15: {  	[smem:$0x3FAF] =	sst s0;
	s0 =	simm.s32 @!p2 $0x0  }
0x16: {  	s3 =	sld [smem:$0x3FDB];
	s0 =	simm.s32 @p2 $0x1  }
0x17: {  	s4 =	simm.s32 $0x1BF5;
	[smem:$0x3FB1] =	sst s0  }
0x18: {  	s0 =	sld [smem:$0x3F94];
	_ =	swait.ge [sflag:s4], $0x0  }
0x19: {  	s7 =	sld [smem:$0x3F95]  }
0x1a: {  	s8 =	sadd.s32 $0xFFFFE003, lr  }
0x1b: {  	s9 =	sadd.s32 $0xFFFFFEF7, lr;
	s5 =	simm.s32 $0xFFFFFFFF;
	p2 =	slt.u32 s8, $0xFFFFF086  }
0x1c: {  	p1 =	slt.u32 s9, $0xF7A;
	s5 =	simm.s32 @!p2 $0x0  }
0x1d: {  	s5 =	simm.s32 @p1 $0x1;
	p0 =	seq.s32 s7, s2  }
0x1e: {  	s7 =	smul.u32 @!p0 $0xF7A, s2;
	p2 =	seq.s32 @!p0 s5, $0x0  }
0x1f: {  	s9 =	smul.u32 $0xF7A, s1;
	s8 =	simm.s32 @!p0 $0x1BF5;
	p2 =	por !p2, p0  }
0x20: {  	[sflag:s8] =	ssyncset.s32 @!p0 $0xFFFFF086;
	s6 =	sadd.s32 @!p0 s3, s7;
	s7 =	simm.s32 @!p0 $0x108  }
0x21: {  	s3 =	sadd.s32 s3, s9;
	s6 =	sadd.s32 @!p0 $0x88, s6;
	s7 =	simm.s32 @p2 $0x1082  }
0x22: {  	[simem:s7], [sflag:s8] =	dma.local @!p0 [hbm:s6], $0xF7A  }
0x23: {  	s9 =	sor.u32 $0xD0000000, s2;
	s6 =	simm.s32 $0x108;
	_ =	swait.ge @!p0 [sflag:s8], $0x0  }
0x24: {  	s3 =	sadd.s32 $0x88, s3;
	s6 =	simm.s32 @!p1 $0x1082;
	[sflag:s4] =	ssyncset.s32 $0xFFFFF086  }
0x25: {  	[simem:s6], [sflag:s4] =	dma.local [hbm:s3], $0xF7A  }
0x26: {  	[smem:$0x3F95] =	sst s1;
	(tag) =	ssettag s2;
	_ =	strace s9  }
0x27: {  	s1 =	sld [smem:$0x3FA5]  }
0x28: {  	s2 =	sld [smem:$0x3FA6]  }
0x29: {  	s4 =	sld [smem:$0x3FA8]  }
0x2a: {  	p0 =	seq.s32 s5, $0x0;
	s5 =	sld [smem:$0x3FA9]  }
0x2b: {  	s6 =	sld [smem:$0x3FAA]  }
0x2c: {  	s7 =	sld [smem:$0x3FAB]  }
0x2d: {  	s3 =	simm.s32 $0x108;
	s8 =	sld [smem:$0x3FAC]  }
0x2e: {  	s3 =	simm.s32 @!p0 $0x1082;
	s9 =	sld [smem:$0x3FAD]  }
0x2f: {  	lr =	sadd.s32 s0, s3;
	s0 =	sld [smem:$0x3FA4]  }
0x30: {  	s3 =	sld [smem:$0x3FA7]  }
0x31: {  	[smem:$0x3FB0] =	sst s10  }
0x32: {  	s10 =	sld [smem:$0x3FAE];
	_ =	sdelay $0x3  }
0x33: {  	p0 =	seq.s32 s10, $0x1;
	s10 =	sld [smem:$0x3FB0];
	_ =	sdelay $0x3  }
0x34: {  	[smem:$0x3FB0] =	sst s10  }
0x35: {  	s10 =	sld [smem:$0x3FAF];
	_ =	sdelay $0x3  }
0x36: {  	p1 =	seq.s32 s10, $0x1;
	s10 =	sld [smem:$0x3FB0];
	_ =	sdelay $0x3  }
0x37: {  	[smem:$0x3FB0] =	sst s10  }
0x38: {  	s10 =	sld [smem:$0x3FB1]  }
0x39: {  	_ = 	snop;
	(pc) =	sbr.ind lr, $3  }
0x3a: {  	_ = 	snop  }
0x3b: {  	_ = 	snop  }
0x3c: {  	p2 =	seq.s32 s10, $0x1;
	s10 =	sld [smem:$0x3FB0]  }
0x3d: {  	_ =	shalt  }
0x3e: {  	_ =	shalt  }
0x3f: {  	_ =	shalt  }
0x40: {  	_ =	shalt  }
0x41: {  	_ =	shalt  }
0x42: {  	_ =	shalt  }
0x43: {  	_ =	shalt  }
0x44: {  	_ =	shalt  }
0x45: {  	_ =	shalt  }
0x46: {  	_ =	shalt  }
0x47: {  	_ =	shalt  }
0x48: {  	_ =	shalt  }
0x49: {  	_ =	shalt  }
0x4a: {  	_ =	shalt  }
0x4b: {  	_ =	shalt  }
0x4c: {  	_ =	shalt  }
0x4d: {  	_ =	shalt  }
0x4e: {  	_ =	shalt  }
0x4f: {  	_ =	shalt  }
0x50: {  	_ =	shalt  }
0x51: {  	_ =	shalt  }
0x52: {  	_ =	shalt  }
0x53: {  	_ =	shalt  }
0x54: {  	_ =	shalt  }
0x55: {  	_ =	shalt  }
0x56: {  	_ =	shalt  }
0x57: {  	_ =	shalt  }
0x58: {  	_ =	shalt  }
0x59: {  	_ =	shalt  }
0x5a: {  	_ =	shalt  }
0x5b: {  	_ =	shalt  }
0x5c: {  	_ =	shalt  }
0x5d: {  	_ =	shalt  }
0x5e: {  	_ =	shalt  }
0x5f: {  	_ =	shalt  }
0x60: {  	_ =	shalt  }
0x61: {  	_ =	shalt  }
0x62: {  	_ =	shalt  }
0x63: {  	_ =	shalt  }
0x64: {  	_ =	shalt  }
0x65: {  	_ =	shalt  }
0x66: {  	_ =	shalt  }
0x67: {  	_ =	shalt  }
0x68: {  	_ =	shalt  }
0x69: {  	_ =	shalt  }
0x6a: {  	_ =	shalt  }
0x6b: {  	_ =	shalt  }
0x6c: {  	_ =	shalt  }
0x6d: {  	_ =	shalt  }
0x6e: {  	_ =	shalt  }
0x6f: {  	_ =	shalt  }
0x70: {  	_ =	shalt  }
0x71: {  	_ =	shalt  }
0x72: {  	_ =	shalt  }
0x73: {  	_ =	shalt  }
0x74: {  	_ =	shalt  }
0x75: {  	_ =	shalt  }
0x76: {  	_ =	shalt  }
0x77: {  	_ =	shalt  }
0x78: {  	_ =	shalt  }
0x79: {  	_ =	shalt  }
0x7a: {  	_ =	shalt  }
0x7b: {  	_ =	shalt  }
0x7c: {  	_ =	shalt  }
0x7d: {  	_ =	shalt  }
0x7e: {  	_ =	shalt  }
0x7f: {  	_ =	shalt  }
0x80: {  	_ =	shalt  }
0x81: {  	_ =	shalt  }
0x82: {  	_ =	shalt  }
0x83: {  	_ =	shalt  }
0x84: {  	_ =	shalt  }
0x85: {  	_ =	shalt  }
0x86: {  	_ =	shalt  }
0x87: {  	_ =	shalt  }
.Lfunc_end0:
.L_simem_size_0:
called_computation.1_lowered:
.L_overlay_start_0:
0x88: {  	s2 =	sld [smem:$0x3FD9]  }
0x89: {  	s3 =	sld [smem:$0x3FFE];
	_ =	sdelay $0x1  }
0x8a: {  	s1 =	srdreg.scid  }
0x8b: {  	s0 =	sand.u32 $0x1, s1  }
0x8c: {  	s14 =	sshll.u32 s0, $0xA;
	s2 =	sadd.s32 s3, s2  }
0x8d: {  	s2 =	sadd.s32 s2, s14  }
0x8e: {  	[smem:$0x3FBC] =	sst s2  }
0x8f: {  	_ = 	snop  }
0x90: {  	s2 =	sld [smem:$0x3FD0];
	_ =	sdelay $0x2  }
0x91: {  	s15 =	simm.s32 $0xA;
	s4 =	simm.s32 $0x10  }
0x92: {  	[smem:s4], [sflag:s15] =	dma.local [hbm:s2], $0x1  }
0x93: {  	_ =	swait.eq [sflag:s15], $0x1  }
0x94: {  	[sflag:s15] =	ssyncset.done $0x0  }
0x95: {  	[sflag:s15] =	ssyncadd.s32 $0xFFFFFFFF  }
0x96: {  	s16 =	sld [smem:$0x10];
	(tm) =	ssettm $0x1  }
0x97: {  	s17 =	sld [smem:$0x3FFB];
	_ =	sdelay $0x3  }
0x98: {  	_ =	strace s17  }
0x99: {  	s3 =	sld [smem:$0x3FFC];
	_ =	sdelay $0x3  }
0x9a: {  	_ =	strace s3  }
0x9b: {  	s3 =	sld [smem:$0x3FFD];
	_ =	sdelay $0x3  }
0x9c: {  	_ =	strace s3  }
0x9d: {  	_ =	strace $0x8FFFFFFF  }
0x9e: {  	s18 =	sld [smem:$0x3FDB];
	_ =	sdelay $0x1  }
0x9f: {  	s19 =	simm.s32 $_scs_section_size  }
0xa0: {  	s5 =	simm.s32 $_size__tile_overlayer_lowered;
	s6 =	simm.s32 $_tile_overlayer_lowered  }
0xa1: {  	s22 =	simm.s32 $0x1BFF;
	s21 =	sshll.u32 s6, $0x1;
	s3 =	sadd.s32 s19, s18  }
0xa2: {  	s7 =	simm.s32 $0x0;
	s20 =	sshll.u32 s5, $0x1;
	s5 =	sadd.s32 s21, s3  }
0xa3: {  	[timem:s7], [sflag:s22] =	dma.local [hbm:s5], s20  }
0xa4: {  	_ =	swait.ge [sflag:s22], s20  }
0xa5: {  	s4 =	ssub.s32 $0x0, s20;
	[sflag:s22] =	ssyncset.done $0x0  }
0xa6: {  	[sflag:s22] =	ssyncadd.s32 s4;
	_ =	sdelay $0x1  }
0xa7: {  	s23 =	simm.s32 $0x1B8B  }
0xa8: {  	_ =	swait.ge [sflag:s23], $0x1  }
0xa9: {  	[sflag:s23] =	ssyncset.done $0x0  }
0xaa: {  	s25 =	simm.s32 $0x1B8E;
	s24 =	sld [smem:$0x3FFE];
	[sflag:s23] =	ssyncadd.s32 $0xFFFFFFFF  }
0xab: {  	s26 =	simm.s32 $execute0_lowered;
	[smem:$0x3FD2] =	sst s25  }
0xac: {  	s5 =	sshll.u32 s26, $0x1;
	_ =	strace $0x80000049;
	[dreg:$0x1] =	wrdreg $0xFFFFFFFF  }
0xad: {  	s28 =	simm.s32 $_size_execute0_lowered;
	s3 =	sadd.s32 s3, s5;
	[dreg:$0x0] =	wrdreg $0x0  }
0xae: {  	s5 =	sshll.u32 s28, $0x1;
	[dreg:$0x2] =	wrdreg s3  }
0xaf: {  	[dreg:$0x3] =	wrdreg s5  }
0xb0: {  	[dreg:$0x4] =	wrdreg $0xC0  }
0xb1: {  	_ =	task [dreg:s7], $0x5FFFF  }
0xb2: {  	[dreg:$0x1] =	wrdreg $0xFFFFFFFF  }
0xb3: {  	[dreg:$0x0] =	wrdreg $0x60  }
0xb4: {  	[dreg:$0x2] =	wrdreg s24  }
0xb5: {  	[dreg:$0x3] =	wrdreg s16  }
0xb6: {  	[dreg:$0x4] =	wrdreg $0x90000  }
0xb7: {  	[dreg:$0x5] =	wrdreg $0x9  }
0xb8: {  	_ =	task.clear_ibuf [dreg:s7], $0x6FFFF;
	_ =	strace $0x90000049  }
0xb9: {  	s29 =	simm.s32 $0x9;
	_ =	strace $0x8000004B  }
0xba: {  	_ =	swait.ge [sflag:s29], $0x1  }
0xbb: {  	[sflag:s29] =	ssyncadd.s32 $0xFFFFFFFF  }
0xbc: {  	_ =	strace $0x9000004B  }
0xbd: {  	_ =	sfence  }
0xbe: {  	s30 =	sld [smem:$0x0];
	_ =	sdelay $0x2  }
0xbf: {  	s31 =	sshll.u32 s1, $0xD;
	s1 =	sshrl.u32 s1, $0x2  }
0xc0: {  	s3 =	sand.u32 $0x4000, s31;
	s1 =	sadd.s32 s1, s30  }
0xc1: {  	s0 =	sor.u32 s3, s0;
	s1 =	sshll.u32 s1, $0x11  }
0xc2: {  	s0 =	sor.u32 s1, s0  }
0xc3: {  	s0 =	sadd.s32 $0x8F2B, s0  }
0xc4: {  	[sflag:s0] =	ssyncadd.remote.s32 $0x1  }
0xc5: {  	_ =	sfence.sel $0xFFFF  }
0xc6: {  	[dreg:$0x0] =	wrdreg $0xFFFFFFFF;
	(pc) =	sbr.abs _section_cstart, $3  }
0xc7: {  	[dreg:$0x1] =	wrdreg $0xFFFFFFFF  }
0xc8: {  	_ =	task.clear_ibuf [dreg:s7], $0x2FFFF;
	_ =	strace $0x9FFFFFFF  }
0xc9: {  	(tm) =	ssettm $0x7FFFFFFF  }
tec
execute0_lowered:
.L_overlay_start_1:
0x0: {  	(tag) =	ssettag $0x1  }
0x1: {  	s5 =	rddreg [dreg:$0x0]  }
0x2: {  	s0 =	srdreg.scid;
	s7 =	rddreg [dreg:$0x1]  }
0x3: {  	s2 =	rddreg [dreg:$0x2];
	s3 =	simm.s32 $0x0;
	s15 =	simm.s32 $0x5000  }
0x4: {  	s16 =	simm.s32 $0x1;
	s6 =	sand.u32 $0x1, s0;
	s0 =	stileid.u32  }
0x5: {  	s17 =	simm.s32 $0x0;
	[smem:$0x7FF] =	sst s3;
	s9 =	smul.u32 $0x14000, s0  }
0x6: {  	s1 =	sshll.u32 s6, $0x4;
	s10 =	smul.u32 $0x140000, s6;
	s6 =	ssub.s32 $0x2, s6  }
0x7: {  	s29 =	smul.u32 $0x50000, s0;
	s31 =	sshll.u32 s0, $0x6;
	s4 =	sor.u32 s0, s1  }
0x8: {  	s1 =	rddreg [dreg:$0x3];
	_ =	strace $0x8000004A;
	s13 =	sshrl.u32 s6, $0x1  }
0x9: {  	s8 =	smul.u32 $0x500, s4;
	s4 =	sadd.s32 $0xE200, s5;
	s12 =	sshrl.u32 s9, $0x3  }
0xa: {  	s9 =	sadd.s32 s9, s10;
	s13 =	ssub.s32 s6, s13;
	s30 =	sshrl.u32 s29, $0x2  }
0xb: {  	s6 =	sor.u32 $0x1C02, s31;
	s12 =	sadd.s32 s12, s5;
	s9 =	sshrl.u32 s9, $0x3  }
0xc: {  	s14 =	sadd.s32 s30, s2;
	s10 =	smax.u32 s13, $0x1;
	s13 =	simm.s32 $0x2800  }
0xd: {  	s11 =	sadd.s32 s8, s5;
	s9 =	sadd.s32 s9, s5;
	s5 =	sadd.s32 $0x5E200, s12  }
0xe: {  	s7 =	sadd.s32 s7, s8;
	s12 =	simm.s32 $0x2;
	s8 =	sadd.s32 $0x3C00, s11  }
0xf: {  	s9 =	sadd.s32 $0x86200, s9;
	s11 =	sshrl.u32 s14, $0x3;
	s14 =	simm.s32 $0x80  }
.LBB2_1:
0x10: {  	[spmem:s11], [sflag:s6] =	dma.local [hbm:s5], $0x2800  }
0x11: {  	_ =	swait.ge [sflag:s12], $0x2800  }
0x12: {  	[sflag:s12] =	ssyncset.done $0x0  }
0x13: {  	[sflag:s12] =	ssyncadd.s32 $0xFFFFD800  }
0x14: {  	[tilespmem:s3], [sflag:$0x2] =	stream.linear.gather [hbm4b:s7+s3], $0x2780, $0x38;
	[tilespmem:$0x1D000] =	vst v63  }
0x15: {  	_ =	swait.ge [sflag:s12], $0x2780  }
0x16: {  	[sflag:s12] =	ssyncset.done $0x0  }
0x17: {  	[sflag:s12] =	ssyncadd.s32 $0xFFFFD880  }
0x18: {  	[tilespmem:s13], [sflag:$0x2] =	stream.linear.gather [hbm4b:s8+s3], $0x2780, $0x38;
	[tilespmem:$0x1D000] =	vst v63  }
0x19: {  	_ =	swait.ge [sflag:s12], $0x2780  }
0x1a: {  	[sflag:s12] =	ssyncset.done $0x0  }
0x1b: {  	[sflag:s12] =	ssyncadd.s32 $0xFFFFD880  }
0x1c: {  	[bflag:$0x0] =	sbarrier.arrive $0xFFFF  }
0x1d: {  	_ =	sdelay $0x7ff  }
0x1e: {  	_ =	sdelay $0x7ff  }
0x1f: {  	s18 =	simm.s32 $0x0;
	_ =	sdelay $0x5ad  }
0x20: {  	[tilespmem:s15], [sflag:$0x1] =	stream.indirect.gather [hbm4b:s4+s14], $0x80, s18, s14, $0xb8;
	[tilespmem:$0x1D000] =	vst v63  }
0x21: {  	_ =	swait.ge [sflag:s16], $0x4000  }
0x22: {  	[sflag:s16] =	ssyncset.done $0x0  }
0x23: {  	s31 =	simm.s32 $0x2800;
	[sflag:s16] =	ssyncadd.s32 $0xFFFFC000  }
0x24: {  	[spmem:s2] =	stream.indirect.scatter.add.f32 [tilespmem:s15], [sflag:$0x2], $0x80, s31, s14, $0xb8;
	[tilespmem:$0x1D000] =	vst v63  }
0x25: {  	_ =	swait.ge [sflag:s12], $0x4000  }
0x26: {  	s19 =	simm.s32 $0x400;
	s18 =	simm.s32 $0x200;
	[sflag:s12] =	ssyncset.done $0x0  }
.LBB2_2:
0x27: {  	s20 =	sshra.s32 s18, $0x2  }
0x28: {  	[sflag:s12] =	ssyncadd.s32 $0xFFFFC000;
	s18 =	smov.u32 s19;
	s21 =	sadd.s32 $0x200, s19  }
0x29: {  	[tilespmem:s15], [sflag:$0x1] =	stream.indirect.gather [hbm4b:s4+s14], $0x80, s20, s14, $0xb8;
	[tilespmem:$0x1D000] =	vst v63  }
0x2a: {  	p0 =	sne.s32 s19, $0x9C00;
	_ =	swait.ge [sflag:s16], $0x4000  }
.Ltmp0:
0x2b: {  	[sflag:s16] =	ssyncset.done $0x0;
	(pc) =	sbr.rel @p0 .LBB2_2-.Ltmp0, $4  }
0x2c: {  	s19 =	sadd.s32 $0x2800, s20;
	[sflag:s16] =	ssyncadd.s32 $0xFFFFC000  }
0x2d: {  	[spmem:s2] =	stream.indirect.scatter.add.f32 [tilespmem:s15], [sflag:$0x2], $0x80, s19, s14, $0xb8;
	[tilespmem:$0x1D000] =	vst v63  }
0x2e: {  	_ =	swait.ge [sflag:s12], $0x4000  }
0x2f: {  	s19 =	smov.u32 s21;
	[sflag:s12] =	ssyncset.done $0x0  }
0x30: {  	s18 =	sshra.s32 s18, $0x2;
	[sflag:s12] =	ssyncadd.s32 $0xFFFFC000  }
0x31: {  	[tilespmem:s15], [sflag:$0x1] =	stream.indirect.gather [hbm4b:s4+s14], $0x80, s18, s14, $0xb8;
	[tilespmem:$0x1D000] =	vst v63  }
0x32: {  	_ =	swait.ge [sflag:s16], $0x4000  }
0x33: {  	[sflag:s16] =	ssyncset.done $0x0  }
0x34: {  	s18 =	sadd.s32 $0x2800, s18;
	[sflag:s16] =	ssyncadd.s32 $0xFFFFC000  }
0x35: {  	[spmem:s2] =	stream.indirect.scatter.add.f32 [tilespmem:s15], [sflag:$0x2], $0x80, s18, s14, $0xb8;
	[tilespmem:$0x1D000] =	vst v63  }
0x36: {  	_ =	swait.ge [sflag:s12], $0x4000  }
0x37: {  	[sflag:s12] =	ssyncset.done $0x0  }
0x38: {  	[sflag:s12] =	ssyncadd.s32 $0xFFFFC000  }
0x39: {  	[bflag:$0x0] =	sbarrier.arrive $0xFFFF  }
0x3a: {  	s17 =	sadd.s32 $0x1, s17;
	_ =	sdelay $0x7ff  }
0x3b: {  	p0 =	sne.s32 s17, s10;
	_ =	sdelay $0x7ff  }
.Ltmp1:
0x3c: {  	_ =	sdelay $0x5ad;
	(pc) =	sbr.rel @p0 .LBB2_1-.Ltmp1, $4  }
0x3d: {  	[hbm:s9], [sflag:s6] =	dma.local [spmem:s11], $0x2800  }
0x3e: {  	_ =	swait.ge [sflag:s12], $0x2800  }
0x3f: {  	[sflag:s12] =	ssyncset.done $0x0  }
0x40: {  	[sflag:s12] =	ssyncadd.s32 $0xFFFFD800  }
0x41: {  	_ =	sfence.sel $0x180000  }
0x42: {  	[bflag:$0x0] =	sbarrier.arrive $0xFFFF  }
0x43: {  	p0 =	sne.s32 s0, $0x0;
	_ =	strace $0x9000004A  }
0x44: {  	s0 =	sadd.s32 @!p0 $0x100000, s1;
	[bflag:$0x2] =	sbarrier.arrive $0xFFFF  }
0x45: {  	[sflag:s0] =	ssyncadd.tile.s32 @!p0 $0x1;
	_ =	shalt  }
.Lfunc_end2:
_tile_overlayer_lowered:
.L_overlay_start_2:
0x46: {  	(tag) =	ssettag $0x2  }
0x47: {  	s0 =	rddreg [dreg:$0x0];
	s2 =	stileid.u32  }
0x48: {  	s1 =	rddreg [dreg:$0x1];
	p0 =	sne.s32 s2, $0x0  }
0x49: {  	s3 =	rddreg [dreg:$0x2];
	[bflag:$0x3] =	sbarrier.arrive $0xFFFF;
	s2 =	simm.s32 @!p0 $0x1C02  }
0x4a: {  	[timem:s3], [sflag:s2] =	dma.local @!p0 [hbm:s0], s1  }
0x4b: {  	s0 =	simm.s32 @!p0 $0x2  }
0x4c: {  	_ =	swait.ge @!p0 [sflag:s0], s1  }
0x4d: {  	s1 =	ssub.s32 @!p0 $0x0, s1;
	[sflag:s0] =	ssyncset.done @!p0 $0x0  }
0x4e: {  	[sflag:s0] =	ssyncadd.s32 @!p0 s1  }
0x4f: {  	[bflag:$0x3] =	sbarrier.arrive $0xFFFF  }
0x50: {  	_ =	shalt  }

// kernel: kernel.19.cloned.1.call-start
scs
__scs_entry_jumppad:
0x0: {  	(pc) =	sbr.rel $0x88, $3  }
0x1: {  	(tag) =	ssettag $0x0;
	lr =	simm.s32 $0x1  }
0x2: {  	[smem:$0x3F95] =	sst lr;
	_ =	strace $0xD0000000  }
0x3: {  	_ = 	snop  }
0x4: {  	_ = 	snop  }
0x5: {  	_ = 	snop  }
0x6: {  	_ = 	snop  }
0x7: {  	_ = 	snop  }
__scs_overlays_trampoline_lowered:
0x8: {  	[smem:$0x3FA4] =	sst s0  }
0x9: {  	[smem:$0x3FA5] =	sst s1  }
0xa: {  	[smem:$0x3FA6] =	sst s2  }
0xb: {  	[smem:$0x3FA7] =	sst s3  }
0xc: {  	[smem:$0x3FA8] =	sst s4  }
0xd: {  	[smem:$0x3FA9] =	sst s5  }
0xe: {  	[smem:$0x3FAA] =	sst s6  }
0xf: {  	[smem:$0x3FAB] =	sst s7  }
0x10: {  	[smem:$0x3FAC] =	sst s8  }
0x11: {  	[smem:$0x3FAD] =	sst s9;
	s0 =	simm.s32 @!p0 $0x0  }
0x12: {  	s1 =	sld [smem:$0x3F93];
	s0 =	simm.s32 @p0 $0x1  }
0x13: {  	[smem:$0x3FAE] =	sst s0;
	s0 =	simm.s32 @!p1 $0x0  }
0x14: {  	s2 =	sld [smem:$0x3F92];
	s0 =	simm.s32 @p1 $0x1  }
0x15: {  	[smem:$0x3FAF] =	sst s0;
	s0 =	simm.s32 @!p2 $0x0  }
0x16: {  	s3 =	sld [smem:$0x3FDB];
	s0 =	simm.s32 @p2 $0x1  }
0x17: {  	s4 =	simm.s32 $0x1BF5;
	[smem:$0x3FB1] =	sst s0  }
0x18: {  	s0 =	sld [smem:$0x3F94];
	_ =	swait.ge [sflag:s4], $0x0  }
0x19: {  	s7 =	sld [smem:$0x3F95]  }
0x1a: {  	s8 =	sadd.s32 $0xFFFFE003, lr  }
0x1b: {  	s9 =	sadd.s32 $0xFFFFFEF7, lr;
	s5 =	simm.s32 $0xFFFFFFFF;
	p2 =	slt.u32 s8, $0xFFFFF086  }
0x1c: {  	p1 =	slt.u32 s9, $0xF7A;
	s5 =	simm.s32 @!p2 $0x0  }
0x1d: {  	s5 =	simm.s32 @p1 $0x1;
	p0 =	seq.s32 s7, s2  }
0x1e: {  	s7 =	smul.u32 @!p0 $0xF7A, s2;
	p2 =	seq.s32 @!p0 s5, $0x0  }
0x1f: {  	s9 =	smul.u32 $0xF7A, s1;
	s8 =	simm.s32 @!p0 $0x1BF5;
	p2 =	por !p2, p0  }
0x20: {  	[sflag:s8] =	ssyncset.s32 @!p0 $0xFFFFF086;
	s6 =	sadd.s32 @!p0 s3, s7;
	s7 =	simm.s32 @!p0 $0x108  }
0x21: {  	s3 =	sadd.s32 s3, s9;
	s6 =	sadd.s32 @!p0 $0x88, s6;
	s7 =	simm.s32 @p2 $0x1082  }
0x22: {  	[simem:s7], [sflag:s8] =	dma.local @!p0 [hbm:s6], $0xF7A  }
0x23: {  	s9 =	sor.u32 $0xD0000000, s2;
	s6 =	simm.s32 $0x108;
	_ =	swait.ge @!p0 [sflag:s8], $0x0  }
0x24: {  	s3 =	sadd.s32 $0x88, s3;
	s6 =	simm.s32 @!p1 $0x1082;
	[sflag:s4] =	ssyncset.s32 $0xFFFFF086  }
0x25: {  	[simem:s6], [sflag:s4] =	dma.local [hbm:s3], $0xF7A  }
0x26: {  	[smem:$0x3F95] =	sst s1;
	(tag) =	ssettag s2;
	_ =	strace s9  }
0x27: {  	s1 =	sld [smem:$0x3FA5]  }
0x28: {  	s2 =	sld [smem:$0x3FA6]  }
0x29: {  	s4 =	sld [smem:$0x3FA8]  }
0x2a: {  	p0 =	seq.s32 s5, $0x0;
	s5 =	sld [smem:$0x3FA9]  }
0x2b: {  	s6 =	sld [smem:$0x3FAA]  }
0x2c: {  	s7 =	sld [smem:$0x3FAB]  }
0x2d: {  	s3 =	simm.s32 $0x108;
	s8 =	sld [smem:$0x3FAC]  }
0x2e: {  	s3 =	simm.s32 @!p0 $0x1082;
	s9 =	sld [smem:$0x3FAD]  }
0x2f: {  	lr =	sadd.s32 s0, s3;
	s0 =	sld [smem:$0x3FA4]  }
0x30: {  	s3 =	sld [smem:$0x3FA7]  }
0x31: {  	[smem:$0x3FB0] =	sst s10  }
0x32: {  	s10 =	sld [smem:$0x3FAE];
	_ =	sdelay $0x3  }
0x33: {  	p0 =	seq.s32 s10, $0x1;
	s10 =	sld [smem:$0x3FB0];
	_ =	sdelay $0x3  }
0x34: {  	[smem:$0x3FB0] =	sst s10  }
0x35: {  	s10 =	sld [smem:$0x3FAF];
	_ =	sdelay $0x3  }
0x36: {  	p1 =	seq.s32 s10, $0x1;
	s10 =	sld [smem:$0x3FB0];
	_ =	sdelay $0x3  }
0x37: {  	[smem:$0x3FB0] =	sst s10  }
0x38: {  	s10 =	sld [smem:$0x3FB1]  }
0x39: {  	_ = 	snop;
	(pc) =	sbr.ind lr, $3  }
0x3a: {  	_ = 	snop  }
0x3b: {  	_ = 	snop  }
0x3c: {  	p2 =	seq.s32 s10, $0x1;
	s10 =	sld [smem:$0x3FB0]  }
0x3d: {  	_ =	shalt  }
0x3e: {  	_ =	shalt  }
0x3f: {  	_ =	shalt  }
0x40: {  	_ =	shalt  }
0x41: {  	_ =	shalt  }
0x42: {  	_ =	shalt  }
0x43: {  	_ =	shalt  }
0x44: {  	_ =	shalt  }
0x45: {  	_ =	shalt  }
0x46: {  	_ =	shalt  }
0x47: {  	_ =	shalt  }
0x48: {  	_ =	shalt  }
0x49: {  	_ =	shalt  }
0x4a: {  	_ =	shalt  }
0x4b: {  	_ =	shalt  }
0x4c: {  	_ =	shalt  }
0x4d: {  	_ =	shalt  }
0x4e: {  	_ =	shalt  }
0x4f: {  	_ =	shalt  }
0x50: {  	_ =	shalt  }
0x51: {  	_ =	shalt  }
0x52: {  	_ =	shalt  }
0x53: {  	_ =	shalt  }
0x54: {  	_ =	shalt  }
0x55: {  	_ =	shalt  }
0x56: {  	_ =	shalt  }
0x57: {  	_ =	shalt  }
0x58: {  	_ =	shalt  }
0x59: {  	_ =	shalt  }
0x5a: {  	_ =	shalt  }
0x5b: {  	_ =	shalt  }
0x5c: {  	_ =	shalt  }
0x5d: {  	_ =	shalt  }
0x5e: {  	_ =	shalt  }
0x5f: {  	_ =	shalt  }
0x60: {  	_ =	shalt  }
0x61: {  	_ =	shalt  }
0x62: {  	_ =	shalt  }
0x63: {  	_ =	shalt  }
0x64: {  	_ =	shalt  }
0x65: {  	_ =	shalt  }
0x66: {  	_ =	shalt  }
0x67: {  	_ =	shalt  }
0x68: {  	_ =	shalt  }
0x69: {  	_ =	shalt  }
0x6a: {  	_ =	shalt  }
0x6b: {  	_ =	shalt  }
0x6c: {  	_ =	shalt  }
0x6d: {  	_ =	shalt  }
0x6e: {  	_ =	shalt  }
0x6f: {  	_ =	shalt  }
0x70: {  	_ =	shalt  }
0x71: {  	_ =	shalt  }
0x72: {  	_ =	shalt  }
0x73: {  	_ =	shalt  }
0x74: {  	_ =	shalt  }
0x75: {  	_ =	shalt  }
0x76: {  	_ =	shalt  }
0x77: {  	_ =	shalt  }
0x78: {  	_ =	shalt  }
0x79: {  	_ =	shalt  }
0x7a: {  	_ =	shalt  }
0x7b: {  	_ =	shalt  }
0x7c: {  	_ =	shalt  }
0x7d: {  	_ =	shalt  }
0x7e: {  	_ =	shalt  }
0x7f: {  	_ =	shalt  }
0x80: {  	_ =	shalt  }
0x81: {  	_ =	shalt  }
0x82: {  	_ =	shalt  }
0x83: {  	_ =	shalt  }
0x84: {  	_ =	shalt  }
0x85: {  	_ =	shalt  }
0x86: {  	_ =	shalt  }
0x87: {  	_ =	shalt  }
.Lfunc_end0:
.L_simem_size_0:
called_computation.2_lowered:
.L_overlay_start_0:
0x88: {  	s2 =	sld [smem:$0x3FD9]  }
0x89: {  	s3 =	sld [smem:$0x3FFE];
	_ =	sdelay $0x1  }
0x8a: {  	s1 =	srdreg.scid  }
0x8b: {  	s0 =	sand.u32 $0x1, s1  }
0x8c: {  	s14 =	sshll.u32 s0, $0xA;
	s2 =	sadd.s32 s3, s2  }
0x8d: {  	s2 =	sadd.s32 s2, s14  }
0x8e: {  	[smem:$0x3FBC] =	sst s2  }
0x8f: {  	_ = 	snop  }
0x90: {  	s2 =	sld [smem:$0x3FD0];
	_ =	sdelay $0x2  }
0x91: {  	s15 =	simm.s32 $0xA;
	s4 =	simm.s32 $0x10  }
0x92: {  	[smem:s4], [sflag:s15] =	dma.local [hbm:s2], $0x1  }
0x93: {  	_ =	swait.eq [sflag:s15], $0x1  }
0x94: {  	[sflag:s15] =	ssyncset.done $0x0  }
0x95: {  	[sflag:s15] =	ssyncadd.s32 $0xFFFFFFFF  }
0x96: {  	s16 =	sld [smem:$0x10];
	(tm) =	ssettm $0x1  }
0x97: {  	s17 =	sld [smem:$0x3FFB];
	_ =	sdelay $0x3  }
0x98: {  	_ =	strace s17  }
0x99: {  	s3 =	sld [smem:$0x3FFC];
	_ =	sdelay $0x3  }
0x9a: {  	_ =	strace s3  }
0x9b: {  	s3 =	sld [smem:$0x3FFD];
	_ =	sdelay $0x3  }
0x9c: {  	_ =	strace s3  }
0x9d: {  	_ =	strace $0x8FFFFFFF  }
0x9e: {  	s18 =	sld [smem:$0x3FDB];
	_ =	sdelay $0x1  }
0x9f: {  	s19 =	simm.s32 $_scs_section_size  }
0xa0: {  	s5 =	simm.s32 $_size__tile_overlayer_lowered;
	s6 =	simm.s32 $_tile_overlayer_lowered  }
0xa1: {  	s22 =	simm.s32 $0x1BFF;
	s21 =	sshll.u32 s6, $0x1;
	s3 =	sadd.s32 s19, s18  }
0xa2: {  	s7 =	simm.s32 $0x0;
	s20 =	sshll.u32 s5, $0x1;
	s5 =	sadd.s32 s21, s3  }
0xa3: {  	[timem:s7], [sflag:s22] =	dma.local [hbm:s5], s20  }
0xa4: {  	_ =	swait.ge [sflag:s22], s20  }
0xa5: {  	s4 =	ssub.s32 $0x0, s20;
	[sflag:s22] =	ssyncset.done $0x0  }
0xa6: {  	[sflag:s22] =	ssyncadd.s32 s4;
	_ =	sdelay $0x1  }
0xa7: {  	s23 =	simm.s32 $0x1B8B  }
0xa8: {  	_ =	swait.ge [sflag:s23], $0x1  }
0xa9: {  	[sflag:s23] =	ssyncset.done $0x0  }
0xaa: {  	s25 =	simm.s32 $0x1B8E;
	s24 =	sld [smem:$0x3FFE];
	[sflag:s23] =	ssyncadd.s32 $0xFFFFFFFF  }
0xab: {  	s26 =	simm.s32 $execute0_lowered;
	[smem:$0x3FD2] =	sst s25  }
0xac: {  	s5 =	sshll.u32 s26, $0x1;
	_ =	strace $0x8000004C;
	[dreg:$0x1] =	wrdreg $0xFFFFFFFF  }
0xad: {  	s28 =	simm.s32 $_size_execute0_lowered;
	s3 =	sadd.s32 s3, s5;
	[dreg:$0x0] =	wrdreg $0x0  }
0xae: {  	s5 =	sshll.u32 s28, $0x1;
	[dreg:$0x2] =	wrdreg s3  }
0xaf: {  	[dreg:$0x3] =	wrdreg s5  }
0xb0: {  	[dreg:$0x4] =	wrdreg $0xC0  }
0xb1: {  	_ =	task [dreg:s7], $0x5FFFF  }
0xb2: {  	[dreg:$0x1] =	wrdreg $0xFFFFFFFF  }
0xb3: {  	[dreg:$0x0] =	wrdreg $0x60  }
0xb4: {  	[dreg:$0x2] =	wrdreg s24  }
0xb5: {  	[dreg:$0x3] =	wrdreg s16  }
0xb6: {  	[dreg:$0x4] =	wrdreg $0x90000  }
0xb7: {  	[dreg:$0x5] =	wrdreg $0x9  }
0xb8: {  	_ =	task.clear_ibuf [dreg:s7], $0x6FFFF;
	_ =	strace $0x9000004C  }
0xb9: {  	s29 =	simm.s32 $0x9;
	_ =	strace $0x8000004E  }
0xba: {  	_ =	swait.ge [sflag:s29], $0x1  }
0xbb: {  	[sflag:s29] =	ssyncadd.s32 $0xFFFFFFFF  }
0xbc: {  	_ =	strace $0x9000004E  }
0xbd: {  	_ =	sfence  }
0xbe: {  	s30 =	sld [smem:$0x0];
	_ =	sdelay $0x2  }
0xbf: {  	s31 =	sshll.u32 s1, $0xD;
	s1 =	sshrl.u32 s1, $0x2  }
0xc0: {  	s3 =	sand.u32 $0x4000, s31;
	s1 =	sadd.s32 s1, s30  }
0xc1: {  	s0 =	sor.u32 s3, s0;
	s1 =	sshll.u32 s1, $0x11  }
0xc2: {  	s0 =	sor.u32 s1, s0  }
0xc3: {  	s0 =	sadd.s32 $0x8F2B, s0  }
0xc4: {  	[sflag:s0] =	ssyncadd.remote.s32 $0x1  }
0xc5: {  	_ =	sfence.sel $0xFFFF  }
0xc6: {  	[dreg:$0x0] =	wrdreg $0xFFFFFFFF;
	(pc) =	sbr.abs _section_cstart, $3  }
0xc7: {  	[dreg:$0x1] =	wrdreg $0xFFFFFFFF  }
0xc8: {  	_ =	task.clear_ibuf [dreg:s7], $0x2FFFF;
	_ =	strace $0x9FFFFFFF  }
0xc9: {  	(tm) =	ssettm $0x7FFFFFFF  }
tec
execute0_lowered:
.L_overlay_start_1:
0x0: {  	(tag) =	ssettag $0x1  }
0x1: {  	s5 =	rddreg [dreg:$0x0]  }
0x2: {  	s0 =	srdreg.scid;
	s7 =	rddreg [dreg:$0x1]  }
0x3: {  	s2 =	rddreg [dreg:$0x2];
	s3 =	simm.s32 $0x0;
	s15 =	simm.s32 $0x5000  }
0x4: {  	s16 =	simm.s32 $0x1;
	s6 =	sand.u32 $0x1, s0;
	s0 =	stileid.u32  }
0x5: {  	s17 =	simm.s32 $0x0;
	[smem:$0x7FF] =	sst s3;
	s9 =	smul.u32 $0x14000, s0  }
0x6: {  	s1 =	sshll.u32 s6, $0x4;
	s10 =	smul.u32 $0x140000, s6;
	s6 =	ssub.s32 $0x2, s6  }
0x7: {  	s29 =	smul.u32 $0x50000, s0;
	s31 =	sshll.u32 s0, $0x6;
	s4 =	sor.u32 s0, s1  }
0x8: {  	s1 =	rddreg [dreg:$0x3];
	_ =	strace $0x8000004D;
	s13 =	sshrl.u32 s6, $0x1  }
0x9: {  	s8 =	smul.u32 $0x500, s4;
	s4 =	sadd.s32 $0xE200, s5;
	s12 =	sshrl.u32 s9, $0x3  }
0xa: {  	s9 =	sadd.s32 s9, s10;
	s13 =	ssub.s32 s6, s13;
	s30 =	sshrl.u32 s29, $0x2  }
0xb: {  	s6 =	sor.u32 $0x1C02, s31;
	s12 =	sadd.s32 s12, s5;
	s9 =	sshrl.u32 s9, $0x3  }
0xc: {  	s14 =	sadd.s32 s30, s2;
	s10 =	smax.u32 s13, $0x1;
	s13 =	simm.s32 $0x2800  }
0xd: {  	s11 =	sadd.s32 s8, s5;
	s9 =	sadd.s32 s9, s5;
	s5 =	sadd.s32 $0x5E200, s12  }
0xe: {  	s7 =	sadd.s32 s7, s8;
	s12 =	simm.s32 $0x2;
	s8 =	sadd.s32 $0x3C00, s11  }
0xf: {  	s9 =	sadd.s32 $0x86200, s9;
	s11 =	sshrl.u32 s14, $0x3;
	s14 =	simm.s32 $0x80  }
.LBB2_1:
0x10: {  	[spmem:s11], [sflag:s6] =	dma.local [hbm:s5], $0x2800  }
0x11: {  	_ =	swait.ge [sflag:s12], $0x2800  }
0x12: {  	[sflag:s12] =	ssyncset.done $0x0  }
0x13: {  	[sflag:s12] =	ssyncadd.s32 $0xFFFFD800  }
0x14: {  	[tilespmem:s3], [sflag:$0x2] =	stream.linear.gather [hbm4b:s7+s3], $0x2780, $0x38;
	[tilespmem:$0x1D000] =	vst v63  }
0x15: {  	_ =	swait.ge [sflag:s12], $0x2780  }
0x16: {  	[sflag:s12] =	ssyncset.done $0x0  }
0x17: {  	[sflag:s12] =	ssyncadd.s32 $0xFFFFD880  }
0x18: {  	[tilespmem:s13], [sflag:$0x2] =	stream.linear.gather [hbm4b:s8+s3], $0x2780, $0x38;
	[tilespmem:$0x1D000] =	vst v63  }
0x19: {  	_ =	swait.ge [sflag:s12], $0x2780  }
0x1a: {  	[sflag:s12] =	ssyncset.done $0x0  }
0x1b: {  	[sflag:s12] =	ssyncadd.s32 $0xFFFFD880  }
0x1c: {  	[bflag:$0x0] =	sbarrier.arrive $0xFFFF  }
0x1d: {  	_ =	sdelay $0x7ff  }
0x1e: {  	_ =	sdelay $0x7ff  }
0x1f: {  	s18 =	simm.s32 $0x0;
	_ =	sdelay $0x5ad  }
0x20: {  	[tilespmem:s15], [sflag:$0x1] =	stream.indirect.gather [hbm4b:s4+s14], $0x80, s18, s14, $0xb8;
	[tilespmem:$0x1D000] =	vst v63  }
0x21: {  	_ =	swait.ge [sflag:s16], $0x4000  }
0x22: {  	[sflag:s16] =	ssyncset.done $0x0  }
0x23: {  	s31 =	simm.s32 $0x2800;
	[sflag:s16] =	ssyncadd.s32 $0xFFFFC000  }
0x24: {  	[spmem:s2] =	stream.indirect.scatter.add.f32 [tilespmem:s15], [sflag:$0x2], $0x80, s31, s14, $0xb8;
	[tilespmem:$0x1D000] =	vst v63  }
0x25: {  	_ =	swait.ge [sflag:s12], $0x4000  }
0x26: {  	s19 =	simm.s32 $0x400;
	s18 =	simm.s32 $0x200;
	[sflag:s12] =	ssyncset.done $0x0  }
.LBB2_2:
0x27: {  	s20 =	sshra.s32 s18, $0x2  }
0x28: {  	[sflag:s12] =	ssyncadd.s32 $0xFFFFC000;
	s18 =	smov.u32 s19;
	s21 =	sadd.s32 $0x200, s19  }
0x29: {  	[tilespmem:s15], [sflag:$0x1] =	stream.indirect.gather [hbm4b:s4+s14], $0x80, s20, s14, $0xb8;
	[tilespmem:$0x1D000] =	vst v63  }
0x2a: {  	p0 =	sne.s32 s19, $0x9C00;
	_ =	swait.ge [sflag:s16], $0x4000  }
.Ltmp0:
0x2b: {  	[sflag:s16] =	ssyncset.done $0x0;
	(pc) =	sbr.rel @p0 .LBB2_2-.Ltmp0, $4  }
0x2c: {  	s19 =	sadd.s32 $0x2800, s20;
	[sflag:s16] =	ssyncadd.s32 $0xFFFFC000  }
0x2d: {  	[spmem:s2] =	stream.indirect.scatter.add.f32 [tilespmem:s15], [sflag:$0x2], $0x80, s19, s14, $0xb8;
	[tilespmem:$0x1D000] =	vst v63  }
0x2e: {  	_ =	swait.ge [sflag:s12], $0x4000  }
0x2f: {  	s19 =	smov.u32 s21;
	[sflag:s12] =	ssyncset.done $0x0  }
0x30: {  	s18 =	sshra.s32 s18, $0x2;
	[sflag:s12] =	ssyncadd.s32 $0xFFFFC000  }
0x31: {  	[tilespmem:s15], [sflag:$0x1] =	stream.indirect.gather [hbm4b:s4+s14], $0x80, s18, s14, $0xb8;
	[tilespmem:$0x1D000] =	vst v63  }
0x32: {  	_ =	swait.ge [sflag:s16], $0x4000  }
0x33: {  	[sflag:s16] =	ssyncset.done $0x0  }
0x34: {  	s18 =	sadd.s32 $0x2800, s18;
	[sflag:s16] =	ssyncadd.s32 $0xFFFFC000  }
0x35: {  	[spmem:s2] =	stream.indirect.scatter.add.f32 [tilespmem:s15], [sflag:$0x2], $0x80, s18, s14, $0xb8;
	[tilespmem:$0x1D000] =	vst v63  }
0x36: {  	_ =	swait.ge [sflag:s12], $0x4000  }
0x37: {  	[sflag:s12] =	ssyncset.done $0x0  }
0x38: {  	[sflag:s12] =	ssyncadd.s32 $0xFFFFC000  }
0x39: {  	[bflag:$0x0] =	sbarrier.arrive $0xFFFF  }
0x3a: {  	s17 =	sadd.s32 $0x1, s17;
	_ =	sdelay $0x7ff  }
0x3b: {  	p0 =	sne.s32 s17, s10;
	_ =	sdelay $0x7ff  }
.Ltmp1:
0x3c: {  	_ =	sdelay $0x5ad;
	(pc) =	sbr.rel @p0 .LBB2_1-.Ltmp1, $4  }
0x3d: {  	[hbm:s9], [sflag:s6] =	dma.local [spmem:s11], $0x2800  }
0x3e: {  	_ =	swait.ge [sflag:s12], $0x2800  }
0x3f: {  	[sflag:s12] =	ssyncset.done $0x0  }
0x40: {  	[sflag:s12] =	ssyncadd.s32 $0xFFFFD800  }
0x41: {  	_ =	sfence.sel $0x180000  }
0x42: {  	[bflag:$0x0] =	sbarrier.arrive $0xFFFF  }
0x43: {  	p0 =	sne.s32 s0, $0x0;
	_ =	strace $0x9000004D  }
0x44: {  	s0 =	sadd.s32 @!p0 $0x100000, s1;
	[bflag:$0x2] =	sbarrier.arrive $0xFFFF  }
0x45: {  	[sflag:s0] =	ssyncadd.tile.s32 @!p0 $0x1;
	_ =	shalt  }
.Lfunc_end2:
_tile_overlayer_lowered:
.L_overlay_start_2:
0x46: {  	(tag) =	ssettag $0x2  }
0x47: {  	s0 =	rddreg [dreg:$0x0];
	s2 =	stileid.u32  }
0x48: {  	s1 =	rddreg [dreg:$0x1];
	p0 =	sne.s32 s2, $0x0  }
0x49: {  	s3 =	rddreg [dreg:$0x2];
	[bflag:$0x3] =	sbarrier.arrive $0xFFFF;
	s2 =	simm.s32 @!p0 $0x1C02  }
0x4a: {  	[timem:s3], [sflag:s2] =	dma.local @!p0 [hbm:s0], s1  }
0x4b: {  	s0 =	simm.s32 @!p0 $0x2  }
0x4c: {  	_ =	swait.ge @!p0 [sflag:s0], s1  }
0x4d: {  	s1 =	ssub.s32 @!p0 $0x0, s1;
	[sflag:s0] =	ssyncset.done @!p0 $0x0  }
0x4e: {  	[sflag:s0] =	ssyncadd.s32 @!p0 s1  }
0x4f: {  	[bflag:$0x3] =	sbarrier.arrive $0xFFFF  }
0x50: {  	_ =	shalt  }

// kernel: kernel.22.cloned.1.call-start
scs
__scs_entry_jumppad:
0x0: {  	(pc) =	sbr.rel $0x88, $3  }
0x1: {  	(tag) =	ssettag $0x0;
	lr =	simm.s32 $0x1  }
0x2: {  	[smem:$0x3F95] =	sst lr;
	_ =	strace $0xD0000000  }
0x3: {  	_ = 	snop  }
0x4: {  	_ = 	snop  }
0x5: {  	_ = 	snop  }
0x6: {  	_ = 	snop  }
0x7: {  	_ = 	snop  }
__scs_overlays_trampoline_lowered:
0x8: {  	[smem:$0x3FA4] =	sst s0  }
0x9: {  	[smem:$0x3FA5] =	sst s1  }
0xa: {  	[smem:$0x3FA6] =	sst s2  }
0xb: {  	[smem:$0x3FA7] =	sst s3  }
0xc: {  	[smem:$0x3FA8] =	sst s4  }
0xd: {  	[smem:$0x3FA9] =	sst s5  }
0xe: {  	[smem:$0x3FAA] =	sst s6  }
0xf: {  	[smem:$0x3FAB] =	sst s7  }
0x10: {  	[smem:$0x3FAC] =	sst s8  }
0x11: {  	[smem:$0x3FAD] =	sst s9;
	s0 =	simm.s32 @!p0 $0x0  }
0x12: {  	s1 =	sld [smem:$0x3F93];
	s0 =	simm.s32 @p0 $0x1  }
0x13: {  	[smem:$0x3FAE] =	sst s0;
	s0 =	simm.s32 @!p1 $0x0  }
0x14: {  	s2 =	sld [smem:$0x3F92];
	s0 =	simm.s32 @p1 $0x1  }
0x15: {  	[smem:$0x3FAF] =	sst s0;
	s0 =	simm.s32 @!p2 $0x0  }
0x16: {  	s3 =	sld [smem:$0x3FDB];
	s0 =	simm.s32 @p2 $0x1  }
0x17: {  	s4 =	simm.s32 $0x1BF5;
	[smem:$0x3FB1] =	sst s0  }
0x18: {  	s0 =	sld [smem:$0x3F94];
	_ =	swait.ge [sflag:s4], $0x0  }
0x19: {  	s7 =	sld [smem:$0x3F95]  }
0x1a: {  	s8 =	sadd.s32 $0xFFFFE003, lr  }
0x1b: {  	s9 =	sadd.s32 $0xFFFFFEF7, lr;
	s5 =	simm.s32 $0xFFFFFFFF;
	p2 =	slt.u32 s8, $0xFFFFF086  }
0x1c: {  	p1 =	slt.u32 s9, $0xF7A;
	s5 =	simm.s32 @!p2 $0x0  }
0x1d: {  	s5 =	simm.s32 @p1 $0x1;
	p0 =	seq.s32 s7, s2  }
0x1e: {  	s7 =	smul.u32 @!p0 $0xF7A, s2;
	p2 =	seq.s32 @!p0 s5, $0x0  }
0x1f: {  	s9 =	smul.u32 $0xF7A, s1;
	s8 =	simm.s32 @!p0 $0x1BF5;
	p2 =	por !p2, p0  }
0x20: {  	[sflag:s8] =	ssyncset.s32 @!p0 $0xFFFFF086;
	s6 =	sadd.s32 @!p0 s3, s7;
	s7 =	simm.s32 @!p0 $0x108  }
0x21: {  	s3 =	sadd.s32 s3, s9;
	s6 =	sadd.s32 @!p0 $0x88, s6;
	s7 =	simm.s32 @p2 $0x1082  }
0x22: {  	[simem:s7], [sflag:s8] =	dma.local @!p0 [hbm:s6], $0xF7A  }
0x23: {  	s9 =	sor.u32 $0xD0000000, s2;
	s6 =	simm.s32 $0x108;
	_ =	swait.ge @!p0 [sflag:s8], $0x0  }
0x24: {  	s3 =	sadd.s32 $0x88, s3;
	s6 =	simm.s32 @!p1 $0x1082;
	[sflag:s4] =	ssyncset.s32 $0xFFFFF086  }
0x25: {  	[simem:s6], [sflag:s4] =	dma.local [hbm:s3], $0xF7A  }
0x26: {  	[smem:$0x3F95] =	sst s1;
	(tag) =	ssettag s2;
	_ =	strace s9  }
0x27: {  	s1 =	sld [smem:$0x3FA5]  }
0x28: {  	s2 =	sld [smem:$0x3FA6]  }
0x29: {  	s4 =	sld [smem:$0x3FA8]  }
0x2a: {  	p0 =	seq.s32 s5, $0x0;
	s5 =	sld [smem:$0x3FA9]  }
0x2b: {  	s6 =	sld [smem:$0x3FAA]  }
0x2c: {  	s7 =	sld [smem:$0x3FAB]  }
0x2d: {  	s3 =	simm.s32 $0x108;
	s8 =	sld [smem:$0x3FAC]  }
0x2e: {  	s3 =	simm.s32 @!p0 $0x1082;
	s9 =	sld [smem:$0x3FAD]  }
0x2f: {  	lr =	sadd.s32 s0, s3;
	s0 =	sld [smem:$0x3FA4]  }
0x30: {  	s3 =	sld [smem:$0x3FA7]  }
0x31: {  	[smem:$0x3FB0] =	sst s10  }
0x32: {  	s10 =	sld [smem:$0x3FAE];
	_ =	sdelay $0x3  }
0x33: {  	p0 =	seq.s32 s10, $0x1;
	s10 =	sld [smem:$0x3FB0];
	_ =	sdelay $0x3  }
0x34: {  	[smem:$0x3FB0] =	sst s10  }
0x35: {  	s10 =	sld [smem:$0x3FAF];
	_ =	sdelay $0x3  }
0x36: {  	p1 =	seq.s32 s10, $0x1;
	s10 =	sld [smem:$0x3FB0];
	_ =	sdelay $0x3  }
0x37: {  	[smem:$0x3FB0] =	sst s10  }
0x38: {  	s10 =	sld [smem:$0x3FB1]  }
0x39: {  	_ = 	snop;
	(pc) =	sbr.ind lr, $3  }
0x3a: {  	_ = 	snop  }
0x3b: {  	_ = 	snop  }
0x3c: {  	p2 =	seq.s32 s10, $0x1;
	s10 =	sld [smem:$0x3FB0]  }
0x3d: {  	_ =	shalt  }
0x3e: {  	_ =	shalt  }
0x3f: {  	_ =	shalt  }
0x40: {  	_ =	shalt  }
0x41: {  	_ =	shalt  }
0x42: {  	_ =	shalt  }
0x43: {  	_ =	shalt  }
0x44: {  	_ =	shalt  }
0x45: {  	_ =	shalt  }
0x46: {  	_ =	shalt  }
0x47: {  	_ =	shalt  }
0x48: {  	_ =	shalt  }
0x49: {  	_ =	shalt  }
0x4a: {  	_ =	shalt  }
0x4b: {  	_ =	shalt  }
0x4c: {  	_ =	shalt  }
0x4d: {  	_ =	shalt  }
0x4e: {  	_ =	shalt  }
0x4f: {  	_ =	shalt  }
0x50: {  	_ =	shalt  }
0x51: {  	_ =	shalt  }
0x52: {  	_ =	shalt  }
0x53: {  	_ =	shalt  }
0x54: {  	_ =	shalt  }
0x55: {  	_ =	shalt  }
0x56: {  	_ =	shalt  }
0x57: {  	_ =	shalt  }
0x58: {  	_ =	shalt  }
0x59: {  	_ =	shalt  }
0x5a: {  	_ =	shalt  }
0x5b: {  	_ =	shalt  }
0x5c: {  	_ =	shalt  }
0x5d: {  	_ =	shalt  }
0x5e: {  	_ =	shalt  }
0x5f: {  	_ =	shalt  }
0x60: {  	_ =	shalt  }
0x61: {  	_ =	shalt  }
0x62: {  	_ =	shalt  }
0x63: {  	_ =	shalt  }
0x64: {  	_ =	shalt  }
0x65: {  	_ =	shalt  }
0x66: {  	_ =	shalt  }
0x67: {  	_ =	shalt  }
0x68: {  	_ =	shalt  }
0x69: {  	_ =	shalt  }
0x6a: {  	_ =	shalt  }
0x6b: {  	_ =	shalt  }
0x6c: {  	_ =	shalt  }
0x6d: {  	_ =	shalt  }
0x6e: {  	_ =	shalt  }
0x6f: {  	_ =	shalt  }
0x70: {  	_ =	shalt  }
0x71: {  	_ =	shalt  }
0x72: {  	_ =	shalt  }
0x73: {  	_ =	shalt  }
0x74: {  	_ =	shalt  }
0x75: {  	_ =	shalt  }
0x76: {  	_ =	shalt  }
0x77: {  	_ =	shalt  }
0x78: {  	_ =	shalt  }
0x79: {  	_ =	shalt  }
0x7a: {  	_ =	shalt  }
0x7b: {  	_ =	shalt  }
0x7c: {  	_ =	shalt  }
0x7d: {  	_ =	shalt  }
0x7e: {  	_ =	shalt  }
0x7f: {  	_ =	shalt  }
0x80: {  	_ =	shalt  }
0x81: {  	_ =	shalt  }
0x82: {  	_ =	shalt  }
0x83: {  	_ =	shalt  }
0x84: {  	_ =	shalt  }
0x85: {  	_ =	shalt  }
0x86: {  	_ =	shalt  }
0x87: {  	_ =	shalt  }
.Lfunc_end0:
.L_simem_size_0:
called_computation.3_lowered:
.L_overlay_start_0:
0x88: {  	s2 =	sld [smem:$0x3FD9]  }
0x89: {  	s3 =	sld [smem:$0x3FFE];
	_ =	sdelay $0x1  }
0x8a: {  	s1 =	srdreg.scid  }
0x8b: {  	s0 =	sand.u32 $0x1, s1  }
0x8c: {  	s14 =	sshll.u32 s0, $0xA;
	s2 =	sadd.s32 s3, s2  }
0x8d: {  	s2 =	sadd.s32 s2, s14  }
0x8e: {  	[smem:$0x3FBC] =	sst s2  }
0x8f: {  	_ = 	snop  }
0x90: {  	s2 =	sld [smem:$0x3FD0];
	_ =	sdelay $0x2  }
0x91: {  	s15 =	simm.s32 $0xA;
	s4 =	simm.s32 $0x10  }
0x92: {  	[smem:s4], [sflag:s15] =	dma.local [hbm:s2], $0x1  }
0x93: {  	_ =	swait.eq [sflag:s15], $0x1  }
0x94: {  	[sflag:s15] =	ssyncset.done $0x0  }
0x95: {  	s16 =	sld [smem:$0x10];
	[sflag:s15] =	ssyncadd.s32 $0xFFFFFFFF  }
0x96: {  	s17 =	sld [smem:$0x11];
	(tm) =	ssettm $0x1  }
0x97: {  	s18 =	sld [smem:$0x3FFB];
	_ =	sdelay $0x3  }
0x98: {  	_ =	strace s18  }
0x99: {  	s4 =	sld [smem:$0x3FFC];
	_ =	sdelay $0x3  }
0x9a: {  	_ =	strace s4  }
0x9b: {  	s4 =	sld [smem:$0x3FFD];
	_ =	sdelay $0x3  }
0x9c: {  	_ =	strace s4  }
0x9d: {  	_ =	strace $0x8FFFFFFF  }
0x9e: {  	s19 =	sld [smem:$0x3FDB];
	_ =	sdelay $0x1  }
0x9f: {  	s5 =	simm.s32 $_scs_section_size  }
0xa0: {  	s6 =	simm.s32 $_size__tile_overlayer_lowered;
	s7 =	simm.s32 $_tile_overlayer_lowered  }
0xa1: {  	s22 =	simm.s32 $0x1BFF;
	s21 =	sshll.u32 s7, $0x1;
	s4 =	sadd.s32 s5, s19  }
0xa2: {  	s8 =	simm.s32 $0x0;
	s20 =	sshll.u32 s6, $0x1;
	s6 =	sadd.s32 s21, s4  }
0xa3: {  	[timem:s8], [sflag:s22] =	dma.local [hbm:s6], s20  }
0xa4: {  	_ =	swait.ge [sflag:s22], s20  }
0xa5: {  	s5 =	ssub.s32 $0x0, s20;
	[sflag:s22] =	ssyncset.done $0x0  }
0xa6: {  	[sflag:s22] =	ssyncadd.s32 s5;
	_ =	sdelay $0x1  }
0xa7: {  	s23 =	simm.s32 $0x1B8B  }
0xa8: {  	_ =	swait.ge [sflag:s23], $0x1  }
0xa9: {  	[sflag:s23] =	ssyncset.done $0x0  }
0xaa: {  	s25 =	simm.s32 $0x1B8E;
	s24 =	sld [smem:$0x3FFE];
	[sflag:s23] =	ssyncadd.s32 $0xFFFFFFFF  }
0xab: {  	s26 =	simm.s32 $execute0_lowered;
	[smem:$0x3FD2] =	sst s25  }
0xac: {  	s6 =	sshll.u32 s26, $0x1;
	_ =	strace $0x8000004F;
	[dreg:$0x1] =	wrdreg $0xFFFFFFFF  }
0xad: {  	s28 =	simm.s32 $_size_execute0_lowered;
	s4 =	sadd.s32 s4, s6;
	[dreg:$0x0] =	wrdreg $0x0  }
0xae: {  	s6 =	sshll.u32 s28, $0x1;
	[dreg:$0x2] =	wrdreg s4  }
0xaf: {  	[dreg:$0x3] =	wrdreg s6  }
0xb0: {  	[dreg:$0x4] =	wrdreg $0xC0  }
0xb1: {  	_ =	task [dreg:s8], $0x5FFFF  }
0xb2: {  	[dreg:$0x1] =	wrdreg $0xFFFFFFFF  }
0xb3: {  	[dreg:$0x0] =	wrdreg $0x60  }
0xb4: {  	[dreg:$0x2] =	wrdreg s17  }
0xb5: {  	[dreg:$0x3] =	wrdreg s16  }
0xb6: {  	[dreg:$0x4] =	wrdreg s24  }
0xb7: {  	[dreg:$0x5] =	wrdreg $0x50800  }
0xb8: {  	[dreg:$0x6] =	wrdreg $0x9  }
0xb9: {  	_ =	task.clear_ibuf [dreg:s8], $0x7FFFF;
	_ =	strace $0x9000004F  }
0xba: {  	s29 =	simm.s32 $0x9;
	_ =	strace $0x80000051  }
0xbb: {  	_ =	swait.ge [sflag:s29], $0x1  }
0xbc: {  	[sflag:s29] =	ssyncadd.s32 $0xFFFFFFFF  }
0xbd: {  	_ =	strace $0x90000051  }
0xbe: {  	_ =	sfence  }
0xbf: {  	s30 =	sld [smem:$0x0];
	_ =	sdelay $0x2  }
0xc0: {  	s31 =	sshll.u32 s1, $0xD;
	s1 =	sshrl.u32 s1, $0x2  }
0xc1: {  	s3 =	sand.u32 $0x4000, s31;
	s1 =	sadd.s32 s1, s30  }
0xc2: {  	s0 =	sor.u32 s3, s0;
	s1 =	sshll.u32 s1, $0x11  }
0xc3: {  	s0 =	sor.u32 s1, s0  }
0xc4: {  	s0 =	sadd.s32 $0x8F2B, s0  }
0xc5: {  	[sflag:s0] =	ssyncadd.remote.s32 $0x1  }
0xc6: {  	_ =	sfence.sel $0xFFFF  }
0xc7: {  	[dreg:$0x0] =	wrdreg $0xFFFFFFFF;
	(pc) =	sbr.abs _section_cstart, $3  }
0xc8: {  	[dreg:$0x1] =	wrdreg $0xFFFFFFFF  }
0xc9: {  	_ =	task.clear_ibuf [dreg:s8], $0x2FFFF;
	_ =	strace $0x9FFFFFFF  }
0xca: {  	(tm) =	ssettm $0x7FFFFFFF  }
0xcb: {  	_ =	shalt  }
tec
execute0_lowered:
.L_overlay_start_1:
0x0: {  	(tag) =	ssettag $0x1  }
0x1: {  	s1 =	rddreg [dreg:$0x0]  }
0x2: {  	s7 =	rddreg [dreg:$0x1]  }
0x3: {  	s0 =	srdreg.scid;
	s6 =	rddreg [dreg:$0x2]  }
0x4: {  	s3 =	rddreg [dreg:$0x3];
	s4 =	simm.s32 $0x0;
	s15 =	simm.s32 $0x5000  }
0x5: {  	s16 =	simm.s32 $0x1;
	s17 =	simm.s32 $0x20;
	s18 =	simm.s32 $0x10  }
0x6: {  	s19 =	simm.s32 $0x0;
	s5 =	sand.u32 $0x1, s0;
	s0 =	stileid.u32  }
0x7: {  	[smem:$0x7FF] =	sst s4;
	s2 =	sshll.u32 s5, $0x4;
	s9 =	smul.u32 $0x500, s0  }
0x8: {  	s10 =	smul.u32 $0x280, s0;
	s11 =	sshll.u32 s5, $0x7;
	s5 =	ssub.s32 $0x2, s5  }
0x9: {  	s31 =	sshll.u32 s0, $0x6;
	s2 =	sor.u32 s0, s2;
	s30 =	sshrl.u32 s5, $0x1  }
0xa: {  	s8 =	smul.u32 $0x500, s2;
	s2 =	rddreg [dreg:$0x4];
	_ =	strace $0x80000050  }
0xb: {  	s9 =	sor.u32 s11, s9;
	s29 =	sshrl.u32 s10, $0x3;
	s13 =	ssub.s32 s5, s30  }
0xc: {  	s14 =	sadd.s32 s10, s3;
	s9 =	sshrl.u32 s9, $0x3;
	s11 =	sadd.s32 s29, s6  }
0xd: {  	s10 =	smax.u32 s13, $0x1;
	s13 =	simm.s32 $0x2800;
	s12 =	sadd.s32 s8, s6  }
0xe: {  	s9 =	sadd.s32 s9, s6;
	s5 =	sadd.s32 $0xDC00, s11;
	s6 =	sor.u32 $0x1C02, s31  }
0xf: {  	s7 =	sadd.s32 s7, s8;
	s11 =	sshrl.u32 s14, $0x3;
	s14 =	simm.s32 $0x80  }
0x10: {  	s8 =	sadd.s32 $0x3C00, s12;
	s9 =	sadd.s32 $0xAE200, s9;
	s12 =	simm.s32 $0x2  }
.LBB2_1:
0x11: {  	[spmem:s11], [sflag:s6] =	dma.local [hbm:s5], $0x50  }
0x12: {  	_ =	swait.ge [sflag:s12], $0x50  }
0x13: {  	[sflag:s12] =	ssyncset.done $0x0  }
0x14: {  	[sflag:s12] =	ssyncadd.s32 $0xFFFFFFB0  }
0x15: {  	[tilespmem:s4], [sflag:$0x2] =	stream.linear.gather [hbm4b:s7+s4], $0x2780, $0x38;
	[tilespmem:$0x5300] =	vst v63  }
0x16: {  	_ =	swait.ge [sflag:s12], $0x2780  }
0x17: {  	[sflag:s12] =	ssyncset.done $0x0  }
0x18: {  	[sflag:s12] =	ssyncadd.s32 $0xFFFFD880  }
0x19: {  	[tilespmem:s13], [sflag:$0x2] =	stream.linear.gather [hbm4b:s8+s4], $0x2780, $0x38;
	[tilespmem:$0x5300] =	vst v63  }
0x1a: {  	_ =	swait.ge [sflag:s12], $0x2780  }
0x1b: {  	[sflag:s12] =	ssyncset.done $0x0  }
0x1c: {  	[sflag:s12] =	ssyncadd.s32 $0xFFFFD880  }
0x1d: {  	[bflag:$0x0] =	sbarrier.arrive $0xFFFF  }
0x1e: {  	_ =	sdelay $0x7ff  }
0x1f: {  	_ =	sdelay $0x7ff  }
0x20: {  	s20 =	simm.s32 $0x0;
	_ =	sdelay $0x5ad  }
0x21: {  	[tilespmem:s15], [sflag:$0x1] =	stream.indirect.gather [hbm4b:s1+s14], $0x1, s20, s14, $0xb8;
	[tilespmem:$0x5300] =	vst v63  }
0x22: {  	_ =	swait.ge [sflag:s16], $0x80  }
0x23: {  	[sflag:s16] =	ssyncset.done $0x0  }
0x24: {  	s31 =	simm.s32 $0x2800;
	[sflag:s16] =	ssyncadd.s32 $0xFFFFFF80  }
0x25: {  	[spmem:s3] =	stream.indirect.scatter.add.f32 [tilespmem:s15], [sflag:$0x2], $0x1, s31, s14, $0xb8;
	[tilespmem:$0x5300] =	vst v63  }
0x26: {  	_ =	swait.ge [sflag:s12], $0x80  }
0x27: {  	s21 =	simm.s32 $0x400;
	s20 =	simm.s32 $0x200;
	[sflag:s12] =	ssyncset.done $0x0  }
.LBB2_2:
0x28: {  	s22 =	sshra.s32 s20, $0x2  }
0x29: {  	[sflag:s12] =	ssyncadd.s32 $0xFFFFFF80;
	s20 =	smov.u32 s21;
	s23 =	sadd.s32 $0x200, s21  }
0x2a: {  	[tilespmem:s15], [sflag:$0x1] =	stream.indirect.gather [hbm4b:s1+s14], $0x1, s22, s14, $0xb8;
	[tilespmem:$0x5300] =	vst v63  }
0x2b: {  	p0 =	sne.s32 s21, $0x9C00;
	_ =	swait.ge [sflag:s16], $0x80  }
.Ltmp0:
0x2c: {  	[sflag:s16] =	ssyncset.done $0x0;
	(pc) =	sbr.rel @p0 .LBB2_2-.Ltmp0, $4  }
0x2d: {  	s21 =	sadd.s32 $0x2800, s22;
	[sflag:s16] =	ssyncadd.s32 $0xFFFFFF80  }
0x2e: {  	[spmem:s3] =	stream.indirect.scatter.add.f32 [tilespmem:s15], [sflag:$0x2], $0x1, s21, s14, $0xb8;
	[tilespmem:$0x5300] =	vst v63  }
0x2f: {  	_ =	swait.ge [sflag:s12], $0x80  }
0x30: {  	s21 =	smov.u32 s23;
	[sflag:s12] =	ssyncset.done $0x0  }
0x31: {  	s20 =	sshra.s32 s20, $0x2;
	[sflag:s12] =	ssyncadd.s32 $0xFFFFFF80  }
0x32: {  	[tilespmem:s15], [sflag:$0x1] =	stream.indirect.gather [hbm4b:s1+s14], $0x1, s20, s14, $0xb8;
	[tilespmem:$0x5300] =	vst v63  }
0x33: {  	_ =	swait.ge [sflag:s16], $0x80  }
0x34: {  	[sflag:s16] =	ssyncset.done $0x0  }
0x35: {  	s20 =	sadd.s32 $0x2800, s20;
	[sflag:s16] =	ssyncadd.s32 $0xFFFFFF80  }
0x36: {  	[spmem:s3] =	stream.indirect.scatter.add.f32 [tilespmem:s15], [sflag:$0x2], $0x1, s20, s14, $0xb8;
	[tilespmem:$0x5300] =	vst v63  }
0x37: {  	_ =	swait.ge [sflag:s12], $0x80  }
0x38: {  	[sflag:s12] =	ssyncset.done $0x0  }
0x39: {  	[sflag:s12] =	ssyncadd.s32 $0xFFFFFF80  }
0x3a: {  	[bflag:$0x0] =	sbarrier.arrive $0xFFFF  }
0x3b: {  	s19 =	sadd.s32 $0x1, s19;
	_ =	sdelay $0x7ff  }
0x3c: {  	p0 =	sne.s32 s19, s10;
	_ =	sdelay $0x7ff  }
.Ltmp1:
0x3d: {  	_ =	sdelay $0x5ad;
	(pc) =	sbr.rel @p0 .LBB2_1-.Ltmp1, $4  }
0x3e: {  	[hbm:s9@s17], [sflag:s6] =	dma.strided [spmem:s11@s18], $0x50, s16, $0x10   }
0x3f: {  	_ =	swait.ge [sflag:s12], $0x50  }
0x40: {  	[sflag:s12] =	ssyncset.done $0x0  }
0x41: {  	[sflag:s12] =	ssyncadd.s32 $0xFFFFFFB0  }
0x42: {  	_ =	sfence.sel $0x180000  }
0x43: {  	[bflag:$0x0] =	sbarrier.arrive $0xFFFF  }
0x44: {  	p0 =	sne.s32 s0, $0x0;
	_ =	strace $0x90000050  }
0x45: {  	s0 =	sadd.s32 @!p0 $0x100000, s2;
	[bflag:$0x2] =	sbarrier.arrive $0xFFFF  }
0x46: {  	[sflag:s0] =	ssyncadd.tile.s32 @!p0 $0x1;
	_ =	shalt  }
.Lfunc_end2:
_tile_overlayer_lowered:
.L_overlay_start_2:
0x47: {  	(tag) =	ssettag $0x2  }
0x48: {  	s0 =	rddreg [dreg:$0x0];
	s2 =	stileid.u32  }
0x49: {  	s1 =	rddreg [dreg:$0x1];
	p0 =	sne.s32 s2, $0x0  }
0x4a: {  	s3 =	rddreg [dreg:$0x2];
	[bflag:$0x3] =	sbarrier.arrive $0xFFFF;
	s2 =	simm.s32 @!p0 $0x1C02  }
0x4b: {  	[timem:s3], [sflag:s2] =	dma.local @!p0 [hbm:s0], s1  }
0x4c: {  	s0 =	simm.s32 @!p0 $0x2  }
0x4d: {  	_ =	swait.ge @!p0 [sflag:s0], s1  }
0x4e: {  	s1 =	ssub.s32 @!p0 $0x0, s1;
	[sflag:s0] =	ssyncset.done @!p0 $0x0  }
0x4f: {  	[sflag:s0] =	ssyncadd.s32 @!p0 s1  }
0x50: {  	[bflag:$0x3] =	sbarrier.arrive $0xFFFF  }
0x51: {  	_ =	shalt  }

// kernel: kernel.25.cloned.1.call-start
scs
__scs_entry_jumppad:
0x0: {  	(pc) =	sbr.rel $0x88, $3  }
0x1: {  	(tag) =	ssettag $0x0;
	lr =	simm.s32 $0x1  }
0x2: {  	[smem:$0x3F95] =	sst lr;
	_ =	strace $0xD0000000  }
0x3: {  	_ = 	snop  }
0x4: {  	_ = 	snop  }
0x5: {  	_ = 	snop  }
0x6: {  	_ = 	snop  }
0x7: {  	_ = 	snop  }
__scs_overlays_trampoline_lowered:
0x8: {  	[smem:$0x3FA4] =	sst s0  }
0x9: {  	[smem:$0x3FA5] =	sst s1  }
0xa: {  	[smem:$0x3FA6] =	sst s2  }
0xb: {  	[smem:$0x3FA7] =	sst s3  }
0xc: {  	[smem:$0x3FA8] =	sst s4  }
0xd: {  	[smem:$0x3FA9] =	sst s5  }
0xe: {  	[smem:$0x3FAA] =	sst s6  }
0xf: {  	[smem:$0x3FAB] =	sst s7  }
0x10: {  	[smem:$0x3FAC] =	sst s8  }
0x11: {  	[smem:$0x3FAD] =	sst s9;
	s0 =	simm.s32 @!p0 $0x0  }
0x12: {  	s1 =	sld [smem:$0x3F93];
	s0 =	simm.s32 @p0 $0x1  }
0x13: {  	[smem:$0x3FAE] =	sst s0;
	s0 =	simm.s32 @!p1 $0x0  }
0x14: {  	s2 =	sld [smem:$0x3F92];
	s0 =	simm.s32 @p1 $0x1  }
0x15: {  	[smem:$0x3FAF] =	sst s0;
	s0 =	simm.s32 @!p2 $0x0  }
0x16: {  	s3 =	sld [smem:$0x3FDB];
	s0 =	simm.s32 @p2 $0x1  }
0x17: {  	s4 =	simm.s32 $0x1BF5;
	[smem:$0x3FB1] =	sst s0  }
0x18: {  	s0 =	sld [smem:$0x3F94];
	_ =	swait.ge [sflag:s4], $0x0  }
0x19: {  	s7 =	sld [smem:$0x3F95]  }
0x1a: {  	s8 =	sadd.s32 $0xFFFFE003, lr  }
0x1b: {  	s9 =	sadd.s32 $0xFFFFFEF7, lr;
	s5 =	simm.s32 $0xFFFFFFFF;
	p2 =	slt.u32 s8, $0xFFFFF086  }
0x1c: {  	p1 =	slt.u32 s9, $0xF7A;
	s5 =	simm.s32 @!p2 $0x0  }
0x1d: {  	s5 =	simm.s32 @p1 $0x1;
	p0 =	seq.s32 s7, s2  }
0x1e: {  	s7 =	smul.u32 @!p0 $0xF7A, s2;
	p2 =	seq.s32 @!p0 s5, $0x0  }
0x1f: {  	s9 =	smul.u32 $0xF7A, s1;
	s8 =	simm.s32 @!p0 $0x1BF5;
	p2 =	por !p2, p0  }
0x20: {  	[sflag:s8] =	ssyncset.s32 @!p0 $0xFFFFF086;
	s6 =	sadd.s32 @!p0 s3, s7;
	s7 =	simm.s32 @!p0 $0x108  }
0x21: {  	s3 =	sadd.s32 s3, s9;
	s6 =	sadd.s32 @!p0 $0x88, s6;
	s7 =	simm.s32 @p2 $0x1082  }
0x22: {  	[simem:s7], [sflag:s8] =	dma.local @!p0 [hbm:s6], $0xF7A  }
0x23: {  	s9 =	sor.u32 $0xD0000000, s2;
	s6 =	simm.s32 $0x108;
	_ =	swait.ge @!p0 [sflag:s8], $0x0  }
0x24: {  	s3 =	sadd.s32 $0x88, s3;
	s6 =	simm.s32 @!p1 $0x1082;
	[sflag:s4] =	ssyncset.s32 $0xFFFFF086  }
0x25: {  	[simem:s6], [sflag:s4] =	dma.local [hbm:s3], $0xF7A  }
0x26: {  	[smem:$0x3F95] =	sst s1;
	(tag) =	ssettag s2;
	_ =	strace s9  }
0x27: {  	s1 =	sld [smem:$0x3FA5]  }
0x28: {  	s2 =	sld [smem:$0x3FA6]  }
0x29: {  	s4 =	sld [smem:$0x3FA8]  }
0x2a: {  	p0 =	seq.s32 s5, $0x0;
	s5 =	sld [smem:$0x3FA9]  }
0x2b: {  	s6 =	sld [smem:$0x3FAA]  }
0x2c: {  	s7 =	sld [smem:$0x3FAB]  }
0x2d: {  	s3 =	simm.s32 $0x108;
	s8 =	sld [smem:$0x3FAC]  }
0x2e: {  	s3 =	simm.s32 @!p0 $0x1082;
	s9 =	sld [smem:$0x3FAD]  }
0x2f: {  	lr =	sadd.s32 s0, s3;
	s0 =	sld [smem:$0x3FA4]  }
0x30: {  	s3 =	sld [smem:$0x3FA7]  }
0x31: {  	[smem:$0x3FB0] =	sst s10  }
0x32: {  	s10 =	sld [smem:$0x3FAE];
	_ =	sdelay $0x3  }
0x33: {  	p0 =	seq.s32 s10, $0x1;
	s10 =	sld [smem:$0x3FB0];
	_ =	sdelay $0x3  }
0x34: {  	[smem:$0x3FB0] =	sst s10  }
0x35: {  	s10 =	sld [smem:$0x3FAF];
	_ =	sdelay $0x3  }
0x36: {  	p1 =	seq.s32 s10, $0x1;
	s10 =	sld [smem:$0x3FB0];
	_ =	sdelay $0x3  }
0x37: {  	[smem:$0x3FB0] =	sst s10  }
0x38: {  	s10 =	sld [smem:$0x3FB1]  }
0x39: {  	_ = 	snop;
	(pc) =	sbr.ind lr, $3  }
0x3a: {  	_ = 	snop  }
0x3b: {  	_ = 	snop  }
0x3c: {  	p2 =	seq.s32 s10, $0x1;
	s10 =	sld [smem:$0x3FB0]  }
0x3d: {  	_ =	shalt  }
0x3e: {  	_ =	shalt  }
0x3f: {  	_ =	shalt  }
0x40: {  	_ =	shalt  }
0x41: {  	_ =	shalt  }
0x42: {  	_ =	shalt  }
0x43: {  	_ =	shalt  }
0x44: {  	_ =	shalt  }
0x45: {  	_ =	shalt  }
0x46: {  	_ =	shalt  }
0x47: {  	_ =	shalt  }
0x48: {  	_ =	shalt  }
0x49: {  	_ =	shalt  }
0x4a: {  	_ =	shalt  }
0x4b: {  	_ =	shalt  }
0x4c: {  	_ =	shalt  }
0x4d: {  	_ =	shalt  }
0x4e: {  	_ =	shalt  }
0x4f: {  	_ =	shalt  }
0x50: {  	_ =	shalt  }
0x51: {  	_ =	shalt  }
0x52: {  	_ =	shalt  }
0x53: {  	_ =	shalt  }
0x54: {  	_ =	shalt  }
0x55: {  	_ =	shalt  }
0x56: {  	_ =	shalt  }
0x57: {  	_ =	shalt  }
0x58: {  	_ =	shalt  }
0x59: {  	_ =	shalt  }
0x5a: {  	_ =	shalt  }
0x5b: {  	_ =	shalt  }
0x5c: {  	_ =	shalt  }
0x5d: {  	_ =	shalt  }
0x5e: {  	_ =	shalt  }
0x5f: {  	_ =	shalt  }
0x60: {  	_ =	shalt  }
0x61: {  	_ =	shalt  }
0x62: {  	_ =	shalt  }
0x63: {  	_ =	shalt  }
0x64: {  	_ =	shalt  }
0x65: {  	_ =	shalt  }
0x66: {  	_ =	shalt  }
0x67: {  	_ =	shalt  }
0x68: {  	_ =	shalt  }
0x69: {  	_ =	shalt  }
0x6a: {  	_ =	shalt  }
0x6b: {  	_ =	shalt  }
0x6c: {  	_ =	shalt  }
0x6d: {  	_ =	shalt  }
0x6e: {  	_ =	shalt  }
0x6f: {  	_ =	shalt  }
0x70: {  	_ =	shalt  }
0x71: {  	_ =	shalt  }
0x72: {  	_ =	shalt  }
0x73: {  	_ =	shalt  }
0x74: {  	_ =	shalt  }
0x75: {  	_ =	shalt  }
0x76: {  	_ =	shalt  }
0x77: {  	_ =	shalt  }
0x78: {  	_ =	shalt  }
0x79: {  	_ =	shalt  }
0x7a: {  	_ =	shalt  }
0x7b: {  	_ =	shalt  }
0x7c: {  	_ =	shalt  }
0x7d: {  	_ =	shalt  }
0x7e: {  	_ =	shalt  }
0x7f: {  	_ =	shalt  }
0x80: {  	_ =	shalt  }
0x81: {  	_ =	shalt  }
0x82: {  	_ =	shalt  }
0x83: {  	_ =	shalt  }
0x84: {  	_ =	shalt  }
0x85: {  	_ =	shalt  }
0x86: {  	_ =	shalt  }
0x87: {  	_ =	shalt  }
.Lfunc_end0:
.L_simem_size_0:
called_computation.4_lowered:
.L_overlay_start_0:
0x88: {  	s2 =	sld [smem:$0x3FD9]  }
0x89: {  	s3 =	sld [smem:$0x3FFE];
	_ =	sdelay $0x1  }
0x8a: {  	s1 =	srdreg.scid  }
0x8b: {  	s0 =	sand.u32 $0x1, s1  }
0x8c: {  	s14 =	sshll.u32 s0, $0xA;
	s2 =	sadd.s32 s3, s2  }
0x8d: {  	s2 =	sadd.s32 s2, s14  }
0x8e: {  	[smem:$0x3FBC] =	sst s2  }
0x8f: {  	_ = 	snop  }
0x90: {  	s2 =	sld [smem:$0x3FD0];
	_ =	sdelay $0x2  }
0x91: {  	s15 =	simm.s32 $0xA;
	s4 =	simm.s32 $0x10  }
0x92: {  	[smem:s4], [sflag:s15] =	dma.local [hbm:s2], $0x1  }
0x93: {  	_ =	swait.eq [sflag:s15], $0x1  }
0x94: {  	[sflag:s15] =	ssyncset.done $0x0  }
0x95: {  	[sflag:s15] =	ssyncadd.s32 $0xFFFFFFFF  }
0x96: {  	s16 =	sld [smem:$0x10];
	(tm) =	ssettm $0x1  }
0x97: {  	s17 =	sld [smem:$0x3FFB];
	_ =	sdelay $0x3  }
0x98: {  	_ =	strace s17  }
0x99: {  	s3 =	sld [smem:$0x3FFC];
	_ =	sdelay $0x3  }
0x9a: {  	_ =	strace s3  }
0x9b: {  	s3 =	sld [smem:$0x3FFD];
	_ =	sdelay $0x3  }
0x9c: {  	_ =	strace s3  }
0x9d: {  	_ =	strace $0x8FFFFFFF  }
0x9e: {  	s18 =	sld [smem:$0x3FDB];
	_ =	sdelay $0x1  }
0x9f: {  	s19 =	simm.s32 $_scs_section_size  }
0xa0: {  	s5 =	simm.s32 $_size__tile_overlayer_lowered;
	s6 =	simm.s32 $_tile_overlayer_lowered  }
0xa1: {  	s22 =	simm.s32 $0x1BFF;
	s21 =	sshll.u32 s6, $0x1;
	s3 =	sadd.s32 s19, s18  }
0xa2: {  	s7 =	simm.s32 $0x0;
	s20 =	sshll.u32 s5, $0x1;
	s5 =	sadd.s32 s21, s3  }
0xa3: {  	[timem:s7], [sflag:s22] =	dma.local [hbm:s5], s20  }
0xa4: {  	_ =	swait.ge [sflag:s22], s20  }
0xa5: {  	s4 =	ssub.s32 $0x0, s20;
	[sflag:s22] =	ssyncset.done $0x0  }
0xa6: {  	[sflag:s22] =	ssyncadd.s32 s4;
	_ =	sdelay $0x1  }
0xa7: {  	s23 =	simm.s32 $0x1B8B  }
0xa8: {  	_ =	swait.ge [sflag:s23], $0x1  }
0xa9: {  	[sflag:s23] =	ssyncset.done $0x0  }
0xaa: {  	s25 =	simm.s32 $0x1B8E;
	s24 =	sld [smem:$0x3FFE];
	[sflag:s23] =	ssyncadd.s32 $0xFFFFFFFF  }
0xab: {  	s26 =	simm.s32 $execute0_lowered;
	[smem:$0x3FD2] =	sst s25  }
0xac: {  	s5 =	sshll.u32 s26, $0x1;
	_ =	strace $0x80000052;
	[dreg:$0x1] =	wrdreg $0xFFFFFFFF  }
0xad: {  	s28 =	simm.s32 $_size_execute0_lowered;
	s3 =	sadd.s32 s3, s5;
	[dreg:$0x0] =	wrdreg $0x0  }
0xae: {  	s5 =	sshll.u32 s28, $0x1;
	[dreg:$0x2] =	wrdreg s3  }
0xaf: {  	[dreg:$0x3] =	wrdreg s5  }
0xb0: {  	[dreg:$0x4] =	wrdreg $0xC0  }
0xb1: {  	_ =	task [dreg:s7], $0x5FFFF  }
0xb2: {  	[dreg:$0x1] =	wrdreg $0xFFFFFFFF  }
0xb3: {  	[dreg:$0x0] =	wrdreg $0x60  }
0xb4: {  	[dreg:$0x2] =	wrdreg s24  }
0xb5: {  	[dreg:$0x3] =	wrdreg s16  }
0xb6: {  	[dreg:$0x4] =	wrdreg $0x90000  }
0xb7: {  	[dreg:$0x5] =	wrdreg $0x9  }
0xb8: {  	_ =	task.clear_ibuf [dreg:s7], $0x6FFFF;
	_ =	strace $0x90000052  }
0xb9: {  	s29 =	simm.s32 $0x9;
	_ =	strace $0x80000054  }
0xba: {  	_ =	swait.ge [sflag:s29], $0x1  }
0xbb: {  	[sflag:s29] =	ssyncadd.s32 $0xFFFFFFFF  }
0xbc: {  	_ =	strace $0x90000054  }
0xbd: {  	_ =	sfence  }
0xbe: {  	s30 =	sld [smem:$0x0];
	_ =	sdelay $0x2  }
0xbf: {  	s31 =	sshll.u32 s1, $0xD;
	s1 =	sshrl.u32 s1, $0x2  }
0xc0: {  	s3 =	sand.u32 $0x4000, s31;
	s1 =	sadd.s32 s1, s30  }
0xc1: {  	s0 =	sor.u32 s3, s0;
	s1 =	sshll.u32 s1, $0x11  }
0xc2: {  	s0 =	sor.u32 s1, s0  }
0xc3: {  	s0 =	sadd.s32 $0x8F2B, s0  }
0xc4: {  	[sflag:s0] =	ssyncadd.remote.s32 $0x1  }
0xc5: {  	_ =	sfence.sel $0xFFFF  }
0xc6: {  	[dreg:$0x0] =	wrdreg $0xFFFFFFFF;
	(pc) =	sbr.abs _section_cstart, $3  }
0xc7: {  	[dreg:$0x1] =	wrdreg $0xFFFFFFFF  }
0xc8: {  	_ =	task.clear_ibuf [dreg:s7], $0x2FFFF;
	_ =	strace $0x9FFFFFFF  }
0xc9: {  	(tm) =	ssettm $0x7FFFFFFF  }
tec
execute0_lowered:
.L_overlay_start_1:
0x0: {  	(tag) =	ssettag $0x1  }
0x1: {  	s5 =	rddreg [dreg:$0x0]  }
0x2: {  	s0 =	srdreg.scid;
	s7 =	rddreg [dreg:$0x1]  }
0x3: {  	s2 =	rddreg [dreg:$0x2];
	s3 =	simm.s32 $0x0;
	s15 =	simm.s32 $0x5000  }
0x4: {  	s16 =	simm.s32 $0x1;
	s6 =	sand.u32 $0x1, s0;
	s0 =	stileid.u32  }
0x5: {  	s17 =	simm.s32 $0x0;
	[smem:$0x7FF] =	sst s3;
	s9 =	smul.u32 $0x14000, s0  }
0x6: {  	s1 =	sshll.u32 s6, $0x4;
	s10 =	smul.u32 $0x140000, s6;
	s6 =	ssub.s32 $0x2, s6  }
0x7: {  	s29 =	smul.u32 $0x50000, s0;
	s31 =	sshll.u32 s0, $0x6;
	s4 =	sor.u32 s0, s1  }
0x8: {  	s1 =	rddreg [dreg:$0x3];
	_ =	strace $0x80000053;
	s13 =	sshrl.u32 s6, $0x1  }
0x9: {  	s8 =	smul.u32 $0x500, s4;
	s4 =	sadd.s32 $0xDC00, s5;
	s12 =	sshrl.u32 s9, $0x3  }
0xa: {  	s9 =	sadd.s32 s9, s10;
	s13 =	ssub.s32 s6, s13;
	s30 =	sshrl.u32 s29, $0x2  }
0xb: {  	s6 =	sor.u32 $0x1C02, s31;
	s12 =	sadd.s32 s12, s5;
	s9 =	sshrl.u32 s9, $0x3  }
0xc: {  	s14 =	sadd.s32 s30, s2;
	s10 =	smax.u32 s13, $0x1;
	s13 =	simm.s32 $0x2800  }
0xd: {  	s11 =	sadd.s32 s8, s5;
	s9 =	sadd.s32 s9, s5;
	s5 =	sadd.s32 $0x5E200, s12  }
0xe: {  	s7 =	sadd.s32 s7, s8;
	s12 =	simm.s32 $0x2;
	s8 =	sadd.s32 $0x3C00, s11  }
0xf: {  	s9 =	sadd.s32 $0xAE200, s9;
	s11 =	sshrl.u32 s14, $0x3;
	s14 =	simm.s32 $0x80  }
.LBB2_1:
0x10: {  	[spmem:s11], [sflag:s6] =	dma.local [hbm:s5], $0x2800  }
0x11: {  	_ =	swait.ge [sflag:s12], $0x2800  }
0x12: {  	[sflag:s12] =	ssyncset.done $0x0  }
0x13: {  	[sflag:s12] =	ssyncadd.s32 $0xFFFFD800  }
0x14: {  	[tilespmem:s3], [sflag:$0x2] =	stream.linear.gather [hbm4b:s7+s3], $0x2780, $0x38;
	[tilespmem:$0x1D000] =	vst v63  }
0x15: {  	_ =	swait.ge [sflag:s12], $0x2780  }
0x16: {  	[sflag:s12] =	ssyncset.done $0x0  }
0x17: {  	[sflag:s12] =	ssyncadd.s32 $0xFFFFD880  }
0x18: {  	[tilespmem:s13], [sflag:$0x2] =	stream.linear.gather [hbm4b:s8+s3], $0x2780, $0x38;
	[tilespmem:$0x1D000] =	vst v63  }
0x19: {  	_ =	swait.ge [sflag:s12], $0x2780  }
0x1a: {  	[sflag:s12] =	ssyncset.done $0x0  }
0x1b: {  	[sflag:s12] =	ssyncadd.s32 $0xFFFFD880  }
0x1c: {  	[bflag:$0x0] =	sbarrier.arrive $0xFFFF  }
0x1d: {  	_ =	sdelay $0x7ff  }
0x1e: {  	_ =	sdelay $0x7ff  }
0x1f: {  	s18 =	simm.s32 $0x0;
	_ =	sdelay $0x5ad  }
0x20: {  	[tilespmem:s15], [sflag:$0x1] =	stream.indirect.gather [hbm4b:s4+s14], $0x80, s18, s14, $0xb8;
	[tilespmem:$0x1D000] =	vst v63  }
0x21: {  	_ =	swait.ge [sflag:s16], $0x4000  }
0x22: {  	[sflag:s16] =	ssyncset.done $0x0  }
0x23: {  	s31 =	simm.s32 $0x2800;
	[sflag:s16] =	ssyncadd.s32 $0xFFFFC000  }
0x24: {  	[spmem:s2] =	stream.indirect.scatter.add.f32 [tilespmem:s15], [sflag:$0x2], $0x80, s31, s14, $0xb8;
	[tilespmem:$0x1D000] =	vst v63  }
0x25: {  	_ =	swait.ge [sflag:s12], $0x4000  }
0x26: {  	s19 =	simm.s32 $0x400;
	s18 =	simm.s32 $0x200;
	[sflag:s12] =	ssyncset.done $0x0  }
.LBB2_2:
0x27: {  	s20 =	sshra.s32 s18, $0x2  }
0x28: {  	[sflag:s12] =	ssyncadd.s32 $0xFFFFC000;
	s18 =	smov.u32 s19;
	s21 =	sadd.s32 $0x200, s19  }
0x29: {  	[tilespmem:s15], [sflag:$0x1] =	stream.indirect.gather [hbm4b:s4+s14], $0x80, s20, s14, $0xb8;
	[tilespmem:$0x1D000] =	vst v63  }
0x2a: {  	p0 =	sne.s32 s19, $0x9C00;
	_ =	swait.ge [sflag:s16], $0x4000  }
.Ltmp0:
0x2b: {  	[sflag:s16] =	ssyncset.done $0x0;
	(pc) =	sbr.rel @p0 .LBB2_2-.Ltmp0, $4  }
0x2c: {  	s19 =	sadd.s32 $0x2800, s20;
	[sflag:s16] =	ssyncadd.s32 $0xFFFFC000  }
0x2d: {  	[spmem:s2] =	stream.indirect.scatter.add.f32 [tilespmem:s15], [sflag:$0x2], $0x80, s19, s14, $0xb8;
	[tilespmem:$0x1D000] =	vst v63  }
0x2e: {  	_ =	swait.ge [sflag:s12], $0x4000  }
0x2f: {  	s19 =	smov.u32 s21;
	[sflag:s12] =	ssyncset.done $0x0  }
0x30: {  	s18 =	sshra.s32 s18, $0x2;
	[sflag:s12] =	ssyncadd.s32 $0xFFFFC000  }
0x31: {  	[tilespmem:s15], [sflag:$0x1] =	stream.indirect.gather [hbm4b:s4+s14], $0x80, s18, s14, $0xb8;
	[tilespmem:$0x1D000] =	vst v63  }
0x32: {  	_ =	swait.ge [sflag:s16], $0x4000  }
0x33: {  	[sflag:s16] =	ssyncset.done $0x0  }
0x34: {  	s18 =	sadd.s32 $0x2800, s18;
	[sflag:s16] =	ssyncadd.s32 $0xFFFFC000  }
0x35: {  	[spmem:s2] =	stream.indirect.scatter.add.f32 [tilespmem:s15], [sflag:$0x2], $0x80, s18, s14, $0xb8;
	[tilespmem:$0x1D000] =	vst v63  }
0x36: {  	_ =	swait.ge [sflag:s12], $0x4000  }
0x37: {  	[sflag:s12] =	ssyncset.done $0x0  }
0x38: {  	[sflag:s12] =	ssyncadd.s32 $0xFFFFC000  }
0x39: {  	[bflag:$0x0] =	sbarrier.arrive $0xFFFF  }
0x3a: {  	s17 =	sadd.s32 $0x1, s17;
	_ =	sdelay $0x7ff  }
0x3b: {  	p0 =	sne.s32 s17, s10;
	_ =	sdelay $0x7ff  }
.Ltmp1:
0x3c: {  	_ =	sdelay $0x5ad;
	(pc) =	sbr.rel @p0 .LBB2_1-.Ltmp1, $4  }
0x3d: {  	[hbm:s9], [sflag:s6] =	dma.local [spmem:s11], $0x2800  }
0x3e: {  	_ =	swait.ge [sflag:s12], $0x2800  }
0x3f: {  	[sflag:s12] =	ssyncset.done $0x0  }
0x40: {  	[sflag:s12] =	ssyncadd.s32 $0xFFFFD800  }
0x41: {  	_ =	sfence.sel $0x180000  }
0x42: {  	[bflag:$0x0] =	sbarrier.arrive $0xFFFF  }
0x43: {  	p0 =	sne.s32 s0, $0x0;
	_ =	strace $0x90000053  }
0x44: {  	s0 =	sadd.s32 @!p0 $0x100000, s1;
	[bflag:$0x2] =	sbarrier.arrive $0xFFFF  }
0x45: {  	[sflag:s0] =	ssyncadd.tile.s32 @!p0 $0x1;
	_ =	shalt  }
.Lfunc_end2:
_tile_overlayer_lowered:
.L_overlay_start_2:
0x46: {  	(tag) =	ssettag $0x2  }
0x47: {  	s0 =	rddreg [dreg:$0x0];
	s2 =	stileid.u32  }
0x48: {  	s1 =	rddreg [dreg:$0x1];
	p0 =	sne.s32 s2, $0x0  }
0x49: {  	s3 =	rddreg [dreg:$0x2];
	[bflag:$0x3] =	sbarrier.arrive $0xFFFF;
	s2 =	simm.s32 @!p0 $0x1C02  }
0x4a: {  	[timem:s3], [sflag:s2] =	dma.local @!p0 [hbm:s0], s1  }
0x4b: {  	s0 =	simm.s32 @!p0 $0x2  }
0x4c: {  	_ =	swait.ge @!p0 [sflag:s0], s1  }
0x4d: {  	s1 =	ssub.s32 @!p0 $0x0, s1;
	[sflag:s0] =	ssyncset.done @!p0 $0x0  }
0x4e: {  	[sflag:s0] =	ssyncadd.s32 @!p0 s1  }
0x4f: {  	[bflag:$0x3] =	sbarrier.arrive $0xFFFF  }
0x50: {  	_ =	shalt  }

</sc_bundles>
